<compile_context>
chip_gen: v7x
topology: tpu7x:2x2x1
jax: 0.10.2.dev20260603
libtpu: 0.0.44.dev20260713+nightly
codegen_flags: <defaults>
</compile_context>

<pallas_src>
import dataclasses
import functools

import jax
import jax.numpy as jnp
from jax import lax
from jax.experimental import pallas as pl
from jax.experimental.pallas import tpu as pltpu
from jax.experimental.pallas import tpu_sc as plsc


def _sc_aggregate(x, ei4, zeros_feat, zeros_deg, Np, n_per_tile):
    N, D = x.shape
    mesh = plsc.VectorSubcoreMesh(core_axis_name="c", subcore_axis_name="s")
    NC, NS = mesh.num_cores, mesh.num_subcores
    NW = NC * NS
    _, nch, _, C = ei4.shape
    assert nch >= 5
    main = (nch // 12) * 12

    @functools.partial(
        pl.kernel,
        out_type=(
            jax.ShapeDtypeStruct((NC, Np, D), jnp.float32),
            jax.ShapeDtypeStruct((NW, 1, Np), jnp.float32),
        ),
        mesh=mesh,
        scratch_types=[
            pltpu.VMEM((2, C), jnp.int32),
            pltpu.VMEM((2, C), jnp.int32),
            pltpu.VMEM((2, C), jnp.int32),
            pltpu.VMEM((2, C), jnp.int32),
            pltpu.VMEM((C, D), jnp.float32),
            pltpu.VMEM((C, D), jnp.float32),
            pltpu.VMEM((C, D), jnp.float32),
            pltpu.VMEM((1, Np), jnp.float32),
            pltpu.VMEM_SHARED((Np, D), jnp.float32),
            pltpu.SemaphoreType.DMA,
            pltpu.SemaphoreType.DMA,
            pltpu.SemaphoreType.DMA,
            pltpu.SemaphoreType.DMA,
            pltpu.SemaphoreType.DMA,
            pltpu.SemaphoreType.DMA,
            pltpu.SemaphoreType.DMA,
            pltpu.SemaphoreType.DMA,
            pltpu.SemaphoreType.DMA,
            pltpu.SemaphoreType.DMA,
        ],
        compiler_params=dataclasses.replace(pltpu.CompilerParams(),
                                            needs_layout_passes=False),
    )
    def agg_kernel(x_hbm, ei_hbm, zf_hbm, zd_hbm, agg_out, deg_out,
                   idx0, idx1, idx2, idx3, rows0, rows1, rows2, deg_v, agg_sh,
                   sem_i0, sem_i1, sem_i2, sem_i3,
                   sem_g0, sem_g1, sem_g2, sem_s0, sem_s1, sem_s2):
        core = lax.axis_index("c")
        sub = lax.axis_index("s")
        wid = core * NS + sub
        base_n = sub * n_per_tile
        idxb = (idx0, idx1, idx2, idx3)
        sem_i = (sem_i0, sem_i1, sem_i2, sem_i3)
        rows = (rows0, rows1, rows2)
        sem_g = (sem_g0, sem_g1, sem_g2)
        sem_s = (sem_s0, sem_s1, sem_s2)

        def idx_copy(c, b4):
            return pltpu.make_async_copy(ei_hbm.at[wid, c], idxb[b4],
                                         sem_i[b4])

        def gather(c, rb, b4):
            return pltpu.make_async_copy(x_hbm.at[idxb[b4].at[0]], rows[rb],
                                         sem_g[rb])

        def scatter_wait(rb, b4):
            pltpu.make_async_copy(rows[rb], agg_sh.at[idxb[b4].at[1]],
                                  sem_s[rb]).wait()

        idx_copy(0, 0).start()
        idx_copy(1, 1).start()
        idx_copy(2, 2).start()
        pltpu.sync_copy(zf_hbm, agg_sh.at[pl.ds(base_n, n_per_tile)])
        pltpu.sync_copy(zd_hbm, deg_v)
        idx_copy(0, 0).wait()
        gather(0, 0, 0).start()
        idx_copy(1, 1).wait()
        gather(1, 1, 1).start()
        plsc.subcore_barrier()

        zero16 = jnp.zeros((16,), jnp.int32)
        one16 = jnp.ones((16,), jnp.float32)

        def hist(b4):
            for j in range(C // 16):
                idx = idxb[b4][1, pl.ds(j * 16, 16)]
                plsc.addupdate_scatter(deg_v, [zero16, idx], one16)

        @pl.loop(0, main, step=12)
        def _(i):
            for b in range(12):
                c = i + b
                r3 = b % 3
                b4 = b % 4
                gather(c, r3, b4).wait()

                @pl.when(c >= 1)
                def _():
                    scatter_wait((b - 1) % 3, (b - 1) % 4)

                @pl.when(c + 2 < nch)
                def _():
                    idx_copy(c + 2, (b4 + 2) % 4).wait()
                    gather(c + 2, (b + 2) % 3, (b4 + 2) % 4).start()

                @pl.when(c + 3 < nch)
                def _():
                    idx_copy(c + 3, (b4 + 3) % 4).start()

                pltpu.async_copy(rows[r3], agg_sh.at[idxb[b4].at[1]],
                                 sem_s[r3], add=True)
                hist(b4)

        for c in range(main, nch):
            r3, b4 = c % 3, c % 4
            gather(c, r3, b4).wait()
            if c >= 1:
                scatter_wait((c - 1) % 3, (c - 1) % 4)
            if c + 2 < nch:
                idx_copy(c + 2, (c + 2) % 4).wait()
                gather(c + 2, (c + 2) % 3, (c + 2) % 4).start()
            if c + 3 < nch:
                idx_copy(c + 3, (c + 3) % 4).start()
            pltpu.async_copy(rows[r3], agg_sh.at[idxb[b4].at[1]],
                             sem_s[r3], add=True)
            hist(b4)
        scatter_wait((nch - 1) % 3, (nch - 1) % 4)

        plsc.subcore_barrier()
        pltpu.sync_copy(agg_sh.at[pl.ds(base_n, n_per_tile)],
                        agg_out.at[core, pl.ds(base_n, n_per_tile)])
        pltpu.sync_copy(deg_v, deg_out.at[wid])

    return agg_kernel(x, ei4, zeros_feat, zeros_deg)


def _tc_combine_kernel(agg_ref, deg_ref, x_ref, wl_ref, bl_ref, wr_ref, o_ref):
    agg = agg_ref[0] + agg_ref[1]
    N, D = agg.shape
    deg = jnp.sum(deg_ref[:, 0, :], axis=0, keepdims=True)
    recip = 1.0 / jnp.maximum(deg, 1.0)
    ones_row = jnp.ones((1, D), jnp.float32)
    recip_col = lax.dot_general(recip, ones_row, (((0,), (0,)), ((), ())),
                                precision=lax.Precision.HIGHEST,
                                preferred_element_type=jnp.float32)
    mean = agg * lax.slice(recip_col, (0, 0), (N, D))
    out = (jnp.dot(mean, wl_ref[...], preferred_element_type=jnp.float32)
           + bl_ref[...]
           + jnp.dot(x_ref[...], wr_ref[...], preferred_element_type=jnp.float32))
    o_ref[...] = jnp.maximum(out, 0.0)


def _tc_combine(agg_p, deg_p, x, W_l, b_l, W_r):
    N, D = x.shape
    NW, _, Np = deg_p.shape
    b2 = b_l.reshape(1, D)
    return pl.pallas_call(
        _tc_combine_kernel,
        grid=(1,),
        in_specs=[
            pl.BlockSpec((2, N, D), lambda i: (0, 0, 0)),
            pl.BlockSpec((NW, 1, Np), lambda i: (0, 0, 0)),
            pl.BlockSpec((N, D), lambda i: (0, 0)),
            pl.BlockSpec((D, D), lambda i: (0, 0)),
            pl.BlockSpec((1, D), lambda i: (0, 0)),
            pl.BlockSpec((D, D), lambda i: (0, 0)),
        ],
        out_specs=pl.BlockSpec((N, D), lambda i: (0, 0)),
        out_shape=jax.ShapeDtypeStruct((N, D), jnp.float32),
    )(agg_p, deg_p, x, W_l, b2, W_r)


def kernel(x, edge_index, W_l, b_l, W_r):
    N, D = x.shape
    NS, NW = 16, 32
    n_per_tile = (N + NS * 8 - 1) // (NS * 8) * 8
    Np = n_per_tile * NS
    E = edge_index.shape[1]
    epw = E // NW
    assert epw * NW == E and N < Np
    C = 80
    nch = (epw + C - 1) // C
    pad = nch * C - epw
    if pad:
        ei3 = edge_index.reshape(2, NW, epw)
        srcp = jnp.pad(ei3[0], ((0, 0), (0, pad)))
        dpad = N + jnp.arange(pad, dtype=jnp.int32) % (Np - N)
        dstp = jnp.concatenate(
            [ei3[1], jnp.broadcast_to(dpad, (NW, pad))], axis=1)
        ei4 = jnp.stack([srcp, dstp]).reshape(
            2, NW, nch, C).transpose(1, 2, 0, 3)
    else:
        ei4 = edge_index.reshape(2, NW, nch, C).transpose(1, 2, 0, 3)
    zeros_feat = jnp.zeros((n_per_tile, D), jnp.float32)
    zeros_deg = jnp.zeros((1, Np), jnp.float32)
    agg_p, deg_p = _sc_aggregate(x, ei4, zeros_feat, zeros_deg,
                                 Np, n_per_tile)
    return _tc_combine(agg_p, deg_p, x, W_l, b_l, W_r)

# --- scband reference (transcript-rebuilt; emitter-appended) ---
"""Pipeline reference for scband-sagelayer-88974542504019 (READ-ONLY COPY).

The authoritative reference and input builder live on the scoring server;
editing this copy changes nothing except your own understanding.
"""

import jax, jax.numpy as jnp
import numpy as np

N = 10000
E = 320000
D_IN = 128
D_OUT = 128


def setup_inputs(seed: int = 0) -> dict:
    key = jax.random.key(seed)
    k1, k2, k3, k4 = jax.random.split(key, 4)
    x = jax.random.normal(k1, (N, D_IN), dtype=jnp.float32)
    edge_index = jax.random.randint(k2, (2, E), 0, N, dtype=jnp.int32)
    # SAGEConv params: lin_l (applied to aggregated neighbors, has bias),
    # lin_r (applied to root/self features, no bias) -- matches PyG SAGEConv(root_weight=True)
    W_l = jax.random.normal(k3, (D_IN, D_OUT), dtype=jnp.float32) * 0.05
    b_l = jnp.zeros((D_OUT,), dtype=jnp.float32)
    W_r = jax.random.normal(k4, (D_IN, D_OUT), dtype=jnp.float32) * 0.05
    return {"x": x, "edge_index": edge_index, "W_l": W_l, "b_l": b_l, "W_r": W_r}


def reference(x, edge_index, W_l, b_l, W_r):
    # PyG convention: edge_index[0] = source nodes, edge_index[1] = destination nodes.
    src = edge_index[0]
    dst = edge_index[1]
    # Gather messages from source nodes.
    msgs = jnp.take(x, src, axis=0)  # [E, D_IN]
    # Mean aggregation at destination nodes: scatter-add then divide by degree.
    agg_sum = jax.ops.segment_sum(msgs, dst, num_segments=N)  # [N, D_IN]
    deg = jax.ops.segment_sum(jnp.ones((E,), dtype=x.dtype), dst, num_segments=N)  # [N]
    agg_mean = agg_sum / jnp.clip(deg, 1.0, None)[:, None]
    # SAGEConv: out = lin_l(agg_mean) + lin_r(x)
    out = agg_mean @ W_l + b_l + x @ W_r
    # activation='relu' (use_bn=False, dropout=0.0 in eval -> no-ops)
    out = jax.nn.relu(out)
    return out

if __name__ == "__main__":
    import jax
    _d = setup_inputs()
    print(jax.jit(kernel)(*tuple(_d.values())))

</pallas_src>

<mosaic_0001>
#map = affine_map<(d0, d1) -> (0, 0)>
#map1 = affine_map<(d0, d1) -> (0, 0, 0, 0)>
#map2 = affine_map<(d0, d1) -> (0, 0, 0)>
module attributes {stable_mosaic.version = 14 : i64} {
  func.func @agg_kernel(%arg0: i32, %arg1: i32, %arg2: memref<10000x128xf32, #tpu.memory_space<hbm>>, %arg3: memref<32x125x2x80xi32, #tpu.memory_space<hbm>>, %arg4: memref<632x128xf32, #tpu.memory_space<hbm>>, %arg5: memref<1x10112xf32, #tpu.memory_space<hbm>>, %arg6: memref<2x10112x128xf32, #tpu.memory_space<hbm>>, %arg7: memref<32x1x10112xf32, #tpu.memory_space<hbm>>, %arg8: memref<2x80xi32, #tpu.memory_space<vmem>>, %arg9: memref<2x80xi32, #tpu.memory_space<vmem>>, %arg10: memref<2x80xi32, #tpu.memory_space<vmem>>, %arg11: memref<2x80xi32, #tpu.memory_space<vmem>>, %arg12: memref<80x128xf32, #tpu.memory_space<vmem>>, %arg13: memref<80x128xf32, #tpu.memory_space<vmem>>, %arg14: memref<80x128xf32, #tpu.memory_space<vmem>>, %arg15: memref<1x10112xf32, #tpu.memory_space<vmem>>, %arg16: memref<10112x128xf32, #tpu.memory_space<vmem_shared>>, %arg17: memref<!tpu.dma_semaphore, #tpu.memory_space<semaphore_mem>>, %arg18: memref<!tpu.dma_semaphore, #tpu.memory_space<semaphore_mem>>, %arg19: memref<!tpu.dma_semaphore, #tpu.memory_space<semaphore_mem>>, %arg20: memref<!tpu.dma_semaphore, #tpu.memory_space<semaphore_mem>>, %arg21: memref<!tpu.dma_semaphore, #tpu.memory_space<semaphore_mem>>, %arg22: memref<!tpu.dma_semaphore, #tpu.memory_space<semaphore_mem>>, %arg23: memref<!tpu.dma_semaphore, #tpu.memory_space<semaphore_mem>>, %arg24: memref<!tpu.dma_semaphore, #tpu.memory_space<semaphore_mem>>, %arg25: memref<!tpu.dma_semaphore, #tpu.memory_space<semaphore_mem>>, %arg26: memref<!tpu.dma_semaphore, #tpu.memory_space<semaphore_mem>>) attributes {dimension_semantics = [#tpu.dimension_semantics<core_parallel>, #tpu.dimension_semantics<subcore_parallel>], iteration_bounds = array<i64: 2, 16>, scalar_prefetch = 0 : i64, scratch_operands = 19 : i64, tpu.core_type = #tpu.core_type<sc_vector_subcore>, window_params = [{transform_indices = #map}, {transform_indices = #map1}, {transform_indices = #map}, {transform_indices = #map}, {transform_indices = #map2}, {transform_indices = #map2}]} {
    %mul3A = arith.constant 16 : i32
    %mul3A_0 = arith.muli %arg0, %mul3A : i32
    %add3A = arith.addi %mul3A_0, %arg1 : i32
    %mul3A_1 = arith.constant 632 : i32
    %mul3A_2 = arith.muli %arg1, %mul3A_1 : i32
    %dma_start3A = arith.constant 0 : i32
    %dma_start3A_3 = arith.constant 0 : i32
    %dma_start3A_4 = arith.constant 0 : i32
    %dma_start3A_5 = tpu.memref_slice %arg3[%add3A, %dma_start3A, %dma_start3A_3, %dma_start3A_4] : memref<32x125x2x80xi32, #tpu.memory_space<hbm>> -> memref<1x1x2x80xi32, #tpu.memory_space<hbm>>
    %dma_start3A_6 = tpu.memref_squeeze %dma_start3A_5 : memref<1x1x2x80xi32, #tpu.memory_space<hbm>> -> memref<2x80xi32, #tpu.memory_space<hbm>>
    %dma_start3A_7 = arith.constant 0 : i32
    %dma_start3A_8 = arith.constant 0 : i32
    %dma_start3A_9 = tpu.memref_slice %arg3[%add3A, %dma_start3A, %dma_start3A_7, %dma_start3A_8] : memref<32x125x2x80xi32, #tpu.memory_space<hbm>> -> memref<1x1x2x80xi32, #tpu.memory_space<hbm>>
    %dma_start3A_10 = tpu.memref_squeeze %dma_start3A_9 : memref<1x1x2x80xi32, #tpu.memory_space<hbm>> -> memref<2x80xi32, #tpu.memory_space<hbm>>
    tpu.enqueue_dma source(%dma_start3A_10 : memref<2x80xi32, #tpu.memory_space<hbm>>) target(%arg8 : memref<2x80xi32, #tpu.memory_space<vmem>>) target_semaphore(%arg17 : memref<!tpu.dma_semaphore, #tpu.memory_space<semaphore_mem>>)
    %dma_start3A_11 = arith.constant 1 : i32
    %dma_start3A_12 = arith.constant 0 : i32
    %dma_start3A_13 = arith.constant 0 : i32
    %dma_start3A_14 = tpu.memref_slice %arg3[%add3A, %dma_start3A_11, %dma_start3A_12, %dma_start3A_13] : memref<32x125x2x80xi32, #tpu.memory_space<hbm>> -> memref<1x1x2x80xi32, #tpu.memory_space<hbm>>
    %dma_start3A_15 = tpu.memref_squeeze %dma_start3A_14 : memref<1x1x2x80xi32, #tpu.memory_space<hbm>> -> memref<2x80xi32, #tpu.memory_space<hbm>>
    %dma_start3A_16 = arith.constant 0 : i32
    %dma_start3A_17 = arith.constant 0 : i32
    %dma_start3A_18 = tpu.memref_slice %arg3[%add3A, %dma_start3A_11, %dma_start3A_16, %dma_start3A_17] : memref<32x125x2x80xi32, #tpu.memory_space<hbm>> -> memref<1x1x2x80xi32, #tpu.memory_space<hbm>>
    %dma_start3A_19 = tpu.memref_squeeze %dma_start3A_18 : memref<1x1x2x80xi32, #tpu.memory_space<hbm>> -> memref<2x80xi32, #tpu.memory_space<hbm>>
    tpu.enqueue_dma source(%dma_start3A_19 : memref<2x80xi32, #tpu.memory_space<hbm>>) target(%arg9 : memref<2x80xi32, #tpu.memory_space<vmem>>) target_semaphore(%arg18 : memref<!tpu.dma_semaphore, #tpu.memory_space<semaphore_mem>>)
    %dma_start3A_20 = arith.constant 2 : i32
    %dma_start3A_21 = arith.constant 0 : i32
    %dma_start3A_22 = arith.constant 0 : i32
    %dma_start3A_23 = tpu.memref_slice %arg3[%add3A, %dma_start3A_20, %dma_start3A_21, %dma_start3A_22] : memref<32x125x2x80xi32, #tpu.memory_space<hbm>> -> memref<1x1x2x80xi32, #tpu.memory_space<hbm>>
    %dma_start3A_24 = tpu.memref_squeeze %dma_start3A_23 : memref<1x1x2x80xi32, #tpu.memory_space<hbm>> -> memref<2x80xi32, #tpu.memory_space<hbm>>
    %dma_start3A_25 = arith.constant 0 : i32
    %dma_start3A_26 = arith.constant 0 : i32
    %dma_start3A_27 = tpu.memref_slice %arg3[%add3A, %dma_start3A_20, %dma_start3A_25, %dma_start3A_26] : memref<32x125x2x80xi32, #tpu.memory_space<hbm>> -> memref<1x1x2x80xi32, #tpu.memory_space<hbm>>
    %dma_start3A_28 = tpu.memref_squeeze %dma_start3A_27 : memref<1x1x2x80xi32, #tpu.memory_space<hbm>> -> memref<2x80xi32, #tpu.memory_space<hbm>>
    tpu.enqueue_dma source(%dma_start3A_28 : memref<2x80xi32, #tpu.memory_space<hbm>>) target(%arg10 : memref<2x80xi32, #tpu.memory_space<vmem>>) target_semaphore(%arg19 : memref<!tpu.dma_semaphore, #tpu.memory_space<semaphore_mem>>)
    "tpu.region"() ({
      %run_scoped3A = tpu.sem_alloc : memref<!tpu.dma_semaphore, #tpu.memory_space<semaphore_mem>>
      %dma_start3A_345 = arith.constant 0 : i32
      %dma_start3A_346 = tpu.memref_slice %arg16[%mul3A_2, %dma_start3A_345] : memref<10112x128xf32, #tpu.memory_space<vmem_shared>> -> memref<632x128xf32, #tpu.memory_space<vmem_shared>>
      tpu.enqueue_dma source(%arg4 : memref<632x128xf32, #tpu.memory_space<hbm>>) target(%dma_start3A_346 : memref<632x128xf32, #tpu.memory_space<vmem_shared>>) target_semaphore(%run_scoped3A : memref<!tpu.dma_semaphore, #tpu.memory_space<semaphore_mem>>)
      %dma_wait3A_347 = arith.constant 0 : i32
      %dma_wait3A_348 = tpu.memref_slice %arg16[%mul3A_2, %dma_wait3A_347] : memref<10112x128xf32, #tpu.memory_space<vmem_shared>> -> memref<632x128xf32, #tpu.memory_space<vmem_shared>>
      tpu.wait_dma2 semaphore(%run_scoped3A : memref<!tpu.dma_semaphore, #tpu.memory_space<semaphore_mem>>) src(%arg4 : memref<632x128xf32, #tpu.memory_space<hbm>>) dst(%dma_wait3A_348 : memref<632x128xf32, #tpu.memory_space<vmem_shared>>)
      tpu.yield
    }) : () -> ()
    "tpu.region"() ({
      %run_scoped3A = tpu.sem_alloc : memref<!tpu.dma_semaphore, #tpu.memory_space<semaphore_mem>>
      tpu.enqueue_dma source(%arg5 : memref<1x10112xf32, #tpu.memory_space<hbm>>) target(%arg15 : memref<1x10112xf32, #tpu.memory_space<vmem>>) target_semaphore(%run_scoped3A : memref<!tpu.dma_semaphore, #tpu.memory_space<semaphore_mem>>)
      tpu.wait_dma2 semaphore(%run_scoped3A : memref<!tpu.dma_semaphore, #tpu.memory_space<semaphore_mem>>) src(%arg5 : memref<1x10112xf32, #tpu.memory_space<hbm>>) dst(%arg15 : memref<1x10112xf32, #tpu.memory_space<vmem>>)
      tpu.yield
    }) : () -> ()
    %dma_wait3A = arith.constant 0 : i32
    %dma_wait3A_29 = arith.constant 0 : i32
    %dma_wait3A_30 = arith.constant 0 : i32
    %dma_wait3A_31 = tpu.memref_slice %arg3[%add3A, %dma_wait3A, %dma_wait3A_29, %dma_wait3A_30] : memref<32x125x2x80xi32, #tpu.memory_space<hbm>> -> memref<1x1x2x80xi32, #tpu.memory_space<hbm>>
    %dma_wait3A_32 = tpu.memref_squeeze %dma_wait3A_31 : memref<1x1x2x80xi32, #tpu.memory_space<hbm>> -> memref<2x80xi32, #tpu.memory_space<hbm>>
    %dma_wait3A_33 = arith.constant 0 : i32
    %dma_wait3A_34 = arith.constant 0 : i32
    %dma_wait3A_35 = tpu.memref_slice %arg3[%add3A, %dma_wait3A, %dma_wait3A_33, %dma_wait3A_34] : memref<32x125x2x80xi32, #tpu.memory_space<hbm>> -> memref<1x1x2x80xi32, #tpu.memory_space<hbm>>
    %dma_wait3A_36 = tpu.memref_squeeze %dma_wait3A_35 : memref<1x1x2x80xi32, #tpu.memory_space<hbm>> -> memref<2x80xi32, #tpu.memory_space<hbm>>
    tpu.wait_dma2 semaphore(%arg17 : memref<!tpu.dma_semaphore, #tpu.memory_space<semaphore_mem>>) src(%dma_wait3A_36 : memref<2x80xi32, #tpu.memory_space<hbm>>) dst(%arg8 : memref<2x80xi32, #tpu.memory_space<vmem>>)
    %dma_start3A_37 = arith.constant 0 : i32
    %dma_start3A_38 = arith.constant 0 : i32
    %dma_start3A_39 = tpu.memref_slice %arg8[%dma_start3A_37, %dma_start3A_38] : memref<2x80xi32, #tpu.memory_space<vmem>> -> memref<1x80xi32, #tpu.memory_space<vmem>>
    %dma_start3A_40 = tpu.memref_squeeze %dma_start3A_39 : memref<1x80xi32, #tpu.memory_space<vmem>> -> memref<80xi32, #tpu.memory_space<vmem>>
    %dma_start3A_41 = arith.constant 0 : i32
    %dma_start3A_42 = arith.constant 0 : i32
    %dma_start3A_43 = tpu.memref_slice %arg2[%dma_start3A_41, %dma_start3A_42] : memref<10000x128xf32, #tpu.memory_space<hbm>> -> memref<10000x128xf32, #tpu.memory_space<hbm>>
    tpu.enqueue_indirect_dma source(%dma_start3A_43 : memref<10000x128xf32, #tpu.memory_space<hbm>>) target(%arg12 : memref<80x128xf32, #tpu.memory_space<vmem>>) offsets(%dma_start3A_40 : memref<80xi32, #tpu.memory_space<vmem>>) semaphore(%arg21 : memref<!tpu.dma_semaphore, #tpu.memory_space<semaphore_mem>>)
    %dma_wait3A_44 = arith.constant 1 : i32
    %dma_wait3A_45 = arith.constant 0 : i32
    %dma_wait3A_46 = arith.constant 0 : i32
    %dma_wait3A_47 = tpu.memref_slice %arg3[%add3A, %dma_wait3A_44, %dma_wait3A_45, %dma_wait3A_46] : memref<32x125x2x80xi32, #tpu.memory_space<hbm>> -> memref<1x1x2x80xi32, #tpu.memory_space<hbm>>
    %dma_wait3A_48 = tpu.memref_squeeze %dma_wait3A_47 : memref<1x1x2x80xi32, #tpu.memory_space<hbm>> -> memref<2x80xi32, #tpu.memory_space<hbm>>
    %dma_wait3A_49 = arith.constant 0 : i32
    %dma_wait3A_50 = arith.constant 0 : i32
    %dma_wait3A_51 = tpu.memref_slice %arg3[%add3A, %dma_wait3A_44, %dma_wait3A_49, %dma_wait3A_50] : memref<32x125x2x80xi32, #tpu.memory_space<hbm>> -> memref<1x1x2x80xi32, #tpu.memory_space<hbm>>
    %dma_wait3A_52 = tpu.memref_squeeze %dma_wait3A_51 : memref<1x1x2x80xi32, #tpu.memory_space<hbm>> -> memref<2x80xi32, #tpu.memory_space<hbm>>
    tpu.wait_dma2 semaphore(%arg18 : memref<!tpu.dma_semaphore, #tpu.memory_space<semaphore_mem>>) src(%dma_wait3A_52 : memref<2x80xi32, #tpu.memory_space<hbm>>) dst(%arg9 : memref<2x80xi32, #tpu.memory_space<vmem>>)
    %dma_start3A_53 = arith.constant 0 : i32
    %dma_start3A_54 = arith.constant 0 : i32
    %dma_start3A_55 = tpu.memref_slice %arg9[%dma_start3A_53, %dma_start3A_54] : memref<2x80xi32, #tpu.memory_space<vmem>> -> memref<1x80xi32, #tpu.memory_space<vmem>>
    %dma_start3A_56 = tpu.memref_squeeze %dma_start3A_55 : memref<1x80xi32, #tpu.memory_space<vmem>> -> memref<80xi32, #tpu.memory_space<vmem>>
    %dma_start3A_57 = arith.constant 0 : i32
    %dma_start3A_58 = arith.constant 0 : i32
    %dma_start3A_59 = tpu.memref_slice %arg2[%dma_start3A_57, %dma_start3A_58] : memref<10000x128xf32, #tpu.memory_space<hbm>> -> memref<10000x128xf32, #tpu.memory_space<hbm>>
    tpu.enqueue_indirect_dma source(%dma_start3A_59 : memref<10000x128xf32, #tpu.memory_space<hbm>>) target(%arg13 : memref<80x128xf32, #tpu.memory_space<vmem>>) offsets(%dma_start3A_56 : memref<80xi32, #tpu.memory_space<vmem>>) semaphore(%arg22 : memref<!tpu.dma_semaphore, #tpu.memory_space<semaphore_mem>>)
    %barrier3A = arith.constant 0 : index
    tpu.barrier barrier_id(%barrier3A)
    %broadcast_in_dim3A = arith.constant 0 : i32
    %broadcast_in_dim3A_60 = vector.broadcast %broadcast_in_dim3A : i32 to vector<16xi32>
    %broadcast_in_dim3A_61 = arith.constant 1.000000e+00 : f32
    %broadcast_in_dim3A_62 = vector.broadcast %broadcast_in_dim3A_61 : f32 to vector<16xf32>
    %scan3A = arith.constant 0 : i32
    %scan3A_63 = arith.constant 10 : i32
    %scan3A_64 = arith.addi %scan3A, %scan3A_63 : i32
    %scan3A_65 = arith.constant 1 : i32
    scf.for %scan3A_345 = %scan3A to %scan3A_64 step %scan3A_65  : i32 {
      %mul3A_346 = arith.constant 12 : i32
      %mul3A_347 = arith.muli %scan3A_345, %mul3A_346 : i32
      %add3A_348 = arith.constant 0 : i32
      %add3A_349 = arith.addi %add3A_348, %mul3A_347 : i32
      %add3A_350 = arith.constant 0 : i32
      %add3A_351 = arith.addi %add3A_349, %add3A_350 : i32
      %dma_wait3A_352 = arith.constant 0 : i32
      %dma_wait3A_353 = arith.constant 0 : i32
      %dma_wait3A_354 = tpu.memref_slice %arg8[%dma_wait3A_352, %dma_wait3A_353] : memref<2x80xi32, #tpu.memory_space<vmem>> -> memref<1x80xi32, #tpu.memory_space<vmem>>
      %dma_wait3A_355 = tpu.memref_squeeze %dma_wait3A_354 : memref<1x80xi32, #tpu.memory_space<vmem>> -> memref<80xi32, #tpu.memory_space<vmem>>
      %dma_wait3A_356 = arith.constant 0 : i32
      %dma_wait3A_357 = arith.constant 0 : i32
      %dma_wait3A_358 = tpu.memref_slice %arg2[%dma_wait3A_356, %dma_wait3A_357] : memref<10000x128xf32, #tpu.memory_space<hbm>> -> memref<10000x128xf32, #tpu.memory_space<hbm>>
      tpu.wait_indirect_dma semaphore(%arg21 : memref<!tpu.dma_semaphore, #tpu.memory_space<semaphore_mem>>) src(%dma_wait3A_358 : memref<10000x128xf32, #tpu.memory_space<hbm>>) dst(%arg12 : memref<80x128xf32, #tpu.memory_space<vmem>>)
      %ge3A = arith.constant 1 : i32
      %ge3A_359 = arith.cmpi sge, %add3A_351, %ge3A : i32
      %convert_element_type3A = arith.extui %ge3A_359 : i1 to i32
      %cond3A = arith.constant 0 : i32
      %cond3A_360 = arith.cmpi ne, %convert_element_type3A, %cond3A : i32
      scf.if %cond3A_360 {
        %dma_wait3A_1006 = arith.constant 1 : i32
        %dma_wait3A_1007 = arith.constant 0 : i32
        %dma_wait3A_1008 = tpu.memref_slice %arg11[%dma_wait3A_1006, %dma_wait3A_1007] : memref<2x80xi32, #tpu.memory_space<vmem>> -> memref<1x80xi32, #tpu.memory_space<vmem>>
        %dma_wait3A_1009 = tpu.memref_squeeze %dma_wait3A_1008 : memref<1x80xi32, #tpu.memory_space<vmem>> -> memref<80xi32, #tpu.memory_space<vmem>>
        %dma_wait3A_1010 = arith.constant 0 : i32
        %dma_wait3A_1011 = arith.constant 0 : i32
        %dma_wait3A_1012 = tpu.memref_slice %arg16[%dma_wait3A_1010, %dma_wait3A_1011] : memref<10112x128xf32, #tpu.memory_space<vmem_shared>> -> memref<10112x128xf32, #tpu.memory_space<vmem_shared>>
        tpu.wait_indirect_dma semaphore(%arg26 : memref<!tpu.dma_semaphore, #tpu.memory_space<semaphore_mem>>) src(%arg14 : memref<80x128xf32, #tpu.memory_space<vmem>>) dst(%dma_wait3A_1012 : memref<10112x128xf32, #tpu.memory_space<vmem_shared>>)
      } else {
      }
      %add3A_361 = arith.constant 2 : i32
      %add3A_362 = arith.addi %add3A_351, %add3A_361 : i32
      %lt3A = arith.constant 125 : i32
      %lt3A_363 = arith.cmpi slt, %add3A_362, %lt3A : i32
      %convert_element_type3A_364 = arith.extui %lt3A_363 : i1 to i32
      %cond3A_365 = arith.constant 0 : i32
      %cond3A_366 = arith.cmpi ne, %convert_element_type3A_364, %cond3A_365 : i32
      scf.if %cond3A_366 {
        %add3A_1006 = arith.constant 2 : i32
        %add3A_1007 = arith.addi %add3A_351, %add3A_1006 : i32
        %dma_wait3A_1008 = arith.constant 0 : i32
        %dma_wait3A_1009 = arith.constant 0 : i32
        %dma_wait3A_1010 = tpu.memref_slice %arg3[%add3A, %add3A_1007, %dma_wait3A_1008, %dma_wait3A_1009] : memref<32x125x2x80xi32, #tpu.memory_space<hbm>> -> memref<1x1x2x80xi32, #tpu.memory_space<hbm>>
        %dma_wait3A_1011 = tpu.memref_squeeze %dma_wait3A_1010 : memref<1x1x2x80xi32, #tpu.memory_space<hbm>> -> memref<2x80xi32, #tpu.memory_space<hbm>>
        %dma_wait3A_1012 = arith.constant 0 : i32
        %dma_wait3A_1013 = arith.constant 0 : i32
        %dma_wait3A_1014 = tpu.memref_slice %arg3[%add3A, %add3A_1007, %dma_wait3A_1012, %dma_wait3A_1013] : memref<32x125x2x80xi32, #tpu.memory_space<hbm>> -> memref<1x1x2x80xi32, #tpu.memory_space<hbm>>
        %dma_wait3A_1015 = tpu.memref_squeeze %dma_wait3A_1014 : memref<1x1x2x80xi32, #tpu.memory_space<hbm>> -> memref<2x80xi32, #tpu.memory_space<hbm>>
        tpu.wait_dma2 semaphore(%arg19 : memref<!tpu.dma_semaphore, #tpu.memory_space<semaphore_mem>>) src(%dma_wait3A_1015 : memref<2x80xi32, #tpu.memory_space<hbm>>) dst(%arg10 : memref<2x80xi32, #tpu.memory_space<vmem>>)
        %add3A_1016 = arith.constant 2 : i32
        %add3A_1017 = arith.addi %add3A_351, %add3A_1016 : i32
        %dma_start3A_1018 = arith.constant 0 : i32
        %dma_start3A_1019 = arith.constant 0 : i32
        %dma_start3A_1020 = tpu.memref_slice %arg10[%dma_start3A_1018, %dma_start3A_1019] : memref<2x80xi32, #tpu.memory_space<vmem>> -> memref<1x80xi32, #tpu.memory_space<vmem>>
        %dma_start3A_1021 = tpu.memref_squeeze %dma_start3A_1020 : memref<1x80xi32, #tpu.memory_space<vmem>> -> memref<80xi32, #tpu.memory_space<vmem>>
        %dma_start3A_1022 = arith.constant 0 : i32
        %dma_start3A_1023 = arith.constant 0 : i32
        %dma_start3A_1024 = tpu.memref_slice %arg2[%dma_start3A_1022, %dma_start3A_1023] : memref<10000x128xf32, #tpu.memory_space<hbm>> -> memref<10000x128xf32, #tpu.memory_space<hbm>>
        tpu.enqueue_indirect_dma source(%dma_start3A_1024 : memref<10000x128xf32, #tpu.memory_space<hbm>>) target(%arg14 : memref<80x128xf32, #tpu.memory_space<vmem>>) offsets(%dma_start3A_1021 : memref<80xi32, #tpu.memory_space<vmem>>) semaphore(%arg23 : memref<!tpu.dma_semaphore, #tpu.memory_space<semaphore_mem>>)
      } else {
      }
      %add3A_367 = arith.constant 3 : i32
      %add3A_368 = arith.addi %add3A_351, %add3A_367 : i32
      %lt3A_369 = arith.constant 125 : i32
      %lt3A_370 = arith.cmpi slt, %add3A_368, %lt3A_369 : i32
      %convert_element_type3A_371 = arith.extui %lt3A_370 : i1 to i32
      %cond3A_372 = arith.constant 0 : i32
      %cond3A_373 = arith.cmpi ne, %convert_element_type3A_371, %cond3A_372 : i32
      scf.if %cond3A_373 {
        %add3A_1006 = arith.constant 3 : i32
        %add3A_1007 = arith.addi %add3A_351, %add3A_1006 : i32
        %dma_start3A_1008 = arith.constant 0 : i32
        %dma_start3A_1009 = arith.constant 0 : i32
        %dma_start3A_1010 = tpu.memref_slice %arg3[%add3A, %add3A_1007, %dma_start3A_1008, %dma_start3A_1009] : memref<32x125x2x80xi32, #tpu.memory_space<hbm>> -> memref<1x1x2x80xi32, #tpu.memory_space<hbm>>
        %dma_start3A_1011 = tpu.memref_squeeze %dma_start3A_1010 : memref<1x1x2x80xi32, #tpu.memory_space<hbm>> -> memref<2x80xi32, #tpu.memory_space<hbm>>
        %dma_start3A_1012 = arith.constant 0 : i32
        %dma_start3A_1013 = arith.constant 0 : i32
        %dma_start3A_1014 = tpu.memref_slice %arg3[%add3A, %add3A_1007, %dma_start3A_1012, %dma_start3A_1013] : memref<32x125x2x80xi32, #tpu.memory_space<hbm>> -> memref<1x1x2x80xi32, #tpu.memory_space<hbm>>
        %dma_start3A_1015 = tpu.memref_squeeze %dma_start3A_1014 : memref<1x1x2x80xi32, #tpu.memory_space<hbm>> -> memref<2x80xi32, #tpu.memory_space<hbm>>
        tpu.enqueue_dma source(%dma_start3A_1015 : memref<2x80xi32, #tpu.memory_space<hbm>>) target(%arg11 : memref<2x80xi32, #tpu.memory_space<vmem>>) target_semaphore(%arg20 : memref<!tpu.dma_semaphore, #tpu.memory_space<semaphore_mem>>)
      } else {
      }
      %dma_start3A_374 = arith.constant 1 : i32
      %dma_start3A_375 = arith.constant 0 : i32
      %dma_start3A_376 = tpu.memref_slice %arg8[%dma_start3A_374, %dma_start3A_375] : memref<2x80xi32, #tpu.memory_space<vmem>> -> memref<1x80xi32, #tpu.memory_space<vmem>>
      %dma_start3A_377 = tpu.memref_squeeze %dma_start3A_376 : memref<1x80xi32, #tpu.memory_space<vmem>> -> memref<80xi32, #tpu.memory_space<vmem>>
      %dma_start3A_378 = arith.constant 0 : i32
      %dma_start3A_379 = arith.constant 0 : i32
      %dma_start3A_380 = tpu.memref_slice %arg16[%dma_start3A_378, %dma_start3A_379] : memref<10112x128xf32, #tpu.memory_space<vmem_shared>> -> memref<10112x128xf32, #tpu.memory_space<vmem_shared>>
      tpu.enqueue_indirect_dma source(%arg12 : memref<80x128xf32, #tpu.memory_space<vmem>>) target(%dma_start3A_380 : memref<10112x128xf32, #tpu.memory_space<vmem_shared>>) offsets(%dma_start3A_377 : memref<80xi32, #tpu.memory_space<vmem>>) semaphore(%arg24 : memref<!tpu.dma_semaphore, #tpu.memory_space<semaphore_mem>>) {add = true}
      %get3A_381 = arith.constant 1 : i32
      %get3A_382 = arith.index_cast %get3A_381 : i32 to index
      %get3A_383 = arith.constant 0 : index
      %get3A_384 = tpu.vector_load %arg8[%get3A_382, %get3A_383] {strides = array<i32>} : memref<2x80xi32, #tpu.memory_space<vmem>>, vector<16xi32>,
      tpu.vector_store_idx %arg15[%broadcast_in_dim3A_60, %get3A_384], %broadcast_in_dim3A_62 {add = true} : memref<1x10112xf32, #tpu.memory_space<vmem>>[vector<16xi32>, vector<16xi32>], vector<16xf32>,
      %get3A_385 = arith.constant 1 : i32
      %get3A_386 = arith.index_cast %get3A_385 : i32 to index
      %get3A_387 = arith.constant 16 : index
      %get3A_388 = tpu.vector_load %arg8[%get3A_386, %get3A_387] {strides = array<i32>} : memref<2x80xi32, #tpu.memory_space<vmem>>, vector<16xi32>,
      tpu.vector_store_idx %arg15[%broadcast_in_dim3A_60, %get3A_388], %broadcast_in_dim3A_62 {add = true} : memref<1x10112xf32, #tpu.memory_space<vmem>>[vector<16xi32>, vector<16xi32>], vector<16xf32>,
      %get3A_389 = arith.constant 1 : i32
      %get3A_390 = arith.index_cast %get3A_389 : i32 to index
      %get3A_391 = arith.constant 32 : index
      %get3A_392 = tpu.vector_load %arg8[%get3A_390, %get3A_391] {strides = array<i32>} : memref<2x80xi32, #tpu.memory_space<vmem>>, vector<16xi32>,
      tpu.vector_store_idx %arg15[%broadcast_in_dim3A_60, %get3A_392], %broadcast_in_dim3A_62 {add = true} : memref<1x10112xf32, #tpu.memory_space<vmem>>[vector<16xi32>, vector<16xi32>], vector<16xf32>,
      %get3A_393 = arith.constant 1 : i32
      %get3A_394 = arith.index_cast %get3A_393 : i32 to index
      %get3A_395 = arith.constant 48 : index
      %get3A_396 = tpu.vector_load %arg8[%get3A_394, %get3A_395] {strides = array<i32>} : memref<2x80xi32, #tpu.memory_space<vmem>>, vector<16xi32>,
      tpu.vector_store_idx %arg15[%broadcast_in_dim3A_60, %get3A_396], %broadcast_in_dim3A_62 {add = true} : memref<1x10112xf32, #tpu.memory_space<vmem>>[vector<16xi32>, vector<16xi32>], vector<16xf32>,
      %get3A_397 = arith.constant 1 : i32
      %get3A_398 = arith.index_cast %get3A_397 : i32 to index
      %get3A_399 = arith.constant 64 : index
      %get3A_400 = tpu.vector_load %arg8[%get3A_398, %get3A_399] {strides = array<i32>} : memref<2x80xi32, #tpu.memory_space<vmem>>, vector<16xi32>,
      tpu.vector_store_idx %arg15[%broadcast_in_dim3A_60, %get3A_400], %broadcast_in_dim3A_62 {add = true} : memref<1x10112xf32, #tpu.memory_space<vmem>>[vector<16xi32>, vector<16xi32>], vector<16xf32>,
      %add3A_401 = arith.constant 1 : i32
      %add3A_402 = arith.addi %add3A_349, %add3A_401 : i32
      %dma_wait3A_403 = arith.constant 0 : i32
      %dma_wait3A_404 = arith.constant 0 : i32
      %dma_wait3A_405 = tpu.memref_slice %arg9[%dma_wait3A_403, %dma_wait3A_404] : memref<2x80xi32, #tpu.memory_space<vmem>> -> memref<1x80xi32, #tpu.memory_space<vmem>>
      %dma_wait3A_406 = tpu.memref_squeeze %dma_wait3A_405 : memref<1x80xi32, #tpu.memory_space<vmem>> -> memref<80xi32, #tpu.memory_space<vmem>>
      %dma_wait3A_407 = arith.constant 0 : i32
      %dma_wait3A_408 = arith.constant 0 : i32
      %dma_wait3A_409 = tpu.memref_slice %arg2[%dma_wait3A_407, %dma_wait3A_408] : memref<10000x128xf32, #tpu.memory_space<hbm>> -> memref<10000x128xf32, #tpu.memory_space<hbm>>
      tpu.wait_indirect_dma semaphore(%arg22 : memref<!tpu.dma_semaphore, #tpu.memory_space<semaphore_mem>>) src(%dma_wait3A_409 : memref<10000x128xf32, #tpu.memory_space<hbm>>) dst(%arg13 : memref<80x128xf32, #tpu.memory_space<vmem>>)
      %ge3A_410 = arith.constant 1 : i32
      %ge3A_411 = arith.cmpi sge, %add3A_402, %ge3A_410 : i32
      %convert_element_type3A_412 = arith.extui %ge3A_411 : i1 to i32
      %cond3A_413 = arith.constant 0 : i32
      %cond3A_414 = arith.cmpi ne, %convert_element_type3A_412, %cond3A_413 : i32
      scf.if %cond3A_414 {
        %dma_wait3A_1006 = arith.constant 1 : i32
        %dma_wait3A_1007 = arith.constant 0 : i32
        %dma_wait3A_1008 = tpu.memref_slice %arg8[%dma_wait3A_1006, %dma_wait3A_1007] : memref<2x80xi32, #tpu.memory_space<vmem>> -> memref<1x80xi32, #tpu.memory_space<vmem>>
        %dma_wait3A_1009 = tpu.memref_squeeze %dma_wait3A_1008 : memref<1x80xi32, #tpu.memory_space<vmem>> -> memref<80xi32, #tpu.memory_space<vmem>>
        %dma_wait3A_1010 = arith.constant 0 : i32
        %dma_wait3A_1011 = arith.constant 0 : i32
        %dma_wait3A_1012 = tpu.memref_slice %arg16[%dma_wait3A_1010, %dma_wait3A_1011] : memref<10112x128xf32, #tpu.memory_space<vmem_shared>> -> memref<10112x128xf32, #tpu.memory_space<vmem_shared>>
        tpu.wait_indirect_dma semaphore(%arg24 : memref<!tpu.dma_semaphore, #tpu.memory_space<semaphore_mem>>) src(%arg12 : memref<80x128xf32, #tpu.memory_space<vmem>>) dst(%dma_wait3A_1012 : memref<10112x128xf32, #tpu.memory_space<vmem_shared>>)
      } else {
      }
      %add3A_415 = arith.constant 2 : i32
      %add3A_416 = arith.addi %add3A_402, %add3A_415 : i32
      %lt3A_417 = arith.constant 125 : i32
      %lt3A_418 = arith.cmpi slt, %add3A_416, %lt3A_417 : i32
      %convert_element_type3A_419 = arith.extui %lt3A_418 : i1 to i32
      %cond3A_420 = arith.constant 0 : i32
      %cond3A_421 = arith.cmpi ne, %convert_element_type3A_419, %cond3A_420 : i32
      scf.if %cond3A_421 {
        %add3A_1006 = arith.constant 2 : i32
        %add3A_1007 = arith.addi %add3A_402, %add3A_1006 : i32
        %dma_wait3A_1008 = arith.constant 0 : i32
        %dma_wait3A_1009 = arith.constant 0 : i32
        %dma_wait3A_1010 = tpu.memref_slice %arg3[%add3A, %add3A_1007, %dma_wait3A_1008, %dma_wait3A_1009] : memref<32x125x2x80xi32, #tpu.memory_space<hbm>> -> memref<1x1x2x80xi32, #tpu.memory_space<hbm>>
        %dma_wait3A_1011 = tpu.memref_squeeze %dma_wait3A_1010 : memref<1x1x2x80xi32, #tpu.memory_space<hbm>> -> memref<2x80xi32, #tpu.memory_space<hbm>>
        %dma_wait3A_1012 = arith.constant 0 : i32
        %dma_wait3A_1013 = arith.constant 0 : i32
        %dma_wait3A_1014 = tpu.memref_slice %arg3[%add3A, %add3A_1007, %dma_wait3A_1012, %dma_wait3A_1013] : memref<32x125x2x80xi32, #tpu.memory_space<hbm>> -> memref<1x1x2x80xi32, #tpu.memory_space<hbm>>
        %dma_wait3A_1015 = tpu.memref_squeeze %dma_wait3A_1014 : memref<1x1x2x80xi32, #tpu.memory_space<hbm>> -> memref<2x80xi32, #tpu.memory_space<hbm>>
        tpu.wait_dma2 semaphore(%arg20 : memref<!tpu.dma_semaphore, #tpu.memory_space<semaphore_mem>>) src(%dma_wait3A_1015 : memref<2x80xi32, #tpu.memory_space<hbm>>) dst(%arg11 : memref<2x80xi32, #tpu.memory_space<vmem>>)
        %add3A_1016 = arith.constant 2 : i32
        %add3A_1017 = arith.addi %add3A_402, %add3A_1016 : i32
        %dma_start3A_1018 = arith.constant 0 : i32
        %dma_start3A_1019 = arith.constant 0 : i32
        %dma_start3A_1020 = tpu.memref_slice %arg11[%dma_start3A_1018, %dma_start3A_1019] : memref<2x80xi32, #tpu.memory_space<vmem>> -> memref<1x80xi32, #tpu.memory_space<vmem>>
        %dma_start3A_1021 = tpu.memref_squeeze %dma_start3A_1020 : memref<1x80xi32, #tpu.memory_space<vmem>> -> memref<80xi32, #tpu.memory_space<vmem>>
        %dma_start3A_1022 = arith.constant 0 : i32
        %dma_start3A_1023 = arith.constant 0 : i32
        %dma_start3A_1024 = tpu.memref_slice %arg2[%dma_start3A_1022, %dma_start3A_1023] : memref<10000x128xf32, #tpu.memory_space<hbm>> -> memref<10000x128xf32, #tpu.memory_space<hbm>>
        tpu.enqueue_indirect_dma source(%dma_start3A_1024 : memref<10000x128xf32, #tpu.memory_space<hbm>>) target(%arg12 : memref<80x128xf32, #tpu.memory_space<vmem>>) offsets(%dma_start3A_1021 : memref<80xi32, #tpu.memory_space<vmem>>) semaphore(%arg21 : memref<!tpu.dma_semaphore, #tpu.memory_space<semaphore_mem>>)
      } else {
      }
      %add3A_422 = arith.constant 3 : i32
      %add3A_423 = arith.addi %add3A_402, %add3A_422 : i32
      %lt3A_424 = arith.constant 125 : i32
      %lt3A_425 = arith.cmpi slt, %add3A_423, %lt3A_424 : i32
      %convert_element_type3A_426 = arith.extui %lt3A_425 : i1 to i32
      %cond3A_427 = arith.constant 0 : i32
      %cond3A_428 = arith.cmpi ne, %convert_element_type3A_426, %cond3A_427 : i32
      scf.if %cond3A_428 {
        %add3A_1006 = arith.constant 3 : i32
        %add3A_1007 = arith.addi %add3A_402, %add3A_1006 : i32
        %dma_start3A_1008 = arith.constant 0 : i32
        %dma_start3A_1009 = arith.constant 0 : i32
        %dma_start3A_1010 = tpu.memref_slice %arg3[%add3A, %add3A_1007, %dma_start3A_1008, %dma_start3A_1009] : memref<32x125x2x80xi32, #tpu.memory_space<hbm>> -> memref<1x1x2x80xi32, #tpu.memory_space<hbm>>
        %dma_start3A_1011 = tpu.memref_squeeze %dma_start3A_1010 : memref<1x1x2x80xi32, #tpu.memory_space<hbm>> -> memref<2x80xi32, #tpu.memory_space<hbm>>
        %dma_start3A_1012 = arith.constant 0 : i32
        %dma_start3A_1013 = arith.constant 0 : i32
        %dma_start3A_1014 = tpu.memref_slice %arg3[%add3A, %add3A_1007, %dma_start3A_1012, %dma_start3A_1013] : memref<32x125x2x80xi32, #tpu.memory_space<hbm>> -> memref<1x1x2x80xi32, #tpu.memory_space<hbm>>
        %dma_start3A_1015 = tpu.memref_squeeze %dma_start3A_1014 : memref<1x1x2x80xi32, #tpu.memory_space<hbm>> -> memref<2x80xi32, #tpu.memory_space<hbm>>
        tpu.enqueue_dma source(%dma_start3A_1015 : memref<2x80xi32, #tpu.memory_space<hbm>>) target(%arg8 : memref<2x80xi32, #tpu.memory_space<vmem>>) target_semaphore(%arg17 : memref<!tpu.dma_semaphore, #tpu.memory_space<semaphore_mem>>)
      } else {
      }
      %dma_start3A_429 = arith.constant 1 : i32
      %dma_start3A_430 = arith.constant 0 : i32
      %dma_start3A_431 = tpu.memref_slice %arg9[%dma_start3A_429, %dma_start3A_430] : memref<2x80xi32, #tpu.memory_space<vmem>> -> memref<1x80xi32, #tpu.memory_space<vmem>>
      %dma_start3A_432 = tpu.memref_squeeze %dma_start3A_431 : memref<1x80xi32, #tpu.memory_space<vmem>> -> memref<80xi32, #tpu.memory_space<vmem>>
      %dma_start3A_433 = arith.constant 0 : i32
      %dma_start3A_434 = arith.constant 0 : i32
      %dma_start3A_435 = tpu.memref_slice %arg16[%dma_start3A_433, %dma_start3A_434] : memref<10112x128xf32, #tpu.memory_space<vmem_shared>> -> memref<10112x128xf32, #tpu.memory_space<vmem_shared>>
      tpu.enqueue_indirect_dma source(%arg13 : memref<80x128xf32, #tpu.memory_space<vmem>>) target(%dma_start3A_435 : memref<10112x128xf32, #tpu.memory_space<vmem_shared>>) offsets(%dma_start3A_432 : memref<80xi32, #tpu.memory_space<vmem>>) semaphore(%arg25 : memref<!tpu.dma_semaphore, #tpu.memory_space<semaphore_mem>>) {add = true}
      %get3A_436 = arith.constant 1 : i32
      %get3A_437 = arith.index_cast %get3A_436 : i32 to index
      %get3A_438 = arith.constant 0 : index
      %get3A_439 = tpu.vector_load %arg9[%get3A_437, %get3A_438] {strides = array<i32>} : memref<2x80xi32, #tpu.memory_space<vmem>>, vector<16xi32>,
      tpu.vector_store_idx %arg15[%broadcast_in_dim3A_60, %get3A_439], %broadcast_in_dim3A_62 {add = true} : memref<1x10112xf32, #tpu.memory_space<vmem>>[vector<16xi32>, vector<16xi32>], vector<16xf32>,
      %get3A_440 = arith.constant 1 : i32
      %get3A_441 = arith.index_cast %get3A_440 : i32 to index
      %get3A_442 = arith.constant 16 : index
      %get3A_443 = tpu.vector_load %arg9[%get3A_441, %get3A_442] {strides = array<i32>} : memref<2x80xi32, #tpu.memory_space<vmem>>, vector<16xi32>,
      tpu.vector_store_idx %arg15[%broadcast_in_dim3A_60, %get3A_443], %broadcast_in_dim3A_62 {add = true} : memref<1x10112xf32, #tpu.memory_space<vmem>>[vector<16xi32>, vector<16xi32>], vector<16xf32>,
      %get3A_444 = arith.constant 1 : i32
      %get3A_445 = arith.index_cast %get3A_444 : i32 to index
      %get3A_446 = arith.constant 32 : index
      %get3A_447 = tpu.vector_load %arg9[%get3A_445, %get3A_446] {strides = array<i32>} : memref<2x80xi32, #tpu.memory_space<vmem>>, vector<16xi32>,
      tpu.vector_store_idx %arg15[%broadcast_in_dim3A_60, %get3A_447], %broadcast_in_dim3A_62 {add = true} : memref<1x10112xf32, #tpu.memory_space<vmem>>[vector<16xi32>, vector<16xi32>], vector<16xf32>,
      %get3A_448 = arith.constant 1 : i32
      %get3A_449 = arith.index_cast %get3A_448 : i32 to index
      %get3A_450 = arith.constant 48 : index
      %get3A_451 = tpu.vector_load %arg9[%get3A_449, %get3A_450] {strides = array<i32>} : memref<2x80xi32, #tpu.memory_space<vmem>>, vector<16xi32>,
      tpu.vector_store_idx %arg15[%broadcast_in_dim3A_60, %get3A_451], %broadcast_in_dim3A_62 {add = true} : memref<1x10112xf32, #tpu.memory_space<vmem>>[vector<16xi32>, vector<16xi32>], vector<16xf32>,
      %get3A_452 = arith.constant 1 : i32
      %get3A_453 = arith.index_cast %get3A_452 : i32 to index
      %get3A_454 = arith.constant 64 : index
      %get3A_455 = tpu.vector_load %arg9[%get3A_453, %get3A_454] {strides = array<i32>} : memref<2x80xi32, #tpu.memory_space<vmem>>, vector<16xi32>,
      tpu.vector_store_idx %arg15[%broadcast_in_dim3A_60, %get3A_455], %broadcast_in_dim3A_62 {add = true} : memref<1x10112xf32, #tpu.memory_space<vmem>>[vector<16xi32>, vector<16xi32>], vector<16xf32>,
      %add3A_456 = arith.constant 2 : i32
      %add3A_457 = arith.addi %add3A_349, %add3A_456 : i32
      %dma_wait3A_458 = arith.constant 0 : i32
      %dma_wait3A_459 = arith.constant 0 : i32
      %dma_wait3A_460 = tpu.memref_slice %arg10[%dma_wait3A_458, %dma_wait3A_459] : memref<2x80xi32, #tpu.memory_space<vmem>> -> memref<1x80xi32, #tpu.memory_space<vmem>>
      %dma_wait3A_461 = tpu.memref_squeeze %dma_wait3A_460 : memref<1x80xi32, #tpu.memory_space<vmem>> -> memref<80xi32, #tpu.memory_space<vmem>>
      %dma_wait3A_462 = arith.constant 0 : i32
      %dma_wait3A_463 = arith.constant 0 : i32
      %dma_wait3A_464 = tpu.memref_slice %arg2[%dma_wait3A_462, %dma_wait3A_463] : memref<10000x128xf32, #tpu.memory_space<hbm>> -> memref<10000x128xf32, #tpu.memory_space<hbm>>
      tpu.wait_indirect_dma semaphore(%arg23 : memref<!tpu.dma_semaphore, #tpu.memory_space<semaphore_mem>>) src(%dma_wait3A_464 : memref<10000x128xf32, #tpu.memory_space<hbm>>) dst(%arg14 : memref<80x128xf32, #tpu.memory_space<vmem>>)
      %ge3A_465 = arith.constant 1 : i32
      %ge3A_466 = arith.cmpi sge, %add3A_457, %ge3A_465 : i32
      %convert_element_type3A_467 = arith.extui %ge3A_466 : i1 to i32
      %cond3A_468 = arith.constant 0 : i32
      %cond3A_469 = arith.cmpi ne, %convert_element_type3A_467, %cond3A_468 : i32
      scf.if %cond3A_469 {
        %dma_wait3A_1006 = arith.constant 1 : i32
        %dma_wait3A_1007 = arith.constant 0 : i32
        %dma_wait3A_1008 = tpu.memref_slice %arg9[%dma_wait3A_1006, %dma_wait3A_1007] : memref<2x80xi32, #tpu.memory_space<vmem>> -> memref<1x80xi32, #tpu.memory_space<vmem>>
        %dma_wait3A_1009 = tpu.memref_squeeze %dma_wait3A_1008 : memref<1x80xi32, #tpu.memory_space<vmem>> -> memref<80xi32, #tpu.memory_space<vmem>>
        %dma_wait3A_1010 = arith.constant 0 : i32
        %dma_wait3A_1011 = arith.constant 0 : i32
        %dma_wait3A_1012 = tpu.memref_slice %arg16[%dma_wait3A_1010, %dma_wait3A_1011] : memref<10112x128xf32, #tpu.memory_space<vmem_shared>> -> memref<10112x128xf32, #tpu.memory_space<vmem_shared>>
        tpu.wait_indirect_dma semaphore(%arg25 : memref<!tpu.dma_semaphore, #tpu.memory_space<semaphore_mem>>) src(%arg13 : memref<80x128xf32, #tpu.memory_space<vmem>>) dst(%dma_wait3A_1012 : memref<10112x128xf32, #tpu.memory_space<vmem_shared>>)
      } else {
      }
      %add3A_470 = arith.constant 2 : i32
      %add3A_471 = arith.addi %add3A_457, %add3A_470 : i32
      %lt3A_472 = arith.constant 125 : i32
      %lt3A_473 = arith.cmpi slt, %add3A_471, %lt3A_472 : i32
      %convert_element_type3A_474 = arith.extui %lt3A_473 : i1 to i32
      %cond3A_475 = arith.constant 0 : i32
      %cond3A_476 = arith.cmpi ne, %convert_element_type3A_474, %cond3A_475 : i32
      scf.if %cond3A_476 {
        %add3A_1006 = arith.constant 2 : i32
        %add3A_1007 = arith.addi %add3A_457, %add3A_1006 : i32
        %dma_wait3A_1008 = arith.constant 0 : i32
        %dma_wait3A_1009 = arith.constant 0 : i32
        %dma_wait3A_1010 = tpu.memref_slice %arg3[%add3A, %add3A_1007, %dma_wait3A_1008, %dma_wait3A_1009] : memref<32x125x2x80xi32, #tpu.memory_space<hbm>> -> memref<1x1x2x80xi32, #tpu.memory_space<hbm>>
        %dma_wait3A_1011 = tpu.memref_squeeze %dma_wait3A_1010 : memref<1x1x2x80xi32, #tpu.memory_space<hbm>> -> memref<2x80xi32, #tpu.memory_space<hbm>>
        %dma_wait3A_1012 = arith.constant 0 : i32
        %dma_wait3A_1013 = arith.constant 0 : i32
        %dma_wait3A_1014 = tpu.memref_slice %arg3[%add3A, %add3A_1007, %dma_wait3A_1012, %dma_wait3A_1013] : memref<32x125x2x80xi32, #tpu.memory_space<hbm>> -> memref<1x1x2x80xi32, #tpu.memory_space<hbm>>
        %dma_wait3A_1015 = tpu.memref_squeeze %dma_wait3A_1014 : memref<1x1x2x80xi32, #tpu.memory_space<hbm>> -> memref<2x80xi32, #tpu.memory_space<hbm>>
        tpu.wait_dma2 semaphore(%arg17 : memref<!tpu.dma_semaphore, #tpu.memory_space<semaphore_mem>>) src(%dma_wait3A_1015 : memref<2x80xi32, #tpu.memory_space<hbm>>) dst(%arg8 : memref<2x80xi32, #tpu.memory_space<vmem>>)
        %add3A_1016 = arith.constant 2 : i32
        %add3A_1017 = arith.addi %add3A_457, %add3A_1016 : i32
        %dma_start3A_1018 = arith.constant 0 : i32
        %dma_start3A_1019 = arith.constant 0 : i32
        %dma_start3A_1020 = tpu.memref_slice %arg8[%dma_start3A_1018, %dma_start3A_1019] : memref<2x80xi32, #tpu.memory_space<vmem>> -> memref<1x80xi32, #tpu.memory_space<vmem>>
        %dma_start3A_1021 = tpu.memref_squeeze %dma_start3A_1020 : memref<1x80xi32, #tpu.memory_space<vmem>> -> memref<80xi32, #tpu.memory_space<vmem>>
        %dma_start3A_1022 = arith.constant 0 : i32
        %dma_start3A_1023 = arith.constant 0 : i32
        %dma_start3A_1024 = tpu.memref_slice %arg2[%dma_start3A_1022, %dma_start3A_1023] : memref<10000x128xf32, #tpu.memory_space<hbm>> -> memref<10000x128xf32, #tpu.memory_space<hbm>>
        tpu.enqueue_indirect_dma source(%dma_start3A_1024 : memref<10000x128xf32, #tpu.memory_space<hbm>>) target(%arg13 : memref<80x128xf32, #tpu.memory_space<vmem>>) offsets(%dma_start3A_1021 : memref<80xi32, #tpu.memory_space<vmem>>) semaphore(%arg22 : memref<!tpu.dma_semaphore, #tpu.memory_space<semaphore_mem>>)
      } else {
      }
      %add3A_477 = arith.constant 3 : i32
      %add3A_478 = arith.addi %add3A_457, %add3A_477 : i32
      %lt3A_479 = arith.constant 125 : i32
      %lt3A_480 = arith.cmpi slt, %add3A_478, %lt3A_479 : i32
      %convert_element_type3A_481 = arith.extui %lt3A_480 : i1 to i32
      %cond3A_482 = arith.constant 0 : i32
      %cond3A_483 = arith.cmpi ne, %convert_element_type3A_481, %cond3A_482 : i32
      scf.if %cond3A_483 {
        %add3A_1006 = arith.constant 3 : i32
        %add3A_1007 = arith.addi %add3A_457, %add3A_1006 : i32
        %dma_start3A_1008 = arith.constant 0 : i32
        %dma_start3A_1009 = arith.constant 0 : i32
        %dma_start3A_1010 = tpu.memref_slice %arg3[%add3A, %add3A_1007, %dma_start3A_1008, %dma_start3A_1009] : memref<32x125x2x80xi32, #tpu.memory_space<hbm>> -> memref<1x1x2x80xi32, #tpu.memory_space<hbm>>
        %dma_start3A_1011 = tpu.memref_squeeze %dma_start3A_1010 : memref<1x1x2x80xi32, #tpu.memory_space<hbm>> -> memref<2x80xi32, #tpu.memory_space<hbm>>
        %dma_start3A_1012 = arith.constant 0 : i32
        %dma_start3A_1013 = arith.constant 0 : i32
        %dma_start3A_1014 = tpu.memref_slice %arg3[%add3A, %add3A_1007, %dma_start3A_1012, %dma_start3A_1013] : memref<32x125x2x80xi32, #tpu.memory_space<hbm>> -> memref<1x1x2x80xi32, #tpu.memory_space<hbm>>
        %dma_start3A_1015 = tpu.memref_squeeze %dma_start3A_1014 : memref<1x1x2x80xi32, #tpu.memory_space<hbm>> -> memref<2x80xi32, #tpu.memory_space<hbm>>
        tpu.enqueue_dma source(%dma_start3A_1015 : memref<2x80xi32, #tpu.memory_space<hbm>>) target(%arg9 : memref<2x80xi32, #tpu.memory_space<vmem>>) target_semaphore(%arg18 : memref<!tpu.dma_semaphore, #tpu.memory_space<semaphore_mem>>)
      } else {
      }
      %dma_start3A_484 = arith.constant 1 : i32
      %dma_start3A_485 = arith.constant 0 : i32
      %dma_start3A_486 = tpu.memref_slice %arg10[%dma_start3A_484, %dma_start3A_485] : memref<2x80xi32, #tpu.memory_space<vmem>> -> memref<1x80xi32, #tpu.memory_space<vmem>>
      %dma_start3A_487 = tpu.memref_squeeze %dma_start3A_486 : memref<1x80xi32, #tpu.memory_space<vmem>> -> memref<80xi32, #tpu.memory_space<vmem>>
      %dma_start3A_488 = arith.constant 0 : i32
      %dma_start3A_489 = arith.constant 0 : i32
      %dma_start3A_490 = tpu.memref_slice %arg16[%dma_start3A_488, %dma_start3A_489] : memref<10112x128xf32, #tpu.memory_space<vmem_shared>> -> memref<10112x128xf32, #tpu.memory_space<vmem_shared>>
      tpu.enqueue_indirect_dma source(%arg14 : memref<80x128xf32, #tpu.memory_space<vmem>>) target(%dma_start3A_490 : memref<10112x128xf32, #tpu.memory_space<vmem_shared>>) offsets(%dma_start3A_487 : memref<80xi32, #tpu.memory_space<vmem>>) semaphore(%arg26 : memref<!tpu.dma_semaphore, #tpu.memory_space<semaphore_mem>>) {add = true}
      %get3A_491 = arith.constant 1 : i32
      %get3A_492 = arith.index_cast %get3A_491 : i32 to index
      %get3A_493 = arith.constant 0 : index
      %get3A_494 = tpu.vector_load %arg10[%get3A_492, %get3A_493] {strides = array<i32>} : memref<2x80xi32, #tpu.memory_space<vmem>>, vector<16xi32>,
      tpu.vector_store_idx %arg15[%broadcast_in_dim3A_60, %get3A_494], %broadcast_in_dim3A_62 {add = true} : memref<1x10112xf32, #tpu.memory_space<vmem>>[vector<16xi32>, vector<16xi32>], vector<16xf32>,
      %get3A_495 = arith.constant 1 : i32
      %get3A_496 = arith.index_cast %get3A_495 : i32 to index
      %get3A_497 = arith.constant 16 : index
      %get3A_498 = tpu.vector_load %arg10[%get3A_496, %get3A_497] {strides = array<i32>} : memref<2x80xi32, #tpu.memory_space<vmem>>, vector<16xi32>,
      tpu.vector_store_idx %arg15[%broadcast_in_dim3A_60, %get3A_498], %broadcast_in_dim3A_62 {add = true} : memref<1x10112xf32, #tpu.memory_space<vmem>>[vector<16xi32>, vector<16xi32>], vector<16xf32>,
      %get3A_499 = arith.constant 1 : i32
      %get3A_500 = arith.index_cast %get3A_499 : i32 to index
      %get3A_501 = arith.constant 32 : index
      %get3A_502 = tpu.vector_load %arg10[%get3A_500, %get3A_501] {strides = array<i32>} : memref<2x80xi32, #tpu.memory_space<vmem>>, vector<16xi32>,
      tpu.vector_store_idx %arg15[%broadcast_in_dim3A_60, %get3A_502], %broadcast_in_dim3A_62 {add = true} : memref<1x10112xf32, #tpu.memory_space<vmem>>[vector<16xi32>, vector<16xi32>], vector<16xf32>,
      %get3A_503 = arith.constant 1 : i32
      %get3A_504 = arith.index_cast %get3A_503 : i32 to index
      %get3A_505 = arith.constant 48 : index
      %get3A_506 = tpu.vector_load %arg10[%get3A_504, %get3A_505] {strides = array<i32>} : memref<2x80xi32, #tpu.memory_space<vmem>>, vector<16xi32>,
      tpu.vector_store_idx %arg15[%broadcast_in_dim3A_60, %get3A_506], %broadcast_in_dim3A_62 {add = true} : memref<1x10112xf32, #tpu.memory_space<vmem>>[vector<16xi32>, vector<16xi32>], vector<16xf32>,
      %get3A_507 = arith.constant 1 : i32
      %get3A_508 = arith.index_cast %get3A_507 : i32 to index
      %get3A_509 = arith.constant 64 : index
      %get3A_510 = tpu.vector_load %arg10[%get3A_508, %get3A_509] {strides = array<i32>} : memref<2x80xi32, #tpu.memory_space<vmem>>, vector<16xi32>,
      tpu.vector_store_idx %arg15[%broadcast_in_dim3A_60, %get3A_510], %broadcast_in_dim3A_62 {add = true} : memref<1x10112xf32, #tpu.memory_space<vmem>>[vector<16xi32>, vector<16xi32>], vector<16xf32>,
      %add3A_511 = arith.constant 3 : i32
      %add3A_512 = arith.addi %add3A_349, %add3A_511 : i32
      %dma_wait3A_513 = arith.constant 0 : i32
      %dma_wait3A_514 = arith.constant 0 : i32
      %dma_wait3A_515 = tpu.memref_slice %arg11[%dma_wait3A_513, %dma_wait3A_514] : memref<2x80xi32, #tpu.memory_space<vmem>> -> memref<1x80xi32, #tpu.memory_space<vmem>>
      %dma_wait3A_516 = tpu.memref_squeeze %dma_wait3A_515 : memref<1x80xi32, #tpu.memory_space<vmem>> -> memref<80xi32, #tpu.memory_space<vmem>>
      %dma_wait3A_517 = arith.constant 0 : i32
      %dma_wait3A_518 = arith.constant 0 : i32
      %dma_wait3A_519 = tpu.memref_slice %arg2[%dma_wait3A_517, %dma_wait3A_518] : memref<10000x128xf32, #tpu.memory_space<hbm>> -> memref<10000x128xf32, #tpu.memory_space<hbm>>
      tpu.wait_indirect_dma semaphore(%arg21 : memref<!tpu.dma_semaphore, #tpu.memory_space<semaphore_mem>>) src(%dma_wait3A_519 : memref<10000x128xf32, #tpu.memory_space<hbm>>) dst(%arg12 : memref<80x128xf32, #tpu.memory_space<vmem>>)
      %ge3A_520 = arith.constant 1 : i32
      %ge3A_521 = arith.cmpi sge, %add3A_512, %ge3A_520 : i32
      %convert_element_type3A_522 = arith.extui %ge3A_521 : i1 to i32
      %cond3A_523 = arith.constant 0 : i32
      %cond3A_524 = arith.cmpi ne, %convert_element_type3A_522, %cond3A_523 : i32
      scf.if %cond3A_524 {
        %dma_wait3A_1006 = arith.constant 1 : i32
        %dma_wait3A_1007 = arith.constant 0 : i32
        %dma_wait3A_1008 = tpu.memref_slice %arg10[%dma_wait3A_1006, %dma_wait3A_1007] : memref<2x80xi32, #tpu.memory_space<vmem>> -> memref<1x80xi32, #tpu.memory_space<vmem>>
        %dma_wait3A_1009 = tpu.memref_squeeze %dma_wait3A_1008 : memref<1x80xi32, #tpu.memory_space<vmem>> -> memref<80xi32, #tpu.memory_space<vmem>>
        %dma_wait3A_1010 = arith.constant 0 : i32
        %dma_wait3A_1011 = arith.constant 0 : i32
        %dma_wait3A_1012 = tpu.memref_slice %arg16[%dma_wait3A_1010, %dma_wait3A_1011] : memref<10112x128xf32, #tpu.memory_space<vmem_shared>> -> memref<10112x128xf32, #tpu.memory_space<vmem_shared>>
        tpu.wait_indirect_dma semaphore(%arg26 : memref<!tpu.dma_semaphore, #tpu.memory_space<semaphore_mem>>) src(%arg14 : memref<80x128xf32, #tpu.memory_space<vmem>>) dst(%dma_wait3A_1012 : memref<10112x128xf32, #tpu.memory_space<vmem_shared>>)
      } else {
      }
      %add3A_525 = arith.constant 2 : i32
      %add3A_526 = arith.addi %add3A_512, %add3A_525 : i32
      %lt3A_527 = arith.constant 125 : i32
      %lt3A_528 = arith.cmpi slt, %add3A_526, %lt3A_527 : i32
      %convert_element_type3A_529 = arith.extui %lt3A_528 : i1 to i32
      %cond3A_530 = arith.constant 0 : i32
      %cond3A_531 = arith.cmpi ne, %convert_element_type3A_529, %cond3A_530 : i32
      scf.if %cond3A_531 {
        %add3A_1006 = arith.constant 2 : i32
        %add3A_1007 = arith.addi %add3A_512, %add3A_1006 : i32
        %dma_wait3A_1008 = arith.constant 0 : i32
        %dma_wait3A_1009 = arith.constant 0 : i32
        %dma_wait3A_1010 = tpu.memref_slice %arg3[%add3A, %add3A_1007, %dma_wait3A_1008, %dma_wait3A_1009] : memref<32x125x2x80xi32, #tpu.memory_space<hbm>> -> memref<1x1x2x80xi32, #tpu.memory_space<hbm>>
        %dma_wait3A_1011 = tpu.memref_squeeze %dma_wait3A_1010 : memref<1x1x2x80xi32, #tpu.memory_space<hbm>> -> memref<2x80xi32, #tpu.memory_space<hbm>>
        %dma_wait3A_1012 = arith.constant 0 : i32
        %dma_wait3A_1013 = arith.constant 0 : i32
        %dma_wait3A_1014 = tpu.memref_slice %arg3[%add3A, %add3A_1007, %dma_wait3A_1012, %dma_wait3A_1013] : memref<32x125x2x80xi32, #tpu.memory_space<hbm>> -> memref<1x1x2x80xi32, #tpu.memory_space<hbm>>
        %dma_wait3A_1015 = tpu.memref_squeeze %dma_wait3A_1014 : memref<1x1x2x80xi32, #tpu.memory_space<hbm>> -> memref<2x80xi32, #tpu.memory_space<hbm>>
        tpu.wait_dma2 semaphore(%arg18 : memref<!tpu.dma_semaphore, #tpu.memory_space<semaphore_mem>>) src(%dma_wait3A_1015 : memref<2x80xi32, #tpu.memory_space<hbm>>) dst(%arg9 : memref<2x80xi32, #tpu.memory_space<vmem>>)
        %add3A_1016 = arith.constant 2 : i32
        %add3A_1017 = arith.addi %add3A_512, %add3A_1016 : i32
        %dma_start3A_1018 = arith.constant 0 : i32
        %dma_start3A_1019 = arith.constant 0 : i32
        %dma_start3A_1020 = tpu.memref_slice %arg9[%dma_start3A_1018, %dma_start3A_1019] : memref<2x80xi32, #tpu.memory_space<vmem>> -> memref<1x80xi32, #tpu.memory_space<vmem>>
        %dma_start3A_1021 = tpu.memref_squeeze %dma_start3A_1020 : memref<1x80xi32, #tpu.memory_space<vmem>> -> memref<80xi32, #tpu.memory_space<vmem>>
        %dma_start3A_1022 = arith.constant 0 : i32
        %dma_start3A_1023 = arith.constant 0 : i32
        %dma_start3A_1024 = tpu.memref_slice %arg2[%dma_start3A_1022, %dma_start3A_1023] : memref<10000x128xf32, #tpu.memory_space<hbm>> -> memref<10000x128xf32, #tpu.memory_space<hbm>>
        tpu.enqueue_indirect_dma source(%dma_start3A_1024 : memref<10000x128xf32, #tpu.memory_space<hbm>>) target(%arg14 : memref<80x128xf32, #tpu.memory_space<vmem>>) offsets(%dma_start3A_1021 : memref<80xi32, #tpu.memory_space<vmem>>) semaphore(%arg23 : memref<!tpu.dma_semaphore, #tpu.memory_space<semaphore_mem>>)
      } else {
      }
      %add3A_532 = arith.constant 3 : i32
      %add3A_533 = arith.addi %add3A_512, %add3A_532 : i32
      %lt3A_534 = arith.constant 125 : i32
      %lt3A_535 = arith.cmpi slt, %add3A_533, %lt3A_534 : i32
      %convert_element_type3A_536 = arith.extui %lt3A_535 : i1 to i32
      %cond3A_537 = arith.constant 0 : i32
      %cond3A_538 = arith.cmpi ne, %convert_element_type3A_536, %cond3A_537 : i32
      scf.if %cond3A_538 {
        %add3A_1006 = arith.constant 3 : i32
        %add3A_1007 = arith.addi %add3A_512, %add3A_1006 : i32
        %dma_start3A_1008 = arith.constant 0 : i32
        %dma_start3A_1009 = arith.constant 0 : i32
        %dma_start3A_1010 = tpu.memref_slice %arg3[%add3A, %add3A_1007, %dma_start3A_1008, %dma_start3A_1009] : memref<32x125x2x80xi32, #tpu.memory_space<hbm>> -> memref<1x1x2x80xi32, #tpu.memory_space<hbm>>
        %dma_start3A_1011 = tpu.memref_squeeze %dma_start3A_1010 : memref<1x1x2x80xi32, #tpu.memory_space<hbm>> -> memref<2x80xi32, #tpu.memory_space<hbm>>
        %dma_start3A_1012 = arith.constant 0 : i32
        %dma_start3A_1013 = arith.constant 0 : i32
        %dma_start3A_1014 = tpu.memref_slice %arg3[%add3A, %add3A_1007, %dma_start3A_1012, %dma_start3A_1013] : memref<32x125x2x80xi32, #tpu.memory_space<hbm>> -> memref<1x1x2x80xi32, #tpu.memory_space<hbm>>
        %dma_start3A_1015 = tpu.memref_squeeze %dma_start3A_1014 : memref<1x1x2x80xi32, #tpu.memory_space<hbm>> -> memref<2x80xi32, #tpu.memory_space<hbm>>
        tpu.enqueue_dma source(%dma_start3A_1015 : memref<2x80xi32, #tpu.memory_space<hbm>>) target(%arg10 : memref<2x80xi32, #tpu.memory_space<vmem>>) target_semaphore(%arg19 : memref<!tpu.dma_semaphore, #tpu.memory_space<semaphore_mem>>)
      } else {
      }
      %dma_start3A_539 = arith.constant 1 : i32
      %dma_start3A_540 = arith.constant 0 : i32
      %dma_start3A_541 = tpu.memref_slice %arg11[%dma_start3A_539, %dma_start3A_540] : memref<2x80xi32, #tpu.memory_space<vmem>> -> memref<1x80xi32, #tpu.memory_space<vmem>>
      %dma_start3A_542 = tpu.memref_squeeze %dma_start3A_541 : memref<1x80xi32, #tpu.memory_space<vmem>> -> memref<80xi32, #tpu.memory_space<vmem>>
      %dma_start3A_543 = arith.constant 0 : i32
      %dma_start3A_544 = arith.constant 0 : i32
      %dma_start3A_545 = tpu.memref_slice %arg16[%dma_start3A_543, %dma_start3A_544] : memref<10112x128xf32, #tpu.memory_space<vmem_shared>> -> memref<10112x128xf32, #tpu.memory_space<vmem_shared>>
      tpu.enqueue_indirect_dma source(%arg12 : memref<80x128xf32, #tpu.memory_space<vmem>>) target(%dma_start3A_545 : memref<10112x128xf32, #tpu.memory_space<vmem_shared>>) offsets(%dma_start3A_542 : memref<80xi32, #tpu.memory_space<vmem>>) semaphore(%arg24 : memref<!tpu.dma_semaphore, #tpu.memory_space<semaphore_mem>>) {add = true}
      %get3A_546 = arith.constant 1 : i32
      %get3A_547 = arith.index_cast %get3A_546 : i32 to index
      %get3A_548 = arith.constant 0 : index
      %get3A_549 = tpu.vector_load %arg11[%get3A_547, %get3A_548] {strides = array<i32>} : memref<2x80xi32, #tpu.memory_space<vmem>>, vector<16xi32>,
      tpu.vector_store_idx %arg15[%broadcast_in_dim3A_60, %get3A_549], %broadcast_in_dim3A_62 {add = true} : memref<1x10112xf32, #tpu.memory_space<vmem>>[vector<16xi32>, vector<16xi32>], vector<16xf32>,
      %get3A_550 = arith.constant 1 : i32
      %get3A_551 = arith.index_cast %get3A_550 : i32 to index
      %get3A_552 = arith.constant 16 : index
      %get3A_553 = tpu.vector_load %arg11[%get3A_551, %get3A_552] {strides = array<i32>} : memref<2x80xi32, #tpu.memory_space<vmem>>, vector<16xi32>,
      tpu.vector_store_idx %arg15[%broadcast_in_dim3A_60, %get3A_553], %broadcast_in_dim3A_62 {add = true} : memref<1x10112xf32, #tpu.memory_space<vmem>>[vector<16xi32>, vector<16xi32>], vector<16xf32>,
      %get3A_554 = arith.constant 1 : i32
      %get3A_555 = arith.index_cast %get3A_554 : i32 to index
      %get3A_556 = arith.constant 32 : index
      %get3A_557 = tpu.vector_load %arg11[%get3A_555, %get3A_556] {strides = array<i32>} : memref<2x80xi32, #tpu.memory_space<vmem>>, vector<16xi32>,
      tpu.vector_store_idx %arg15[%broadcast_in_dim3A_60, %get3A_557], %broadcast_in_dim3A_62 {add = true} : memref<1x10112xf32, #tpu.memory_space<vmem>>[vector<16xi32>, vector<16xi32>], vector<16xf32>,
      %get3A_558 = arith.constant 1 : i32
      %get3A_559 = arith.index_cast %get3A_558 : i32 to index
      %get3A_560 = arith.constant 48 : index
      %get3A_561 = tpu.vector_load %arg11[%get3A_559, %get3A_560] {strides = array<i32>} : memref<2x80xi32, #tpu.memory_space<vmem>>, vector<16xi32>,
      tpu.vector_store_idx %arg15[%broadcast_in_dim3A_60, %get3A_561], %broadcast_in_dim3A_62 {add = true} : memref<1x10112xf32, #tpu.memory_space<vmem>>[vector<16xi32>, vector<16xi32>], vector<16xf32>,
      %get3A_562 = arith.constant 1 : i32
      %get3A_563 = arith.index_cast %get3A_562 : i32 to index
      %get3A_564 = arith.constant 64 : index
      %get3A_565 = tpu.vector_load %arg11[%get3A_563, %get3A_564] {strides = array<i32>} : memref<2x80xi32, #tpu.memory_space<vmem>>, vector<16xi32>,
      tpu.vector_store_idx %arg15[%broadcast_in_dim3A_60, %get3A_565], %broadcast_in_dim3A_62 {add = true} : memref<1x10112xf32, #tpu.memory_space<vmem>>[vector<16xi32>, vector<16xi32>], vector<16xf32>,
      %add3A_566 = arith.constant 4 : i32
      %add3A_567 = arith.addi %add3A_349, %add3A_566 : i32
      %dma_wait3A_568 = arith.constant 0 : i32
      %dma_wait3A_569 = arith.constant 0 : i32
      %dma_wait3A_570 = tpu.memref_slice %arg8[%dma_wait3A_568, %dma_wait3A_569] : memref<2x80xi32, #tpu.memory_space<vmem>> -> memref<1x80xi32, #tpu.memory_space<vmem>>
      %dma_wait3A_571 = tpu.memref_squeeze %dma_wait3A_570 : memref<1x80xi32, #tpu.memory_space<vmem>> -> memref<80xi32, #tpu.memory_space<vmem>>
      %dma_wait3A_572 = arith.constant 0 : i32
      %dma_wait3A_573 = arith.constant 0 : i32
      %dma_wait3A_574 = tpu.memref_slice %arg2[%dma_wait3A_572, %dma_wait3A_573] : memref<10000x128xf32, #tpu.memory_space<hbm>> -> memref<10000x128xf32, #tpu.memory_space<hbm>>
      tpu.wait_indirect_dma semaphore(%arg22 : memref<!tpu.dma_semaphore, #tpu.memory_space<semaphore_mem>>) src(%dma_wait3A_574 : memref<10000x128xf32, #tpu.memory_space<hbm>>) dst(%arg13 : memref<80x128xf32, #tpu.memory_space<vmem>>)
      %ge3A_575 = arith.constant 1 : i32
      %ge3A_576 = arith.cmpi sge, %add3A_567, %ge3A_575 : i32
      %convert_element_type3A_577 = arith.extui %ge3A_576 : i1 to i32
      %cond3A_578 = arith.constant 0 : i32
      %cond3A_579 = arith.cmpi ne, %convert_element_type3A_577, %cond3A_578 : i32
      scf.if %cond3A_579 {
        %dma_wait3A_1006 = arith.constant 1 : i32
        %dma_wait3A_1007 = arith.constant 0 : i32
        %dma_wait3A_1008 = tpu.memref_slice %arg11[%dma_wait3A_1006, %dma_wait3A_1007] : memref<2x80xi32, #tpu.memory_space<vmem>> -> memref<1x80xi32, #tpu.memory_space<vmem>>
        %dma_wait3A_1009 = tpu.memref_squeeze %dma_wait3A_1008 : memref<1x80xi32, #tpu.memory_space<vmem>> -> memref<80xi32, #tpu.memory_space<vmem>>
        %dma_wait3A_1010 = arith.constant 0 : i32
        %dma_wait3A_1011 = arith.constant 0 : i32
        %dma_wait3A_1012 = tpu.memref_slice %arg16[%dma_wait3A_1010, %dma_wait3A_1011] : memref<10112x128xf32, #tpu.memory_space<vmem_shared>> -> memref<10112x128xf32, #tpu.memory_space<vmem_shared>>
        tpu.wait_indirect_dma semaphore(%arg24 : memref<!tpu.dma_semaphore, #tpu.memory_space<semaphore_mem>>) src(%arg12 : memref<80x128xf32, #tpu.memory_space<vmem>>) dst(%dma_wait3A_1012 : memref<10112x128xf32, #tpu.memory_space<vmem_shared>>)
      } else {
      }
      %add3A_580 = arith.constant 2 : i32
      %add3A_581 = arith.addi %add3A_567, %add3A_580 : i32
      %lt3A_582 = arith.constant 125 : i32
      %lt3A_583 = arith.cmpi slt, %add3A_581, %lt3A_582 : i32
      %convert_element_type3A_584 = arith.extui %lt3A_583 : i1 to i32
      %cond3A_585 = arith.constant 0 : i32
      %cond3A_586 = arith.cmpi ne, %convert_element_type3A_584, %cond3A_585 : i32
      scf.if %cond3A_586 {
        %add3A_1006 = arith.constant 2 : i32
        %add3A_1007 = arith.addi %add3A_567, %add3A_1006 : i32
        %dma_wait3A_1008 = arith.constant 0 : i32
        %dma_wait3A_1009 = arith.constant 0 : i32
        %dma_wait3A_1010 = tpu.memref_slice %arg3[%add3A, %add3A_1007, %dma_wait3A_1008, %dma_wait3A_1009] : memref<32x125x2x80xi32, #tpu.memory_space<hbm>> -> memref<1x1x2x80xi32, #tpu.memory_space<hbm>>
        %dma_wait3A_1011 = tpu.memref_squeeze %dma_wait3A_1010 : memref<1x1x2x80xi32, #tpu.memory_space<hbm>> -> memref<2x80xi32, #tpu.memory_space<hbm>>
        %dma_wait3A_1012 = arith.constant 0 : i32
        %dma_wait3A_1013 = arith.constant 0 : i32
        %dma_wait3A_1014 = tpu.memref_slice %arg3[%add3A, %add3A_1007, %dma_wait3A_1012, %dma_wait3A_1013] : memref<32x125x2x80xi32, #tpu.memory_space<hbm>> -> memref<1x1x2x80xi32, #tpu.memory_space<hbm>>
        %dma_wait3A_1015 = tpu.memref_squeeze %dma_wait3A_1014 : memref<1x1x2x80xi32, #tpu.memory_space<hbm>> -> memref<2x80xi32, #tpu.memory_space<hbm>>
        tpu.wait_dma2 semaphore(%arg19 : memref<!tpu.dma_semaphore, #tpu.memory_space<semaphore_mem>>) src(%dma_wait3A_1015 : memref<2x80xi32, #tpu.memory_space<hbm>>) dst(%arg10 : memref<2x80xi32, #tpu.memory_space<vmem>>)
        %add3A_1016 = arith.constant 2 : i32
        %add3A_1017 = arith.addi %add3A_567, %add3A_1016 : i32
        %dma_start3A_1018 = arith.constant 0 : i32
        %dma_start3A_1019 = arith.constant 0 : i32
        %dma_start3A_1020 = tpu.memref_slice %arg10[%dma_start3A_1018, %dma_start3A_1019] : memref<2x80xi32, #tpu.memory_space<vmem>> -> memref<1x80xi32, #tpu.memory_space<vmem>>
        %dma_start3A_1021 = tpu.memref_squeeze %dma_start3A_1020 : memref<1x80xi32, #tpu.memory_space<vmem>> -> memref<80xi32, #tpu.memory_space<vmem>>
        %dma_start3A_1022 = arith.constant 0 : i32
        %dma_start3A_1023 = arith.constant 0 : i32
        %dma_start3A_1024 = tpu.memref_slice %arg2[%dma_start3A_1022, %dma_start3A_1023] : memref<10000x128xf32, #tpu.memory_space<hbm>> -> memref<10000x128xf32, #tpu.memory_space<hbm>>
        tpu.enqueue_indirect_dma source(%dma_start3A_1024 : memref<10000x128xf32, #tpu.memory_space<hbm>>) target(%arg12 : memref<80x128xf32, #tpu.memory_space<vmem>>) offsets(%dma_start3A_1021 : memref<80xi32, #tpu.memory_space<vmem>>) semaphore(%arg21 : memref<!tpu.dma_semaphore, #tpu.memory_space<semaphore_mem>>)
      } else {
      }
      %add3A_587 = arith.constant 3 : i32
      %add3A_588 = arith.addi %add3A_567, %add3A_587 : i32
      %lt3A_589 = arith.constant 125 : i32
      %lt3A_590 = arith.cmpi slt, %add3A_588, %lt3A_589 : i32
      %convert_element_type3A_591 = arith.extui %lt3A_590 : i1 to i32
      %cond3A_592 = arith.constant 0 : i32
      %cond3A_593 = arith.cmpi ne, %convert_element_type3A_591, %cond3A_592 : i32
      scf.if %cond3A_593 {
        %add3A_1006 = arith.constant 3 : i32
        %add3A_1007 = arith.addi %add3A_567, %add3A_1006 : i32
        %dma_start3A_1008 = arith.constant 0 : i32
        %dma_start3A_1009 = arith.constant 0 : i32
        %dma_start3A_1010 = tpu.memref_slice %arg3[%add3A, %add3A_1007, %dma_start3A_1008, %dma_start3A_1009] : memref<32x125x2x80xi32, #tpu.memory_space<hbm>> -> memref<1x1x2x80xi32, #tpu.memory_space<hbm>>
        %dma_start3A_1011 = tpu.memref_squeeze %dma_start3A_1010 : memref<1x1x2x80xi32, #tpu.memory_space<hbm>> -> memref<2x80xi32, #tpu.memory_space<hbm>>
        %dma_start3A_1012 = arith.constant 0 : i32
        %dma_start3A_1013 = arith.constant 0 : i32
        %dma_start3A_1014 = tpu.memref_slice %arg3[%add3A, %add3A_1007, %dma_start3A_1012, %dma_start3A_1013] : memref<32x125x2x80xi32, #tpu.memory_space<hbm>> -> memref<1x1x2x80xi32, #tpu.memory_space<hbm>>
        %dma_start3A_1015 = tpu.memref_squeeze %dma_start3A_1014 : memref<1x1x2x80xi32, #tpu.memory_space<hbm>> -> memref<2x80xi32, #tpu.memory_space<hbm>>
        tpu.enqueue_dma source(%dma_start3A_1015 : memref<2x80xi32, #tpu.memory_space<hbm>>) target(%arg11 : memref<2x80xi32, #tpu.memory_space<vmem>>) target_semaphore(%arg20 : memref<!tpu.dma_semaphore, #tpu.memory_space<semaphore_mem>>)
      } else {
      }
      %dma_start3A_594 = arith.constant 1 : i32
      %dma_start3A_595 = arith.constant 0 : i32
      %dma_start3A_596 = tpu.memref_slice %arg8[%dma_start3A_594, %dma_start3A_595] : memref<2x80xi32, #tpu.memory_space<vmem>> -> memref<1x80xi32, #tpu.memory_space<vmem>>
      %dma_start3A_597 = tpu.memref_squeeze %dma_start3A_596 : memref<1x80xi32, #tpu.memory_space<vmem>> -> memref<80xi32, #tpu.memory_space<vmem>>
      %dma_start3A_598 = arith.constant 0 : i32
      %dma_start3A_599 = arith.constant 0 : i32
      %dma_start3A_600 = tpu.memref_slice %arg16[%dma_start3A_598, %dma_start3A_599] : memref<10112x128xf32, #tpu.memory_space<vmem_shared>> -> memref<10112x128xf32, #tpu.memory_space<vmem_shared>>
      tpu.enqueue_indirect_dma source(%arg13 : memref<80x128xf32, #tpu.memory_space<vmem>>) target(%dma_start3A_600 : memref<10112x128xf32, #tpu.memory_space<vmem_shared>>) offsets(%dma_start3A_597 : memref<80xi32, #tpu.memory_space<vmem>>) semaphore(%arg25 : memref<!tpu.dma_semaphore, #tpu.memory_space<semaphore_mem>>) {add = true}
      %get3A_601 = arith.constant 1 : i32
      %get3A_602 = arith.index_cast %get3A_601 : i32 to index
      %get3A_603 = arith.constant 0 : index
      %get3A_604 = tpu.vector_load %arg8[%get3A_602, %get3A_603] {strides = array<i32>} : memref<2x80xi32, #tpu.memory_space<vmem>>, vector<16xi32>,
      tpu.vector_store_idx %arg15[%broadcast_in_dim3A_60, %get3A_604], %broadcast_in_dim3A_62 {add = true} : memref<1x10112xf32, #tpu.memory_space<vmem>>[vector<16xi32>, vector<16xi32>], vector<16xf32>,
      %get3A_605 = arith.constant 1 : i32
      %get3A_606 = arith.index_cast %get3A_605 : i32 to index
      %get3A_607 = arith.constant 16 : index
      %get3A_608 = tpu.vector_load %arg8[%get3A_606, %get3A_607] {strides = array<i32>} : memref<2x80xi32, #tpu.memory_space<vmem>>, vector<16xi32>,
      tpu.vector_store_idx %arg15[%broadcast_in_dim3A_60, %get3A_608], %broadcast_in_dim3A_62 {add = true} : memref<1x10112xf32, #tpu.memory_space<vmem>>[vector<16xi32>, vector<16xi32>], vector<16xf32>,
      %get3A_609 = arith.constant 1 : i32
      %get3A_610 = arith.index_cast %get3A_609 : i32 to index
      %get3A_611 = arith.constant 32 : index
      %get3A_612 = tpu.vector_load %arg8[%get3A_610, %get3A_611] {strides = array<i32>} : memref<2x80xi32, #tpu.memory_space<vmem>>, vector<16xi32>,
      tpu.vector_store_idx %arg15[%broadcast_in_dim3A_60, %get3A_612], %broadcast_in_dim3A_62 {add = true} : memref<1x10112xf32, #tpu.memory_space<vmem>>[vector<16xi32>, vector<16xi32>], vector<16xf32>,
      %get3A_613 = arith.constant 1 : i32
      %get3A_614 = arith.index_cast %get3A_613 : i32 to index
      %get3A_615 = arith.constant 48 : index
      %get3A_616 = tpu.vector_load %arg8[%get3A_614, %get3A_615] {strides = array<i32>} : memref<2x80xi32, #tpu.memory_space<vmem>>, vector<16xi32>,
      tpu.vector_store_idx %arg15[%broadcast_in_dim3A_60, %get3A_616], %broadcast_in_dim3A_62 {add = true} : memref<1x10112xf32, #tpu.memory_space<vmem>>[vector<16xi32>, vector<16xi32>], vector<16xf32>,
      %get3A_617 = arith.constant 1 : i32
      %get3A_618 = arith.index_cast %get3A_617 : i32 to index
      %get3A_619 = arith.constant 64 : index
      %get3A_620 = tpu.vector_load %arg8[%get3A_618, %get3A_619] {strides = array<i32>} : memref<2x80xi32, #tpu.memory_space<vmem>>, vector<16xi32>,
      tpu.vector_store_idx %arg15[%broadcast_in_dim3A_60, %get3A_620], %broadcast_in_dim3A_62 {add = true} : memref<1x10112xf32, #tpu.memory_space<vmem>>[vector<16xi32>, vector<16xi32>], vector<16xf32>,
      %add3A_621 = arith.constant 5 : i32
      %add3A_622 = arith.addi %add3A_349, %add3A_621 : i32
      %dma_wait3A_623 = arith.constant 0 : i32
      %dma_wait3A_624 = arith.constant 0 : i32
      %dma_wait3A_625 = tpu.memref_slice %arg9[%dma_wait3A_623, %dma_wait3A_624] : memref<2x80xi32, #tpu.memory_space<vmem>> -> memref<1x80xi32, #tpu.memory_space<vmem>>
      %dma_wait3A_626 = tpu.memref_squeeze %dma_wait3A_625 : memref<1x80xi32, #tpu.memory_space<vmem>> -> memref<80xi32, #tpu.memory_space<vmem>>
      %dma_wait3A_627 = arith.constant 0 : i32
      %dma_wait3A_628 = arith.constant 0 : i32
      %dma_wait3A_629 = tpu.memref_slice %arg2[%dma_wait3A_627, %dma_wait3A_628] : memref<10000x128xf32, #tpu.memory_space<hbm>> -> memref<10000x128xf32, #tpu.memory_space<hbm>>
      tpu.wait_indirect_dma semaphore(%arg23 : memref<!tpu.dma_semaphore, #tpu.memory_space<semaphore_mem>>) src(%dma_wait3A_629 : memref<10000x128xf32, #tpu.memory_space<hbm>>) dst(%arg14 : memref<80x128xf32, #tpu.memory_space<vmem>>)
      %ge3A_630 = arith.constant 1 : i32
      %ge3A_631 = arith.cmpi sge, %add3A_622, %ge3A_630 : i32
      %convert_element_type3A_632 = arith.extui %ge3A_631 : i1 to i32
      %cond3A_633 = arith.constant 0 : i32
      %cond3A_634 = arith.cmpi ne, %convert_element_type3A_632, %cond3A_633 : i32
      scf.if %cond3A_634 {
        %dma_wait3A_1006 = arith.constant 1 : i32
        %dma_wait3A_1007 = arith.constant 0 : i32
        %dma_wait3A_1008 = tpu.memref_slice %arg8[%dma_wait3A_1006, %dma_wait3A_1007] : memref<2x80xi32, #tpu.memory_space<vmem>> -> memref<1x80xi32, #tpu.memory_space<vmem>>
        %dma_wait3A_1009 = tpu.memref_squeeze %dma_wait3A_1008 : memref<1x80xi32, #tpu.memory_space<vmem>> -> memref<80xi32, #tpu.memory_space<vmem>>
        %dma_wait3A_1010 = arith.constant 0 : i32
        %dma_wait3A_1011 = arith.constant 0 : i32
        %dma_wait3A_1012 = tpu.memref_slice %arg16[%dma_wait3A_1010, %dma_wait3A_1011] : memref<10112x128xf32, #tpu.memory_space<vmem_shared>> -> memref<10112x128xf32, #tpu.memory_space<vmem_shared>>
        tpu.wait_indirect_dma semaphore(%arg25 : memref<!tpu.dma_semaphore, #tpu.memory_space<semaphore_mem>>) src(%arg13 : memref<80x128xf32, #tpu.memory_space<vmem>>) dst(%dma_wait3A_1012 : memref<10112x128xf32, #tpu.memory_space<vmem_shared>>)
      } else {
      }
      %add3A_635 = arith.constant 2 : i32
      %add3A_636 = arith.addi %add3A_622, %add3A_635 : i32
      %lt3A_637 = arith.constant 125 : i32
      %lt3A_638 = arith.cmpi slt, %add3A_636, %lt3A_637 : i32
      %convert_element_type3A_639 = arith.extui %lt3A_638 : i1 to i32
      %cond3A_640 = arith.constant 0 : i32
      %cond3A_641 = arith.cmpi ne, %convert_element_type3A_639, %cond3A_640 : i32
      scf.if %cond3A_641 {
        %add3A_1006 = arith.constant 2 : i32
        %add3A_1007 = arith.addi %add3A_622, %add3A_1006 : i32
        %dma_wait3A_1008 = arith.constant 0 : i32
        %dma_wait3A_1009 = arith.constant 0 : i32
        %dma_wait3A_1010 = tpu.memref_slice %arg3[%add3A, %add3A_1007, %dma_wait3A_1008, %dma_wait3A_1009] : memref<32x125x2x80xi32, #tpu.memory_space<hbm>> -> memref<1x1x2x80xi32, #tpu.memory_space<hbm>>
        %dma_wait3A_1011 = tpu.memref_squeeze %dma_wait3A_1010 : memref<1x1x2x80xi32, #tpu.memory_space<hbm>> -> memref<2x80xi32, #tpu.memory_space<hbm>>
        %dma_wait3A_1012 = arith.constant 0 : i32
        %dma_wait3A_1013 = arith.constant 0 : i32
        %dma_wait3A_1014 = tpu.memref_slice %arg3[%add3A, %add3A_1007, %dma_wait3A_1012, %dma_wait3A_1013] : memref<32x125x2x80xi32, #tpu.memory_space<hbm>> -> memref<1x1x2x80xi32, #tpu.memory_space<hbm>>
        %dma_wait3A_1015 = tpu.memref_squeeze %dma_wait3A_1014 : memref<1x1x2x80xi32, #tpu.memory_space<hbm>> -> memref<2x80xi32, #tpu.memory_space<hbm>>
        tpu.wait_dma2 semaphore(%arg20 : memref<!tpu.dma_semaphore, #tpu.memory_space<semaphore_mem>>) src(%dma_wait3A_1015 : memref<2x80xi32, #tpu.memory_space<hbm>>) dst(%arg11 : memref<2x80xi32, #tpu.memory_space<vmem>>)
        %add3A_1016 = arith.constant 2 : i32
        %add3A_1017 = arith.addi %add3A_622, %add3A_1016 : i32
        %dma_start3A_1018 = arith.constant 0 : i32
        %dma_start3A_1019 = arith.constant 0 : i32
        %dma_start3A_1020 = tpu.memref_slice %arg11[%dma_start3A_1018, %dma_start3A_1019] : memref<2x80xi32, #tpu.memory_space<vmem>> -> memref<1x80xi32, #tpu.memory_space<vmem>>
        %dma_start3A_1021 = tpu.memref_squeeze %dma_start3A_1020 : memref<1x80xi32, #tpu.memory_space<vmem>> -> memref<80xi32, #tpu.memory_space<vmem>>
        %dma_start3A_1022 = arith.constant 0 : i32
        %dma_start3A_1023 = arith.constant 0 : i32
        %dma_start3A_1024 = tpu.memref_slice %arg2[%dma_start3A_1022, %dma_start3A_1023] : memref<10000x128xf32, #tpu.memory_space<hbm>> -> memref<10000x128xf32, #tpu.memory_space<hbm>>
        tpu.enqueue_indirect_dma source(%dma_start3A_1024 : memref<10000x128xf32, #tpu.memory_space<hbm>>) target(%arg13 : memref<80x128xf32, #tpu.memory_space<vmem>>) offsets(%dma_start3A_1021 : memref<80xi32, #tpu.memory_space<vmem>>) semaphore(%arg22 : memref<!tpu.dma_semaphore, #tpu.memory_space<semaphore_mem>>)
      } else {
      }
      %add3A_642 = arith.constant 3 : i32
      %add3A_643 = arith.addi %add3A_622, %add3A_642 : i32
      %lt3A_644 = arith.constant 125 : i32
      %lt3A_645 = arith.cmpi slt, %add3A_643, %lt3A_644 : i32
      %convert_element_type3A_646 = arith.extui %lt3A_645 : i1 to i32
      %cond3A_647 = arith.constant 0 : i32
      %cond3A_648 = arith.cmpi ne, %convert_element_type3A_646, %cond3A_647 : i32
      scf.if %cond3A_648 {
        %add3A_1006 = arith.constant 3 : i32
        %add3A_1007 = arith.addi %add3A_622, %add3A_1006 : i32
        %dma_start3A_1008 = arith.constant 0 : i32
        %dma_start3A_1009 = arith.constant 0 : i32
        %dma_start3A_1010 = tpu.memref_slice %arg3[%add3A, %add3A_1007, %dma_start3A_1008, %dma_start3A_1009] : memref<32x125x2x80xi32, #tpu.memory_space<hbm>> -> memref<1x1x2x80xi32, #tpu.memory_space<hbm>>
        %dma_start3A_1011 = tpu.memref_squeeze %dma_start3A_1010 : memref<1x1x2x80xi32, #tpu.memory_space<hbm>> -> memref<2x80xi32, #tpu.memory_space<hbm>>
        %dma_start3A_1012 = arith.constant 0 : i32
        %dma_start3A_1013 = arith.constant 0 : i32
        %dma_start3A_1014 = tpu.memref_slice %arg3[%add3A, %add3A_1007, %dma_start3A_1012, %dma_start3A_1013] : memref<32x125x2x80xi32, #tpu.memory_space<hbm>> -> memref<1x1x2x80xi32, #tpu.memory_space<hbm>>
        %dma_start3A_1015 = tpu.memref_squeeze %dma_start3A_1014 : memref<1x1x2x80xi32, #tpu.memory_space<hbm>> -> memref<2x80xi32, #tpu.memory_space<hbm>>
        tpu.enqueue_dma source(%dma_start3A_1015 : memref<2x80xi32, #tpu.memory_space<hbm>>) target(%arg8 : memref<2x80xi32, #tpu.memory_space<vmem>>) target_semaphore(%arg17 : memref<!tpu.dma_semaphore, #tpu.memory_space<semaphore_mem>>)
      } else {
      }
      %dma_start3A_649 = arith.constant 1 : i32
      %dma_start3A_650 = arith.constant 0 : i32
      %dma_start3A_651 = tpu.memref_slice %arg9[%dma_start3A_649, %dma_start3A_650] : memref<2x80xi32, #tpu.memory_space<vmem>> -> memref<1x80xi32, #tpu.memory_space<vmem>>
      %dma_start3A_652 = tpu.memref_squeeze %dma_start3A_651 : memref<1x80xi32, #tpu.memory_space<vmem>> -> memref<80xi32, #tpu.memory_space<vmem>>
      %dma_start3A_653 = arith.constant 0 : i32
      %dma_start3A_654 = arith.constant 0 : i32
      %dma_start3A_655 = tpu.memref_slice %arg16[%dma_start3A_653, %dma_start3A_654] : memref<10112x128xf32, #tpu.memory_space<vmem_shared>> -> memref<10112x128xf32, #tpu.memory_space<vmem_shared>>
      tpu.enqueue_indirect_dma source(%arg14 : memref<80x128xf32, #tpu.memory_space<vmem>>) target(%dma_start3A_655 : memref<10112x128xf32, #tpu.memory_space<vmem_shared>>) offsets(%dma_start3A_652 : memref<80xi32, #tpu.memory_space<vmem>>) semaphore(%arg26 : memref<!tpu.dma_semaphore, #tpu.memory_space<semaphore_mem>>) {add = true}
      %get3A_656 = arith.constant 1 : i32
      %get3A_657 = arith.index_cast %get3A_656 : i32 to index
      %get3A_658 = arith.constant 0 : index
      %get3A_659 = tpu.vector_load %arg9[%get3A_657, %get3A_658] {strides = array<i32>} : memref<2x80xi32, #tpu.memory_space<vmem>>, vector<16xi32>,
      tpu.vector_store_idx %arg15[%broadcast_in_dim3A_60, %get3A_659], %broadcast_in_dim3A_62 {add = true} : memref<1x10112xf32, #tpu.memory_space<vmem>>[vector<16xi32>, vector<16xi32>], vector<16xf32>,
      %get3A_660 = arith.constant 1 : i32
      %get3A_661 = arith.index_cast %get3A_660 : i32 to index
      %get3A_662 = arith.constant 16 : index
      %get3A_663 = tpu.vector_load %arg9[%get3A_661, %get3A_662] {strides = array<i32>} : memref<2x80xi32, #tpu.memory_space<vmem>>, vector<16xi32>,
      tpu.vector_store_idx %arg15[%broadcast_in_dim3A_60, %get3A_663], %broadcast_in_dim3A_62 {add = true} : memref<1x10112xf32, #tpu.memory_space<vmem>>[vector<16xi32>, vector<16xi32>], vector<16xf32>,
      %get3A_664 = arith.constant 1 : i32
      %get3A_665 = arith.index_cast %get3A_664 : i32 to index
      %get3A_666 = arith.constant 32 : index
      %get3A_667 = tpu.vector_load %arg9[%get3A_665, %get3A_666] {strides = array<i32>} : memref<2x80xi32, #tpu.memory_space<vmem>>, vector<16xi32>,
      tpu.vector_store_idx %arg15[%broadcast_in_dim3A_60, %get3A_667], %broadcast_in_dim3A_62 {add = true} : memref<1x10112xf32, #tpu.memory_space<vmem>>[vector<16xi32>, vector<16xi32>], vector<16xf32>,
      %get3A_668 = arith.constant 1 : i32
      %get3A_669 = arith.index_cast %get3A_668 : i32 to index
      %get3A_670 = arith.constant 48 : index
      %get3A_671 = tpu.vector_load %arg9[%get3A_669, %get3A_670] {strides = array<i32>} : memref<2x80xi32, #tpu.memory_space<vmem>>, vector<16xi32>,
      tpu.vector_store_idx %arg15[%broadcast_in_dim3A_60, %get3A_671], %broadcast_in_dim3A_62 {add = true} : memref<1x10112xf32, #tpu.memory_space<vmem>>[vector<16xi32>, vector<16xi32>], vector<16xf32>,
      %get3A_672 = arith.constant 1 : i32
      %get3A_673 = arith.index_cast %get3A_672 : i32 to index
      %get3A_674 = arith.constant 64 : index
      %get3A_675 = tpu.vector_load %arg9[%get3A_673, %get3A_674] {strides = array<i32>} : memref<2x80xi32, #tpu.memory_space<vmem>>, vector<16xi32>,
      tpu.vector_store_idx %arg15[%broadcast_in_dim3A_60, %get3A_675], %broadcast_in_dim3A_62 {add = true} : memref<1x10112xf32, #tpu.memory_space<vmem>>[vector<16xi32>, vector<16xi32>], vector<16xf32>,
      %add3A_676 = arith.constant 6 : i32
      %add3A_677 = arith.addi %add3A_349, %add3A_676 : i32
      %dma_wait3A_678 = arith.constant 0 : i32
      %dma_wait3A_679 = arith.constant 0 : i32
      %dma_wait3A_680 = tpu.memref_slice %arg10[%dma_wait3A_678, %dma_wait3A_679] : memref<2x80xi32, #tpu.memory_space<vmem>> -> memref<1x80xi32, #tpu.memory_space<vmem>>
      %dma_wait3A_681 = tpu.memref_squeeze %dma_wait3A_680 : memref<1x80xi32, #tpu.memory_space<vmem>> -> memref<80xi32, #tpu.memory_space<vmem>>
      %dma_wait3A_682 = arith.constant 0 : i32
      %dma_wait3A_683 = arith.constant 0 : i32
      %dma_wait3A_684 = tpu.memref_slice %arg2[%dma_wait3A_682, %dma_wait3A_683] : memref<10000x128xf32, #tpu.memory_space<hbm>> -> memref<10000x128xf32, #tpu.memory_space<hbm>>
      tpu.wait_indirect_dma semaphore(%arg21 : memref<!tpu.dma_semaphore, #tpu.memory_space<semaphore_mem>>) src(%dma_wait3A_684 : memref<10000x128xf32, #tpu.memory_space<hbm>>) dst(%arg12 : memref<80x128xf32, #tpu.memory_space<vmem>>)
      %ge3A_685 = arith.constant 1 : i32
      %ge3A_686 = arith.cmpi sge, %add3A_677, %ge3A_685 : i32
      %convert_element_type3A_687 = arith.extui %ge3A_686 : i1 to i32
      %cond3A_688 = arith.constant 0 : i32
      %cond3A_689 = arith.cmpi ne, %convert_element_type3A_687, %cond3A_688 : i32
      scf.if %cond3A_689 {
        %dma_wait3A_1006 = arith.constant 1 : i32
        %dma_wait3A_1007 = arith.constant 0 : i32
        %dma_wait3A_1008 = tpu.memref_slice %arg9[%dma_wait3A_1006, %dma_wait3A_1007] : memref<2x80xi32, #tpu.memory_space<vmem>> -> memref<1x80xi32, #tpu.memory_space<vmem>>
        %dma_wait3A_1009 = tpu.memref_squeeze %dma_wait3A_1008 : memref<1x80xi32, #tpu.memory_space<vmem>> -> memref<80xi32, #tpu.memory_space<vmem>>
        %dma_wait3A_1010 = arith.constant 0 : i32
        %dma_wait3A_1011 = arith.constant 0 : i32
        %dma_wait3A_1012 = tpu.memref_slice %arg16[%dma_wait3A_1010, %dma_wait3A_1011] : memref<10112x128xf32, #tpu.memory_space<vmem_shared>> -> memref<10112x128xf32, #tpu.memory_space<vmem_shared>>
        tpu.wait_indirect_dma semaphore(%arg26 : memref<!tpu.dma_semaphore, #tpu.memory_space<semaphore_mem>>) src(%arg14 : memref<80x128xf32, #tpu.memory_space<vmem>>) dst(%dma_wait3A_1012 : memref<10112x128xf32, #tpu.memory_space<vmem_shared>>)
      } else {
      }
      %add3A_690 = arith.constant 2 : i32
      %add3A_691 = arith.addi %add3A_677, %add3A_690 : i32
      %lt3A_692 = arith.constant 125 : i32
      %lt3A_693 = arith.cmpi slt, %add3A_691, %lt3A_692 : i32
      %convert_element_type3A_694 = arith.extui %lt3A_693 : i1 to i32
      %cond3A_695 = arith.constant 0 : i32
      %cond3A_696 = arith.cmpi ne, %convert_element_type3A_694, %cond3A_695 : i32
      scf.if %cond3A_696 {
        %add3A_1006 = arith.constant 2 : i32
        %add3A_1007 = arith.addi %add3A_677, %add3A_1006 : i32
        %dma_wait3A_1008 = arith.constant 0 : i32
        %dma_wait3A_1009 = arith.constant 0 : i32
        %dma_wait3A_1010 = tpu.memref_slice %arg3[%add3A, %add3A_1007, %dma_wait3A_1008, %dma_wait3A_1009] : memref<32x125x2x80xi32, #tpu.memory_space<hbm>> -> memref<1x1x2x80xi32, #tpu.memory_space<hbm>>
        %dma_wait3A_1011 = tpu.memref_squeeze %dma_wait3A_1010 : memref<1x1x2x80xi32, #tpu.memory_space<hbm>> -> memref<2x80xi32, #tpu.memory_space<hbm>>
        %dma_wait3A_1012 = arith.constant 0 : i32
        %dma_wait3A_1013 = arith.constant 0 : i32
        %dma_wait3A_1014 = tpu.memref_slice %arg3[%add3A, %add3A_1007, %dma_wait3A_1012, %dma_wait3A_1013] : memref<32x125x2x80xi32, #tpu.memory_space<hbm>> -> memref<1x1x2x80xi32, #tpu.memory_space<hbm>>
        %dma_wait3A_1015 = tpu.memref_squeeze %dma_wait3A_1014 : memref<1x1x2x80xi32, #tpu.memory_space<hbm>> -> memref<2x80xi32, #tpu.memory_space<hbm>>
        tpu.wait_dma2 semaphore(%arg17 : memref<!tpu.dma_semaphore, #tpu.memory_space<semaphore_mem>>) src(%dma_wait3A_1015 : memref<2x80xi32, #tpu.memory_space<hbm>>) dst(%arg8 : memref<2x80xi32, #tpu.memory_space<vmem>>)
        %add3A_1016 = arith.constant 2 : i32
        %add3A_1017 = arith.addi %add3A_677, %add3A_1016 : i32
        %dma_start3A_1018 = arith.constant 0 : i32
        %dma_start3A_1019 = arith.constant 0 : i32
        %dma_start3A_1020 = tpu.memref_slice %arg8[%dma_start3A_1018, %dma_start3A_1019] : memref<2x80xi32, #tpu.memory_space<vmem>> -> memref<1x80xi32, #tpu.memory_space<vmem>>
        %dma_start3A_1021 = tpu.memref_squeeze %dma_start3A_1020 : memref<1x80xi32, #tpu.memory_space<vmem>> -> memref<80xi32, #tpu.memory_space<vmem>>
        %dma_start3A_1022 = arith.constant 0 : i32
        %dma_start3A_1023 = arith.constant 0 : i32
        %dma_start3A_1024 = tpu.memref_slice %arg2[%dma_start3A_1022, %dma_start3A_1023] : memref<10000x128xf32, #tpu.memory_space<hbm>> -> memref<10000x128xf32, #tpu.memory_space<hbm>>
        tpu.enqueue_indirect_dma source(%dma_start3A_1024 : memref<10000x128xf32, #tpu.memory_space<hbm>>) target(%arg14 : memref<80x128xf32, #tpu.memory_space<vmem>>) offsets(%dma_start3A_1021 : memref<80xi32, #tpu.memory_space<vmem>>) semaphore(%arg23 : memref<!tpu.dma_semaphore, #tpu.memory_space<semaphore_mem>>)
      } else {
      }
      %add3A_697 = arith.constant 3 : i32
      %add3A_698 = arith.addi %add3A_677, %add3A_697 : i32
      %lt3A_699 = arith.constant 125 : i32
      %lt3A_700 = arith.cmpi slt, %add3A_698, %lt3A_699 : i32
      %convert_element_type3A_701 = arith.extui %lt3A_700 : i1 to i32
      %cond3A_702 = arith.constant 0 : i32
      %cond3A_703 = arith.cmpi ne, %convert_element_type3A_701, %cond3A_702 : i32
      scf.if %cond3A_703 {
        %add3A_1006 = arith.constant 3 : i32
        %add3A_1007 = arith.addi %add3A_677, %add3A_1006 : i32
        %dma_start3A_1008 = arith.constant 0 : i32
        %dma_start3A_1009 = arith.constant 0 : i32
        %dma_start3A_1010 = tpu.memref_slice %arg3[%add3A, %add3A_1007, %dma_start3A_1008, %dma_start3A_1009] : memref<32x125x2x80xi32, #tpu.memory_space<hbm>> -> memref<1x1x2x80xi32, #tpu.memory_space<hbm>>
        %dma_start3A_1011 = tpu.memref_squeeze %dma_start3A_1010 : memref<1x1x2x80xi32, #tpu.memory_space<hbm>> -> memref<2x80xi32, #tpu.memory_space<hbm>>
        %dma_start3A_1012 = arith.constant 0 : i32
        %dma_start3A_1013 = arith.constant 0 : i32
        %dma_start3A_1014 = tpu.memref_slice %arg3[%add3A, %add3A_1007, %dma_start3A_1012, %dma_start3A_1013] : memref<32x125x2x80xi32, #tpu.memory_space<hbm>> -> memref<1x1x2x80xi32, #tpu.memory_space<hbm>>
        %dma_start3A_1015 = tpu.memref_squeeze %dma_start3A_1014 : memref<1x1x2x80xi32, #tpu.memory_space<hbm>> -> memref<2x80xi32, #tpu.memory_space<hbm>>
        tpu.enqueue_dma source(%dma_start3A_1015 : memref<2x80xi32, #tpu.memory_space<hbm>>) target(%arg9 : memref<2x80xi32, #tpu.memory_space<vmem>>) target_semaphore(%arg18 : memref<!tpu.dma_semaphore, #tpu.memory_space<semaphore_mem>>)
      } else {
      }
      %dma_start3A_704 = arith.constant 1 : i32
      %dma_start3A_705 = arith.constant 0 : i32
      %dma_start3A_706 = tpu.memref_slice %arg10[%dma_start3A_704, %dma_start3A_705] : memref<2x80xi32, #tpu.memory_space<vmem>> -> memref<1x80xi32, #tpu.memory_space<vmem>>
      %dma_start3A_707 = tpu.memref_squeeze %dma_start3A_706 : memref<1x80xi32, #tpu.memory_space<vmem>> -> memref<80xi32, #tpu.memory_space<vmem>>
      %dma_start3A_708 = arith.constant 0 : i32
      %dma_start3A_709 = arith.constant 0 : i32
      %dma_start3A_710 = tpu.memref_slice %arg16[%dma_start3A_708, %dma_start3A_709] : memref<10112x128xf32, #tpu.memory_space<vmem_shared>> -> memref<10112x128xf32, #tpu.memory_space<vmem_shared>>
      tpu.enqueue_indirect_dma source(%arg12 : memref<80x128xf32, #tpu.memory_space<vmem>>) target(%dma_start3A_710 : memref<10112x128xf32, #tpu.memory_space<vmem_shared>>) offsets(%dma_start3A_707 : memref<80xi32, #tpu.memory_space<vmem>>) semaphore(%arg24 : memref<!tpu.dma_semaphore, #tpu.memory_space<semaphore_mem>>) {add = true}
      %get3A_711 = arith.constant 1 : i32
      %get3A_712 = arith.index_cast %get3A_711 : i32 to index
      %get3A_713 = arith.constant 0 : index
      %get3A_714 = tpu.vector_load %arg10[%get3A_712, %get3A_713] {strides = array<i32>} : memref<2x80xi32, #tpu.memory_space<vmem>>, vector<16xi32>,
      tpu.vector_store_idx %arg15[%broadcast_in_dim3A_60, %get3A_714], %broadcast_in_dim3A_62 {add = true} : memref<1x10112xf32, #tpu.memory_space<vmem>>[vector<16xi32>, vector<16xi32>], vector<16xf32>,
      %get3A_715 = arith.constant 1 : i32
      %get3A_716 = arith.index_cast %get3A_715 : i32 to index
      %get3A_717 = arith.constant 16 : index
      %get3A_718 = tpu.vector_load %arg10[%get3A_716, %get3A_717] {strides = array<i32>} : memref<2x80xi32, #tpu.memory_space<vmem>>, vector<16xi32>,
      tpu.vector_store_idx %arg15[%broadcast_in_dim3A_60, %get3A_718], %broadcast_in_dim3A_62 {add = true} : memref<1x10112xf32, #tpu.memory_space<vmem>>[vector<16xi32>, vector<16xi32>], vector<16xf32>,
      %get3A_719 = arith.constant 1 : i32
      %get3A_720 = arith.index_cast %get3A_719 : i32 to index
      %get3A_721 = arith.constant 32 : index
      %get3A_722 = tpu.vector_load %arg10[%get3A_720, %get3A_721] {strides = array<i32>} : memref<2x80xi32, #tpu.memory_space<vmem>>, vector<16xi32>,
      tpu.vector_store_idx %arg15[%broadcast_in_dim3A_60, %get3A_722], %broadcast_in_dim3A_62 {add = true} : memref<1x10112xf32, #tpu.memory_space<vmem>>[vector<16xi32>, vector<16xi32>], vector<16xf32>,
      %get3A_723 = arith.constant 1 : i32
      %get3A_724 = arith.index_cast %get3A_723 : i32 to index
      %get3A_725 = arith.constant 48 : index
      %get3A_726 = tpu.vector_load %arg10[%get3A_724, %get3A_725] {strides = array<i32>} : memref<2x80xi32, #tpu.memory_space<vmem>>, vector<16xi32>,
      tpu.vector_store_idx %arg15[%broadcast_in_dim3A_60, %get3A_726], %broadcast_in_dim3A_62 {add = true} : memref<1x10112xf32, #tpu.memory_space<vmem>>[vector<16xi32>, vector<16xi32>], vector<16xf32>,
      %get3A_727 = arith.constant 1 : i32
      %get3A_728 = arith.index_cast %get3A_727 : i32 to index
      %get3A_729 = arith.constant 64 : index
      %get3A_730 = tpu.vector_load %arg10[%get3A_728, %get3A_729] {strides = array<i32>} : memref<2x80xi32, #tpu.memory_space<vmem>>, vector<16xi32>,
      tpu.vector_store_idx %arg15[%broadcast_in_dim3A_60, %get3A_730], %broadcast_in_dim3A_62 {add = true} : memref<1x10112xf32, #tpu.memory_space<vmem>>[vector<16xi32>, vector<16xi32>], vector<16xf32>,
      %add3A_731 = arith.constant 7 : i32
      %add3A_732 = arith.addi %add3A_349, %add3A_731 : i32
      %dma_wait3A_733 = arith.constant 0 : i32
      %dma_wait3A_734 = arith.constant 0 : i32
      %dma_wait3A_735 = tpu.memref_slice %arg11[%dma_wait3A_733, %dma_wait3A_734] : memref<2x80xi32, #tpu.memory_space<vmem>> -> memref<1x80xi32, #tpu.memory_space<vmem>>
      %dma_wait3A_736 = tpu.memref_squeeze %dma_wait3A_735 : memref<1x80xi32, #tpu.memory_space<vmem>> -> memref<80xi32, #tpu.memory_space<vmem>>
      %dma_wait3A_737 = arith.constant 0 : i32
      %dma_wait3A_738 = arith.constant 0 : i32
      %dma_wait3A_739 = tpu.memref_slice %arg2[%dma_wait3A_737, %dma_wait3A_738] : memref<10000x128xf32, #tpu.memory_space<hbm>> -> memref<10000x128xf32, #tpu.memory_space<hbm>>
      tpu.wait_indirect_dma semaphore(%arg22 : memref<!tpu.dma_semaphore, #tpu.memory_space<semaphore_mem>>) src(%dma_wait3A_739 : memref<10000x128xf32, #tpu.memory_space<hbm>>) dst(%arg13 : memref<80x128xf32, #tpu.memory_space<vmem>>)
      %ge3A_740 = arith.constant 1 : i32
      %ge3A_741 = arith.cmpi sge, %add3A_732, %ge3A_740 : i32
      %convert_element_type3A_742 = arith.extui %ge3A_741 : i1 to i32
      %cond3A_743 = arith.constant 0 : i32
      %cond3A_744 = arith.cmpi ne, %convert_element_type3A_742, %cond3A_743 : i32
      scf.if %cond3A_744 {
        %dma_wait3A_1006 = arith.constant 1 : i32
        %dma_wait3A_1007 = arith.constant 0 : i32
        %dma_wait3A_1008 = tpu.memref_slice %arg10[%dma_wait3A_1006, %dma_wait3A_1007] : memref<2x80xi32, #tpu.memory_space<vmem>> -> memref<1x80xi32, #tpu.memory_space<vmem>>
        %dma_wait3A_1009 = tpu.memref_squeeze %dma_wait3A_1008 : memref<1x80xi32, #tpu.memory_space<vmem>> -> memref<80xi32, #tpu.memory_space<vmem>>
        %dma_wait3A_1010 = arith.constant 0 : i32
        %dma_wait3A_1011 = arith.constant 0 : i32
        %dma_wait3A_1012 = tpu.memref_slice %arg16[%dma_wait3A_1010, %dma_wait3A_1011] : memref<10112x128xf32, #tpu.memory_space<vmem_shared>> -> memref<10112x128xf32, #tpu.memory_space<vmem_shared>>
        tpu.wait_indirect_dma semaphore(%arg24 : memref<!tpu.dma_semaphore, #tpu.memory_space<semaphore_mem>>) src(%arg12 : memref<80x128xf32, #tpu.memory_space<vmem>>) dst(%dma_wait3A_1012 : memref<10112x128xf32, #tpu.memory_space<vmem_shared>>)
      } else {
      }
      %add3A_745 = arith.constant 2 : i32
      %add3A_746 = arith.addi %add3A_732, %add3A_745 : i32
      %lt3A_747 = arith.constant 125 : i32
      %lt3A_748 = arith.cmpi slt, %add3A_746, %lt3A_747 : i32
      %convert_element_type3A_749 = arith.extui %lt3A_748 : i1 to i32
      %cond3A_750 = arith.constant 0 : i32
      %cond3A_751 = arith.cmpi ne, %convert_element_type3A_749, %cond3A_750 : i32
      scf.if %cond3A_751 {
        %add3A_1006 = arith.constant 2 : i32
        %add3A_1007 = arith.addi %add3A_732, %add3A_1006 : i32
        %dma_wait3A_1008 = arith.constant 0 : i32
        %dma_wait3A_1009 = arith.constant 0 : i32
        %dma_wait3A_1010 = tpu.memref_slice %arg3[%add3A, %add3A_1007, %dma_wait3A_1008, %dma_wait3A_1009] : memref<32x125x2x80xi32, #tpu.memory_space<hbm>> -> memref<1x1x2x80xi32, #tpu.memory_space<hbm>>
        %dma_wait3A_1011 = tpu.memref_squeeze %dma_wait3A_1010 : memref<1x1x2x80xi32, #tpu.memory_space<hbm>> -> memref<2x80xi32, #tpu.memory_space<hbm>>
        %dma_wait3A_1012 = arith.constant 0 : i32
        %dma_wait3A_1013 = arith.constant 0 : i32
        %dma_wait3A_1014 = tpu.memref_slice %arg3[%add3A, %add3A_1007, %dma_wait3A_1012, %dma_wait3A_1013] : memref<32x125x2x80xi32, #tpu.memory_space<hbm>> -> memref<1x1x2x80xi32, #tpu.memory_space<hbm>>
        %dma_wait3A_1015 = tpu.memref_squeeze %dma_wait3A_1014 : memref<1x1x2x80xi32, #tpu.memory_space<hbm>> -> memref<2x80xi32, #tpu.memory_space<hbm>>
        tpu.wait_dma2 semaphore(%arg18 : memref<!tpu.dma_semaphore, #tpu.memory_space<semaphore_mem>>) src(%dma_wait3A_1015 : memref<2x80xi32, #tpu.memory_space<hbm>>) dst(%arg9 : memref<2x80xi32, #tpu.memory_space<vmem>>)
        %add3A_1016 = arith.constant 2 : i32
        %add3A_1017 = arith.addi %add3A_732, %add3A_1016 : i32
        %dma_start3A_1018 = arith.constant 0 : i32
        %dma_start3A_1019 = arith.constant 0 : i32
        %dma_start3A_1020 = tpu.memref_slice %arg9[%dma_start3A_1018, %dma_start3A_1019] : memref<2x80xi32, #tpu.memory_space<vmem>> -> memref<1x80xi32, #tpu.memory_space<vmem>>
        %dma_start3A_1021 = tpu.memref_squeeze %dma_start3A_1020 : memref<1x80xi32, #tpu.memory_space<vmem>> -> memref<80xi32, #tpu.memory_space<vmem>>
        %dma_start3A_1022 = arith.constant 0 : i32
        %dma_start3A_1023 = arith.constant 0 : i32
        %dma_start3A_1024 = tpu.memref_slice %arg2[%dma_start3A_1022, %dma_start3A_1023] : memref<10000x128xf32, #tpu.memory_space<hbm>> -> memref<10000x128xf32, #tpu.memory_space<hbm>>
        tpu.enqueue_indirect_dma source(%dma_start3A_1024 : memref<10000x128xf32, #tpu.memory_space<hbm>>) target(%arg12 : memref<80x128xf32, #tpu.memory_space<vmem>>) offsets(%dma_start3A_1021 : memref<80xi32, #tpu.memory_space<vmem>>) semaphore(%arg21 : memref<!tpu.dma_semaphore, #tpu.memory_space<semaphore_mem>>)
      } else {
      }
      %add3A_752 = arith.constant 3 : i32
      %add3A_753 = arith.addi %add3A_732, %add3A_752 : i32
      %lt3A_754 = arith.constant 125 : i32
      %lt3A_755 = arith.cmpi slt, %add3A_753, %lt3A_754 : i32
      %convert_element_type3A_756 = arith.extui %lt3A_755 : i1 to i32
      %cond3A_757 = arith.constant 0 : i32
      %cond3A_758 = arith.cmpi ne, %convert_element_type3A_756, %cond3A_757 : i32
      scf.if %cond3A_758 {
        %add3A_1006 = arith.constant 3 : i32
        %add3A_1007 = arith.addi %add3A_732, %add3A_1006 : i32
        %dma_start3A_1008 = arith.constant 0 : i32
        %dma_start3A_1009 = arith.constant 0 : i32
        %dma_start3A_1010 = tpu.memref_slice %arg3[%add3A, %add3A_1007, %dma_start3A_1008, %dma_start3A_1009] : memref<32x125x2x80xi32, #tpu.memory_space<hbm>> -> memref<1x1x2x80xi32, #tpu.memory_space<hbm>>
        %dma_start3A_1011 = tpu.memref_squeeze %dma_start3A_1010 : memref<1x1x2x80xi32, #tpu.memory_space<hbm>> -> memref<2x80xi32, #tpu.memory_space<hbm>>
        %dma_start3A_1012 = arith.constant 0 : i32
        %dma_start3A_1013 = arith.constant 0 : i32
        %dma_start3A_1014 = tpu.memref_slice %arg3[%add3A, %add3A_1007, %dma_start3A_1012, %dma_start3A_1013] : memref<32x125x2x80xi32, #tpu.memory_space<hbm>> -> memref<1x1x2x80xi32, #tpu.memory_space<hbm>>
        %dma_start3A_1015 = tpu.memref_squeeze %dma_start3A_1014 : memref<1x1x2x80xi32, #tpu.memory_space<hbm>> -> memref<2x80xi32, #tpu.memory_space<hbm>>
        tpu.enqueue_dma source(%dma_start3A_1015 : memref<2x80xi32, #tpu.memory_space<hbm>>) target(%arg10 : memref<2x80xi32, #tpu.memory_space<vmem>>) target_semaphore(%arg19 : memref<!tpu.dma_semaphore, #tpu.memory_space<semaphore_mem>>)
      } else {
      }
      %dma_start3A_759 = arith.constant 1 : i32
      %dma_start3A_760 = arith.constant 0 : i32
      %dma_start3A_761 = tpu.memref_slice %arg11[%dma_start3A_759, %dma_start3A_760] : memref<2x80xi32, #tpu.memory_space<vmem>> -> memref<1x80xi32, #tpu.memory_space<vmem>>
      %dma_start3A_762 = tpu.memref_squeeze %dma_start3A_761 : memref<1x80xi32, #tpu.memory_space<vmem>> -> memref<80xi32, #tpu.memory_space<vmem>>
      %dma_start3A_763 = arith.constant 0 : i32
      %dma_start3A_764 = arith.constant 0 : i32
      %dma_start3A_765 = tpu.memref_slice %arg16[%dma_start3A_763, %dma_start3A_764] : memref<10112x128xf32, #tpu.memory_space<vmem_shared>> -> memref<10112x128xf32, #tpu.memory_space<vmem_shared>>
      tpu.enqueue_indirect_dma source(%arg13 : memref<80x128xf32, #tpu.memory_space<vmem>>) target(%dma_start3A_765 : memref<10112x128xf32, #tpu.memory_space<vmem_shared>>) offsets(%dma_start3A_762 : memref<80xi32, #tpu.memory_space<vmem>>) semaphore(%arg25 : memref<!tpu.dma_semaphore, #tpu.memory_space<semaphore_mem>>) {add = true}
      %get3A_766 = arith.constant 1 : i32
      %get3A_767 = arith.index_cast %get3A_766 : i32 to index
      %get3A_768 = arith.constant 0 : index
      %get3A_769 = tpu.vector_load %arg11[%get3A_767, %get3A_768] {strides = array<i32>} : memref<2x80xi32, #tpu.memory_space<vmem>>, vector<16xi32>,
      tpu.vector_store_idx %arg15[%broadcast_in_dim3A_60, %get3A_769], %broadcast_in_dim3A_62 {add = true} : memref<1x10112xf32, #tpu.memory_space<vmem>>[vector<16xi32>, vector<16xi32>], vector<16xf32>,
      %get3A_770 = arith.constant 1 : i32
      %get3A_771 = arith.index_cast %get3A_770 : i32 to index
      %get3A_772 = arith.constant 16 : index
      %get3A_773 = tpu.vector_load %arg11[%get3A_771, %get3A_772] {strides = array<i32>} : memref<2x80xi32, #tpu.memory_space<vmem>>, vector<16xi32>,
      tpu.vector_store_idx %arg15[%broadcast_in_dim3A_60, %get3A_773], %broadcast_in_dim3A_62 {add = true} : memref<1x10112xf32, #tpu.memory_space<vmem>>[vector<16xi32>, vector<16xi32>], vector<16xf32>,
      %get3A_774 = arith.constant 1 : i32
      %get3A_775 = arith.index_cast %get3A_774 : i32 to index
      %get3A_776 = arith.constant 32 : index
      %get3A_777 = tpu.vector_load %arg11[%get3A_775, %get3A_776] {strides = array<i32>} : memref<2x80xi32, #tpu.memory_space<vmem>>, vector<16xi32>,
      tpu.vector_store_idx %arg15[%broadcast_in_dim3A_60, %get3A_777], %broadcast_in_dim3A_62 {add = true} : memref<1x10112xf32, #tpu.memory_space<vmem>>[vector<16xi32>, vector<16xi32>], vector<16xf32>,
      %get3A_778 = arith.constant 1 : i32
      %get3A_779 = arith.index_cast %get3A_778 : i32 to index
      %get3A_780 = arith.constant 48 : index
      %get3A_781 = tpu.vector_load %arg11[%get3A_779, %get3A_780] {strides = array<i32>} : memref<2x80xi32, #tpu.memory_space<vmem>>, vector<16xi32>,
      tpu.vector_store_idx %arg15[%broadcast_in_dim3A_60, %get3A_781], %broadcast_in_dim3A_62 {add = true} : memref<1x10112xf32, #tpu.memory_space<vmem>>[vector<16xi32>, vector<16xi32>], vector<16xf32>,
      %get3A_782 = arith.constant 1 : i32
      %get3A_783 = arith.index_cast %get3A_782 : i32 to index
      %get3A_784 = arith.constant 64 : index
      %get3A_785 = tpu.vector_load %arg11[%get3A_783, %get3A_784] {strides = array<i32>} : memref<2x80xi32, #tpu.memory_space<vmem>>, vector<16xi32>,
      tpu.vector_store_idx %arg15[%broadcast_in_dim3A_60, %get3A_785], %broadcast_in_dim3A_62 {add = true} : memref<1x10112xf32, #tpu.memory_space<vmem>>[vector<16xi32>, vector<16xi32>], vector<16xf32>,
      %add3A_786 = arith.constant 8 : i32
      %add3A_787 = arith.addi %add3A_349, %add3A_786 : i32
      %dma_wait3A_788 = arith.constant 0 : i32
      %dma_wait3A_789 = arith.constant 0 : i32
      %dma_wait3A_790 = tpu.memref_slice %arg8[%dma_wait3A_788, %dma_wait3A_789] : memref<2x80xi32, #tpu.memory_space<vmem>> -> memref<1x80xi32, #tpu.memory_space<vmem>>
      %dma_wait3A_791 = tpu.memref_squeeze %dma_wait3A_790 : memref<1x80xi32, #tpu.memory_space<vmem>> -> memref<80xi32, #tpu.memory_space<vmem>>
      %dma_wait3A_792 = arith.constant 0 : i32
      %dma_wait3A_793 = arith.constant 0 : i32
      %dma_wait3A_794 = tpu.memref_slice %arg2[%dma_wait3A_792, %dma_wait3A_793] : memref<10000x128xf32, #tpu.memory_space<hbm>> -> memref<10000x128xf32, #tpu.memory_space<hbm>>
      tpu.wait_indirect_dma semaphore(%arg23 : memref<!tpu.dma_semaphore, #tpu.memory_space<semaphore_mem>>) src(%dma_wait3A_794 : memref<10000x128xf32, #tpu.memory_space<hbm>>) dst(%arg14 : memref<80x128xf32, #tpu.memory_space<vmem>>)
      %ge3A_795 = arith.constant 1 : i32
      %ge3A_796 = arith.cmpi sge, %add3A_787, %ge3A_795 : i32
      %convert_element_type3A_797 = arith.extui %ge3A_796 : i1 to i32
      %cond3A_798 = arith.constant 0 : i32
      %cond3A_799 = arith.cmpi ne, %convert_element_type3A_797, %cond3A_798 : i32
      scf.if %cond3A_799 {
        %dma_wait3A_1006 = arith.constant 1 : i32
        %dma_wait3A_1007 = arith.constant 0 : i32
        %dma_wait3A_1008 = tpu.memref_slice %arg11[%dma_wait3A_1006, %dma_wait3A_1007] : memref<2x80xi32, #tpu.memory_space<vmem>> -> memref<1x80xi32, #tpu.memory_space<vmem>>
        %dma_wait3A_1009 = tpu.memref_squeeze %dma_wait3A_1008 : memref<1x80xi32, #tpu.memory_space<vmem>> -> memref<80xi32, #tpu.memory_space<vmem>>
        %dma_wait3A_1010 = arith.constant 0 : i32
        %dma_wait3A_1011 = arith.constant 0 : i32
        %dma_wait3A_1012 = tpu.memref_slice %arg16[%dma_wait3A_1010, %dma_wait3A_1011] : memref<10112x128xf32, #tpu.memory_space<vmem_shared>> -> memref<10112x128xf32, #tpu.memory_space<vmem_shared>>
        tpu.wait_indirect_dma semaphore(%arg25 : memref<!tpu.dma_semaphore, #tpu.memory_space<semaphore_mem>>) src(%arg13 : memref<80x128xf32, #tpu.memory_space<vmem>>) dst(%dma_wait3A_1012 : memref<10112x128xf32, #tpu.memory_space<vmem_shared>>)
      } else {
      }
      %add3A_800 = arith.constant 2 : i32
      %add3A_801 = arith.addi %add3A_787, %add3A_800 : i32
      %lt3A_802 = arith.constant 125 : i32
      %lt3A_803 = arith.cmpi slt, %add3A_801, %lt3A_802 : i32
      %convert_element_type3A_804 = arith.extui %lt3A_803 : i1 to i32
      %cond3A_805 = arith.constant 0 : i32
      %cond3A_806 = arith.cmpi ne, %convert_element_type3A_804, %cond3A_805 : i32
      scf.if %cond3A_806 {
        %add3A_1006 = arith.constant 2 : i32
        %add3A_1007 = arith.addi %add3A_787, %add3A_1006 : i32
        %dma_wait3A_1008 = arith.constant 0 : i32
        %dma_wait3A_1009 = arith.constant 0 : i32
        %dma_wait3A_1010 = tpu.memref_slice %arg3[%add3A, %add3A_1007, %dma_wait3A_1008, %dma_wait3A_1009] : memref<32x125x2x80xi32, #tpu.memory_space<hbm>> -> memref<1x1x2x80xi32, #tpu.memory_space<hbm>>
        %dma_wait3A_1011 = tpu.memref_squeeze %dma_wait3A_1010 : memref<1x1x2x80xi32, #tpu.memory_space<hbm>> -> memref<2x80xi32, #tpu.memory_space<hbm>>
        %dma_wait3A_1012 = arith.constant 0 : i32
        %dma_wait3A_1013 = arith.constant 0 : i32
        %dma_wait3A_1014 = tpu.memref_slice %arg3[%add3A, %add3A_1007, %dma_wait3A_1012, %dma_wait3A_1013] : memref<32x125x2x80xi32, #tpu.memory_space<hbm>> -> memref<1x1x2x80xi32, #tpu.memory_space<hbm>>
        %dma_wait3A_1015 = tpu.memref_squeeze %dma_wait3A_1014 : memref<1x1x2x80xi32, #tpu.memory_space<hbm>> -> memref<2x80xi32, #tpu.memory_space<hbm>>
        tpu.wait_dma2 semaphore(%arg19 : memref<!tpu.dma_semaphore, #tpu.memory_space<semaphore_mem>>) src(%dma_wait3A_1015 : memref<2x80xi32, #tpu.memory_space<hbm>>) dst(%arg10 : memref<2x80xi32, #tpu.memory_space<vmem>>)
        %add3A_1016 = arith.constant 2 : i32
        %add3A_1017 = arith.addi %add3A_787, %add3A_1016 : i32
        %dma_start3A_1018 = arith.constant 0 : i32
        %dma_start3A_1019 = arith.constant 0 : i32
        %dma_start3A_1020 = tpu.memref_slice %arg10[%dma_start3A_1018, %dma_start3A_1019] : memref<2x80xi32, #tpu.memory_space<vmem>> -> memref<1x80xi32, #tpu.memory_space<vmem>>
        %dma_start3A_1021 = tpu.memref_squeeze %dma_start3A_1020 : memref<1x80xi32, #tpu.memory_space<vmem>> -> memref<80xi32, #tpu.memory_space<vmem>>
        %dma_start3A_1022 = arith.constant 0 : i32
        %dma_start3A_1023 = arith.constant 0 : i32
        %dma_start3A_1024 = tpu.memref_slice %arg2[%dma_start3A_1022, %dma_start3A_1023] : memref<10000x128xf32, #tpu.memory_space<hbm>> -> memref<10000x128xf32, #tpu.memory_space<hbm>>
        tpu.enqueue_indirect_dma source(%dma_start3A_1024 : memref<10000x128xf32, #tpu.memory_space<hbm>>) target(%arg13 : memref<80x128xf32, #tpu.memory_space<vmem>>) offsets(%dma_start3A_1021 : memref<80xi32, #tpu.memory_space<vmem>>) semaphore(%arg22 : memref<!tpu.dma_semaphore, #tpu.memory_space<semaphore_mem>>)
      } else {
      }
      %add3A_807 = arith.constant 3 : i32
      %add3A_808 = arith.addi %add3A_787, %add3A_807 : i32
      %lt3A_809 = arith.constant 125 : i32
      %lt3A_810 = arith.cmpi slt, %add3A_808, %lt3A_809 : i32
      %convert_element_type3A_811 = arith.extui %lt3A_810 : i1 to i32
      %cond3A_812 = arith.constant 0 : i32
      %cond3A_813 = arith.cmpi ne, %convert_element_type3A_811, %cond3A_812 : i32
      scf.if %cond3A_813 {
        %add3A_1006 = arith.constant 3 : i32
        %add3A_1007 = arith.addi %add3A_787, %add3A_1006 : i32
        %dma_start3A_1008 = arith.constant 0 : i32
        %dma_start3A_1009 = arith.constant 0 : i32
        %dma_start3A_1010 = tpu.memref_slice %arg3[%add3A, %add3A_1007, %dma_start3A_1008, %dma_start3A_1009] : memref<32x125x2x80xi32, #tpu.memory_space<hbm>> -> memref<1x1x2x80xi32, #tpu.memory_space<hbm>>
        %dma_start3A_1011 = tpu.memref_squeeze %dma_start3A_1010 : memref<1x1x2x80xi32, #tpu.memory_space<hbm>> -> memref<2x80xi32, #tpu.memory_space<hbm>>
        %dma_start3A_1012 = arith.constant 0 : i32
        %dma_start3A_1013 = arith.constant 0 : i32
        %dma_start3A_1014 = tpu.memref_slice %arg3[%add3A, %add3A_1007, %dma_start3A_1012, %dma_start3A_1013] : memref<32x125x2x80xi32, #tpu.memory_space<hbm>> -> memref<1x1x2x80xi32, #tpu.memory_space<hbm>>
        %dma_start3A_1015 = tpu.memref_squeeze %dma_start3A_1014 : memref<1x1x2x80xi32, #tpu.memory_space<hbm>> -> memref<2x80xi32, #tpu.memory_space<hbm>>
        tpu.enqueue_dma source(%dma_start3A_1015 : memref<2x80xi32, #tpu.memory_space<hbm>>) target(%arg11 : memref<2x80xi32, #tpu.memory_space<vmem>>) target_semaphore(%arg20 : memref<!tpu.dma_semaphore, #tpu.memory_space<semaphore_mem>>)
      } else {
      }
      %dma_start3A_814 = arith.constant 1 : i32
      %dma_start3A_815 = arith.constant 0 : i32
      %dma_start3A_816 = tpu.memref_slice %arg8[%dma_start3A_814, %dma_start3A_815] : memref<2x80xi32, #tpu.memory_space<vmem>> -> memref<1x80xi32, #tpu.memory_space<vmem>>
      %dma_start3A_817 = tpu.memref_squeeze %dma_start3A_816 : memref<1x80xi32, #tpu.memory_space<vmem>> -> memref<80xi32, #tpu.memory_space<vmem>>
      %dma_start3A_818 = arith.constant 0 : i32
      %dma_start3A_819 = arith.constant 0 : i32
      %dma_start3A_820 = tpu.memref_slice %arg16[%dma_start3A_818, %dma_start3A_819] : memref<10112x128xf32, #tpu.memory_space<vmem_shared>> -> memref<10112x128xf32, #tpu.memory_space<vmem_shared>>
      tpu.enqueue_indirect_dma source(%arg14 : memref<80x128xf32, #tpu.memory_space<vmem>>) target(%dma_start3A_820 : memref<10112x128xf32, #tpu.memory_space<vmem_shared>>) offsets(%dma_start3A_817 : memref<80xi32, #tpu.memory_space<vmem>>) semaphore(%arg26 : memref<!tpu.dma_semaphore, #tpu.memory_space<semaphore_mem>>) {add = true}
      %get3A_821 = arith.constant 1 : i32
      %get3A_822 = arith.index_cast %get3A_821 : i32 to index
      %get3A_823 = arith.constant 0 : index
      %get3A_824 = tpu.vector_load %arg8[%get3A_822, %get3A_823] {strides = array<i32>} : memref<2x80xi32, #tpu.memory_space<vmem>>, vector<16xi32>,
      tpu.vector_store_idx %arg15[%broadcast_in_dim3A_60, %get3A_824], %broadcast_in_dim3A_62 {add = true} : memref<1x10112xf32, #tpu.memory_space<vmem>>[vector<16xi32>, vector<16xi32>], vector<16xf32>,
      %get3A_825 = arith.constant 1 : i32
      %get3A_826 = arith.index_cast %get3A_825 : i32 to index
      %get3A_827 = arith.constant 16 : index
      %get3A_828 = tpu.vector_load %arg8[%get3A_826, %get3A_827] {strides = array<i32>} : memref<2x80xi32, #tpu.memory_space<vmem>>, vector<16xi32>,
      tpu.vector_store_idx %arg15[%broadcast_in_dim3A_60, %get3A_828], %broadcast_in_dim3A_62 {add = true} : memref<1x10112xf32, #tpu.memory_space<vmem>>[vector<16xi32>, vector<16xi32>], vector<16xf32>,
      %get3A_829 = arith.constant 1 : i32
      %get3A_830 = arith.index_cast %get3A_829 : i32 to index
      %get3A_831 = arith.constant 32 : index
      %get3A_832 = tpu.vector_load %arg8[%get3A_830, %get3A_831] {strides = array<i32>} : memref<2x80xi32, #tpu.memory_space<vmem>>, vector<16xi32>,
      tpu.vector_store_idx %arg15[%broadcast_in_dim3A_60, %get3A_832], %broadcast_in_dim3A_62 {add = true} : memref<1x10112xf32, #tpu.memory_space<vmem>>[vector<16xi32>, vector<16xi32>], vector<16xf32>,
      %get3A_833 = arith.constant 1 : i32
      %get3A_834 = arith.index_cast %get3A_833 : i32 to index
      %get3A_835 = arith.constant 48 : index
      %get3A_836 = tpu.vector_load %arg8[%get3A_834, %get3A_835] {strides = array<i32>} : memref<2x80xi32, #tpu.memory_space<vmem>>, vector<16xi32>,
      tpu.vector_store_idx %arg15[%broadcast_in_dim3A_60, %get3A_836], %broadcast_in_dim3A_62 {add = true} : memref<1x10112xf32, #tpu.memory_space<vmem>>[vector<16xi32>, vector<16xi32>], vector<16xf32>,
      %get3A_837 = arith.constant 1 : i32
      %get3A_838 = arith.index_cast %get3A_837 : i32 to index
      %get3A_839 = arith.constant 64 : index
      %get3A_840 = tpu.vector_load %arg8[%get3A_838, %get3A_839] {strides = array<i32>} : memref<2x80xi32, #tpu.memory_space<vmem>>, vector<16xi32>,
      tpu.vector_store_idx %arg15[%broadcast_in_dim3A_60, %get3A_840], %broadcast_in_dim3A_62 {add = true} : memref<1x10112xf32, #tpu.memory_space<vmem>>[vector<16xi32>, vector<16xi32>], vector<16xf32>,
      %add3A_841 = arith.constant 9 : i32
      %add3A_842 = arith.addi %add3A_349, %add3A_841 : i32
      %dma_wait3A_843 = arith.constant 0 : i32
      %dma_wait3A_844 = arith.constant 0 : i32
      %dma_wait3A_845 = tpu.memref_slice %arg9[%dma_wait3A_843, %dma_wait3A_844] : memref<2x80xi32, #tpu.memory_space<vmem>> -> memref<1x80xi32, #tpu.memory_space<vmem>>
      %dma_wait3A_846 = tpu.memref_squeeze %dma_wait3A_845 : memref<1x80xi32, #tpu.memory_space<vmem>> -> memref<80xi32, #tpu.memory_space<vmem>>
      %dma_wait3A_847 = arith.constant 0 : i32
      %dma_wait3A_848 = arith.constant 0 : i32
      %dma_wait3A_849 = tpu.memref_slice %arg2[%dma_wait3A_847, %dma_wait3A_848] : memref<10000x128xf32, #tpu.memory_space<hbm>> -> memref<10000x128xf32, #tpu.memory_space<hbm>>
      tpu.wait_indirect_dma semaphore(%arg21 : memref<!tpu.dma_semaphore, #tpu.memory_space<semaphore_mem>>) src(%dma_wait3A_849 : memref<10000x128xf32, #tpu.memory_space<hbm>>) dst(%arg12 : memref<80x128xf32, #tpu.memory_space<vmem>>)
      %ge3A_850 = arith.constant 1 : i32
      %ge3A_851 = arith.cmpi sge, %add3A_842, %ge3A_850 : i32
      %convert_element_type3A_852 = arith.extui %ge3A_851 : i1 to i32
      %cond3A_853 = arith.constant 0 : i32
      %cond3A_854 = arith.cmpi ne, %convert_element_type3A_852, %cond3A_853 : i32
      scf.if %cond3A_854 {
        %dma_wait3A_1006 = arith.constant 1 : i32
        %dma_wait3A_1007 = arith.constant 0 : i32
        %dma_wait3A_1008 = tpu.memref_slice %arg8[%dma_wait3A_1006, %dma_wait3A_1007] : memref<2x80xi32, #tpu.memory_space<vmem>> -> memref<1x80xi32, #tpu.memory_space<vmem>>
        %dma_wait3A_1009 = tpu.memref_squeeze %dma_wait3A_1008 : memref<1x80xi32, #tpu.memory_space<vmem>> -> memref<80xi32, #tpu.memory_space<vmem>>
        %dma_wait3A_1010 = arith.constant 0 : i32
        %dma_wait3A_1011 = arith.constant 0 : i32
        %dma_wait3A_1012 = tpu.memref_slice %arg16[%dma_wait3A_1010, %dma_wait3A_1011] : memref<10112x128xf32, #tpu.memory_space<vmem_shared>> -> memref<10112x128xf32, #tpu.memory_space<vmem_shared>>
        tpu.wait_indirect_dma semaphore(%arg26 : memref<!tpu.dma_semaphore, #tpu.memory_space<semaphore_mem>>) src(%arg14 : memref<80x128xf32, #tpu.memory_space<vmem>>) dst(%dma_wait3A_1012 : memref<10112x128xf32, #tpu.memory_space<vmem_shared>>)
      } else {
      }
      %add3A_855 = arith.constant 2 : i32
      %add3A_856 = arith.addi %add3A_842, %add3A_855 : i32
      %lt3A_857 = arith.constant 125 : i32
      %lt3A_858 = arith.cmpi slt, %add3A_856, %lt3A_857 : i32
      %convert_element_type3A_859 = arith.extui %lt3A_858 : i1 to i32
      %cond3A_860 = arith.constant 0 : i32
      %cond3A_861 = arith.cmpi ne, %convert_element_type3A_859, %cond3A_860 : i32
      scf.if %cond3A_861 {
        %add3A_1006 = arith.constant 2 : i32
        %add3A_1007 = arith.addi %add3A_842, %add3A_1006 : i32
        %dma_wait3A_1008 = arith.constant 0 : i32
        %dma_wait3A_1009 = arith.constant 0 : i32
        %dma_wait3A_1010 = tpu.memref_slice %arg3[%add3A, %add3A_1007, %dma_wait3A_1008, %dma_wait3A_1009] : memref<32x125x2x80xi32, #tpu.memory_space<hbm>> -> memref<1x1x2x80xi32, #tpu.memory_space<hbm>>
        %dma_wait3A_1011 = tpu.memref_squeeze %dma_wait3A_1010 : memref<1x1x2x80xi32, #tpu.memory_space<hbm>> -> memref<2x80xi32, #tpu.memory_space<hbm>>
        %dma_wait3A_1012 = arith.constant 0 : i32
        %dma_wait3A_1013 = arith.constant 0 : i32
        %dma_wait3A_1014 = tpu.memref_slice %arg3[%add3A, %add3A_1007, %dma_wait3A_1012, %dma_wait3A_1013] : memref<32x125x2x80xi32, #tpu.memory_space<hbm>> -> memref<1x1x2x80xi32, #tpu.memory_space<hbm>>
        %dma_wait3A_1015 = tpu.memref_squeeze %dma_wait3A_1014 : memref<1x1x2x80xi32, #tpu.memory_space<hbm>> -> memref<2x80xi32, #tpu.memory_space<hbm>>
        tpu.wait_dma2 semaphore(%arg20 : memref<!tpu.dma_semaphore, #tpu.memory_space<semaphore_mem>>) src(%dma_wait3A_1015 : memref<2x80xi32, #tpu.memory_space<hbm>>) dst(%arg11 : memref<2x80xi32, #tpu.memory_space<vmem>>)
        %add3A_1016 = arith.constant 2 : i32
        %add3A_1017 = arith.addi %add3A_842, %add3A_1016 : i32
        %dma_start3A_1018 = arith.constant 0 : i32
        %dma_start3A_1019 = arith.constant 0 : i32
        %dma_start3A_1020 = tpu.memref_slice %arg11[%dma_start3A_1018, %dma_start3A_1019] : memref<2x80xi32, #tpu.memory_space<vmem>> -> memref<1x80xi32, #tpu.memory_space<vmem>>
        %dma_start3A_1021 = tpu.memref_squeeze %dma_start3A_1020 : memref<1x80xi32, #tpu.memory_space<vmem>> -> memref<80xi32, #tpu.memory_space<vmem>>
        %dma_start3A_1022 = arith.constant 0 : i32
        %dma_start3A_1023 = arith.constant 0 : i32
        %dma_start3A_1024 = tpu.memref_slice %arg2[%dma_start3A_1022, %dma_start3A_1023] : memref<10000x128xf32, #tpu.memory_space<hbm>> -> memref<10000x128xf32, #tpu.memory_space<hbm>>
        tpu.enqueue_indirect_dma source(%dma_start3A_1024 : memref<10000x128xf32, #tpu.memory_space<hbm>>) target(%arg14 : memref<80x128xf32, #tpu.memory_space<vmem>>) offsets(%dma_start3A_1021 : memref<80xi32, #tpu.memory_space<vmem>>) semaphore(%arg23 : memref<!tpu.dma_semaphore, #tpu.memory_space<semaphore_mem>>)
      } else {
      }
      %add3A_862 = arith.constant 3 : i32
      %add3A_863 = arith.addi %add3A_842, %add3A_862 : i32
      %lt3A_864 = arith.constant 125 : i32
      %lt3A_865 = arith.cmpi slt, %add3A_863, %lt3A_864 : i32
      %convert_element_type3A_866 = arith.extui %lt3A_865 : i1 to i32
      %cond3A_867 = arith.constant 0 : i32
      %cond3A_868 = arith.cmpi ne, %convert_element_type3A_866, %cond3A_867 : i32
      scf.if %cond3A_868 {
        %add3A_1006 = arith.constant 3 : i32
        %add3A_1007 = arith.addi %add3A_842, %add3A_1006 : i32
        %dma_start3A_1008 = arith.constant 0 : i32
        %dma_start3A_1009 = arith.constant 0 : i32
        %dma_start3A_1010 = tpu.memref_slice %arg3[%add3A, %add3A_1007, %dma_start3A_1008, %dma_start3A_1009] : memref<32x125x2x80xi32, #tpu.memory_space<hbm>> -> memref<1x1x2x80xi32, #tpu.memory_space<hbm>>
        %dma_start3A_1011 = tpu.memref_squeeze %dma_start3A_1010 : memref<1x1x2x80xi32, #tpu.memory_space<hbm>> -> memref<2x80xi32, #tpu.memory_space<hbm>>
        %dma_start3A_1012 = arith.constant 0 : i32
        %dma_start3A_1013 = arith.constant 0 : i32
        %dma_start3A_1014 = tpu.memref_slice %arg3[%add3A, %add3A_1007, %dma_start3A_1012, %dma_start3A_1013] : memref<32x125x2x80xi32, #tpu.memory_space<hbm>> -> memref<1x1x2x80xi32, #tpu.memory_space<hbm>>
        %dma_start3A_1015 = tpu.memref_squeeze %dma_start3A_1014 : memref<1x1x2x80xi32, #tpu.memory_space<hbm>> -> memref<2x80xi32, #tpu.memory_space<hbm>>
        tpu.enqueue_dma source(%dma_start3A_1015 : memref<2x80xi32, #tpu.memory_space<hbm>>) target(%arg8 : memref<2x80xi32, #tpu.memory_space<vmem>>) target_semaphore(%arg17 : memref<!tpu.dma_semaphore, #tpu.memory_space<semaphore_mem>>)
      } else {
      }
      %dma_start3A_869 = arith.constant 1 : i32
      %dma_start3A_870 = arith.constant 0 : i32
      %dma_start3A_871 = tpu.memref_slice %arg9[%dma_start3A_869, %dma_start3A_870] : memref<2x80xi32, #tpu.memory_space<vmem>> -> memref<1x80xi32, #tpu.memory_space<vmem>>
      %dma_start3A_872 = tpu.memref_squeeze %dma_start3A_871 : memref<1x80xi32, #tpu.memory_space<vmem>> -> memref<80xi32, #tpu.memory_space<vmem>>
      %dma_start3A_873 = arith.constant 0 : i32
      %dma_start3A_874 = arith.constant 0 : i32
      %dma_start3A_875 = tpu.memref_slice %arg16[%dma_start3A_873, %dma_start3A_874] : memref<10112x128xf32, #tpu.memory_space<vmem_shared>> -> memref<10112x128xf32, #tpu.memory_space<vmem_shared>>
      tpu.enqueue_indirect_dma source(%arg12 : memref<80x128xf32, #tpu.memory_space<vmem>>) target(%dma_start3A_875 : memref<10112x128xf32, #tpu.memory_space<vmem_shared>>) offsets(%dma_start3A_872 : memref<80xi32, #tpu.memory_space<vmem>>) semaphore(%arg24 : memref<!tpu.dma_semaphore, #tpu.memory_space<semaphore_mem>>) {add = true}
      %get3A_876 = arith.constant 1 : i32
      %get3A_877 = arith.index_cast %get3A_876 : i32 to index
      %get3A_878 = arith.constant 0 : index
      %get3A_879 = tpu.vector_load %arg9[%get3A_877, %get3A_878] {strides = array<i32>} : memref<2x80xi32, #tpu.memory_space<vmem>>, vector<16xi32>,
      tpu.vector_store_idx %arg15[%broadcast_in_dim3A_60, %get3A_879], %broadcast_in_dim3A_62 {add = true} : memref<1x10112xf32, #tpu.memory_space<vmem>>[vector<16xi32>, vector<16xi32>], vector<16xf32>,
      %get3A_880 = arith.constant 1 : i32
      %get3A_881 = arith.index_cast %get3A_880 : i32 to index
      %get3A_882 = arith.constant 16 : index
      %get3A_883 = tpu.vector_load %arg9[%get3A_881, %get3A_882] {strides = array<i32>} : memref<2x80xi32, #tpu.memory_space<vmem>>, vector<16xi32>,
      tpu.vector_store_idx %arg15[%broadcast_in_dim3A_60, %get3A_883], %broadcast_in_dim3A_62 {add = true} : memref<1x10112xf32, #tpu.memory_space<vmem>>[vector<16xi32>, vector<16xi32>], vector<16xf32>,
      %get3A_884 = arith.constant 1 : i32
      %get3A_885 = arith.index_cast %get3A_884 : i32 to index
      %get3A_886 = arith.constant 32 : index
      %get3A_887 = tpu.vector_load %arg9[%get3A_885, %get3A_886] {strides = array<i32>} : memref<2x80xi32, #tpu.memory_space<vmem>>, vector<16xi32>,
      tpu.vector_store_idx %arg15[%broadcast_in_dim3A_60, %get3A_887], %broadcast_in_dim3A_62 {add = true} : memref<1x10112xf32, #tpu.memory_space<vmem>>[vector<16xi32>, vector<16xi32>], vector<16xf32>,
      %get3A_888 = arith.constant 1 : i32
      %get3A_889 = arith.index_cast %get3A_888 : i32 to index
      %get3A_890 = arith.constant 48 : index
      %get3A_891 = tpu.vector_load %arg9[%get3A_889, %get3A_890] {strides = array<i32>} : memref<2x80xi32, #tpu.memory_space<vmem>>, vector<16xi32>,
      tpu.vector_store_idx %arg15[%broadcast_in_dim3A_60, %get3A_891], %broadcast_in_dim3A_62 {add = true} : memref<1x10112xf32, #tpu.memory_space<vmem>>[vector<16xi32>, vector<16xi32>], vector<16xf32>,
      %get3A_892 = arith.constant 1 : i32
      %get3A_893 = arith.index_cast %get3A_892 : i32 to index
      %get3A_894 = arith.constant 64 : index
      %get3A_895 = tpu.vector_load %arg9[%get3A_893, %get3A_894] {strides = array<i32>} : memref<2x80xi32, #tpu.memory_space<vmem>>, vector<16xi32>,
      tpu.vector_store_idx %arg15[%broadcast_in_dim3A_60, %get3A_895], %broadcast_in_dim3A_62 {add = true} : memref<1x10112xf32, #tpu.memory_space<vmem>>[vector<16xi32>, vector<16xi32>], vector<16xf32>,
      %add3A_896 = arith.constant 10 : i32
      %add3A_897 = arith.addi %add3A_349, %add3A_896 : i32
      %dma_wait3A_898 = arith.constant 0 : i32
      %dma_wait3A_899 = arith.constant 0 : i32
      %dma_wait3A_900 = tpu.memref_slice %arg10[%dma_wait3A_898, %dma_wait3A_899] : memref<2x80xi32, #tpu.memory_space<vmem>> -> memref<1x80xi32, #tpu.memory_space<vmem>>
      %dma_wait3A_901 = tpu.memref_squeeze %dma_wait3A_900 : memref<1x80xi32, #tpu.memory_space<vmem>> -> memref<80xi32, #tpu.memory_space<vmem>>
      %dma_wait3A_902 = arith.constant 0 : i32
      %dma_wait3A_903 = arith.constant 0 : i32
      %dma_wait3A_904 = tpu.memref_slice %arg2[%dma_wait3A_902, %dma_wait3A_903] : memref<10000x128xf32, #tpu.memory_space<hbm>> -> memref<10000x128xf32, #tpu.memory_space<hbm>>
      tpu.wait_indirect_dma semaphore(%arg22 : memref<!tpu.dma_semaphore, #tpu.memory_space<semaphore_mem>>) src(%dma_wait3A_904 : memref<10000x128xf32, #tpu.memory_space<hbm>>) dst(%arg13 : memref<80x128xf32, #tpu.memory_space<vmem>>)
      %ge3A_905 = arith.constant 1 : i32
      %ge3A_906 = arith.cmpi sge, %add3A_897, %ge3A_905 : i32
      %convert_element_type3A_907 = arith.extui %ge3A_906 : i1 to i32
      %cond3A_908 = arith.constant 0 : i32
      %cond3A_909 = arith.cmpi ne, %convert_element_type3A_907, %cond3A_908 : i32
      scf.if %cond3A_909 {
        %dma_wait3A_1006 = arith.constant 1 : i32
        %dma_wait3A_1007 = arith.constant 0 : i32
        %dma_wait3A_1008 = tpu.memref_slice %arg9[%dma_wait3A_1006, %dma_wait3A_1007] : memref<2x80xi32, #tpu.memory_space<vmem>> -> memref<1x80xi32, #tpu.memory_space<vmem>>
        %dma_wait3A_1009 = tpu.memref_squeeze %dma_wait3A_1008 : memref<1x80xi32, #tpu.memory_space<vmem>> -> memref<80xi32, #tpu.memory_space<vmem>>
        %dma_wait3A_1010 = arith.constant 0 : i32
        %dma_wait3A_1011 = arith.constant 0 : i32
        %dma_wait3A_1012 = tpu.memref_slice %arg16[%dma_wait3A_1010, %dma_wait3A_1011] : memref<10112x128xf32, #tpu.memory_space<vmem_shared>> -> memref<10112x128xf32, #tpu.memory_space<vmem_shared>>
        tpu.wait_indirect_dma semaphore(%arg24 : memref<!tpu.dma_semaphore, #tpu.memory_space<semaphore_mem>>) src(%arg12 : memref<80x128xf32, #tpu.memory_space<vmem>>) dst(%dma_wait3A_1012 : memref<10112x128xf32, #tpu.memory_space<vmem_shared>>)
      } else {
      }
      %add3A_910 = arith.constant 2 : i32
      %add3A_911 = arith.addi %add3A_897, %add3A_910 : i32
      %lt3A_912 = arith.constant 125 : i32
      %lt3A_913 = arith.cmpi slt, %add3A_911, %lt3A_912 : i32
      %convert_element_type3A_914 = arith.extui %lt3A_913 : i1 to i32
      %cond3A_915 = arith.constant 0 : i32
      %cond3A_916 = arith.cmpi ne, %convert_element_type3A_914, %cond3A_915 : i32
      scf.if %cond3A_916 {
        %add3A_1006 = arith.constant 2 : i32
        %add3A_1007 = arith.addi %add3A_897, %add3A_1006 : i32
        %dma_wait3A_1008 = arith.constant 0 : i32
        %dma_wait3A_1009 = arith.constant 0 : i32
        %dma_wait3A_1010 = tpu.memref_slice %arg3[%add3A, %add3A_1007, %dma_wait3A_1008, %dma_wait3A_1009] : memref<32x125x2x80xi32, #tpu.memory_space<hbm>> -> memref<1x1x2x80xi32, #tpu.memory_space<hbm>>
        %dma_wait3A_1011 = tpu.memref_squeeze %dma_wait3A_1010 : memref<1x1x2x80xi32, #tpu.memory_space<hbm>> -> memref<2x80xi32, #tpu.memory_space<hbm>>
        %dma_wait3A_1012 = arith.constant 0 : i32
        %dma_wait3A_1013 = arith.constant 0 : i32
        %dma_wait3A_1014 = tpu.memref_slice %arg3[%add3A, %add3A_1007, %dma_wait3A_1012, %dma_wait3A_1013] : memref<32x125x2x80xi32, #tpu.memory_space<hbm>> -> memref<1x1x2x80xi32, #tpu.memory_space<hbm>>
        %dma_wait3A_1015 = tpu.memref_squeeze %dma_wait3A_1014 : memref<1x1x2x80xi32, #tpu.memory_space<hbm>> -> memref<2x80xi32, #tpu.memory_space<hbm>>
        tpu.wait_dma2 semaphore(%arg17 : memref<!tpu.dma_semaphore, #tpu.memory_space<semaphore_mem>>) src(%dma_wait3A_1015 : memref<2x80xi32, #tpu.memory_space<hbm>>) dst(%arg8 : memref<2x80xi32, #tpu.memory_space<vmem>>)
        %add3A_1016 = arith.constant 2 : i32
        %add3A_1017 = arith.addi %add3A_897, %add3A_1016 : i32
        %dma_start3A_1018 = arith.constant 0 : i32
        %dma_start3A_1019 = arith.constant 0 : i32
        %dma_start3A_1020 = tpu.memref_slice %arg8[%dma_start3A_1018, %dma_start3A_1019] : memref<2x80xi32, #tpu.memory_space<vmem>> -> memref<1x80xi32, #tpu.memory_space<vmem>>
        %dma_start3A_1021 = tpu.memref_squeeze %dma_start3A_1020 : memref<1x80xi32, #tpu.memory_space<vmem>> -> memref<80xi32, #tpu.memory_space<vmem>>
        %dma_start3A_1022 = arith.constant 0 : i32
        %dma_start3A_1023 = arith.constant 0 : i32
        %dma_start3A_1024 = tpu.memref_slice %arg2[%dma_start3A_1022, %dma_start3A_1023] : memref<10000x128xf32, #tpu.memory_space<hbm>> -> memref<10000x128xf32, #tpu.memory_space<hbm>>
        tpu.enqueue_indirect_dma source(%dma_start3A_1024 : memref<10000x128xf32, #tpu.memory_space<hbm>>) target(%arg12 : memref<80x128xf32, #tpu.memory_space<vmem>>) offsets(%dma_start3A_1021 : memref<80xi32, #tpu.memory_space<vmem>>) semaphore(%arg21 : memref<!tpu.dma_semaphore, #tpu.memory_space<semaphore_mem>>)
      } else {
      }
      %add3A_917 = arith.constant 3 : i32
      %add3A_918 = arith.addi %add3A_897, %add3A_917 : i32
      %lt3A_919 = arith.constant 125 : i32
      %lt3A_920 = arith.cmpi slt, %add3A_918, %lt3A_919 : i32
      %convert_element_type3A_921 = arith.extui %lt3A_920 : i1 to i32
      %cond3A_922 = arith.constant 0 : i32
      %cond3A_923 = arith.cmpi ne, %convert_element_type3A_921, %cond3A_922 : i32
      scf.if %cond3A_923 {
        %add3A_1006 = arith.constant 3 : i32
        %add3A_1007 = arith.addi %add3A_897, %add3A_1006 : i32
        %dma_start3A_1008 = arith.constant 0 : i32
        %dma_start3A_1009 = arith.constant 0 : i32
        %dma_start3A_1010 = tpu.memref_slice %arg3[%add3A, %add3A_1007, %dma_start3A_1008, %dma_start3A_1009] : memref<32x125x2x80xi32, #tpu.memory_space<hbm>> -> memref<1x1x2x80xi32, #tpu.memory_space<hbm>>
        %dma_start3A_1011 = tpu.memref_squeeze %dma_start3A_1010 : memref<1x1x2x80xi32, #tpu.memory_space<hbm>> -> memref<2x80xi32, #tpu.memory_space<hbm>>
        %dma_start3A_1012 = arith.constant 0 : i32
        %dma_start3A_1013 = arith.constant 0 : i32
        %dma_start3A_1014 = tpu.memref_slice %arg3[%add3A, %add3A_1007, %dma_start3A_1012, %dma_start3A_1013] : memref<32x125x2x80xi32, #tpu.memory_space<hbm>> -> memref<1x1x2x80xi32, #tpu.memory_space<hbm>>
        %dma_start3A_1015 = tpu.memref_squeeze %dma_start3A_1014 : memref<1x1x2x80xi32, #tpu.memory_space<hbm>> -> memref<2x80xi32, #tpu.memory_space<hbm>>
        tpu.enqueue_dma source(%dma_start3A_1015 : memref<2x80xi32, #tpu.memory_space<hbm>>) target(%arg9 : memref<2x80xi32, #tpu.memory_space<vmem>>) target_semaphore(%arg18 : memref<!tpu.dma_semaphore, #tpu.memory_space<semaphore_mem>>)
      } else {
      }
      %dma_start3A_924 = arith.constant 1 : i32
      %dma_start3A_925 = arith.constant 0 : i32
      %dma_start3A_926 = tpu.memref_slice %arg10[%dma_start3A_924, %dma_start3A_925] : memref<2x80xi32, #tpu.memory_space<vmem>> -> memref<1x80xi32, #tpu.memory_space<vmem>>
      %dma_start3A_927 = tpu.memref_squeeze %dma_start3A_926 : memref<1x80xi32, #tpu.memory_space<vmem>> -> memref<80xi32, #tpu.memory_space<vmem>>
      %dma_start3A_928 = arith.constant 0 : i32
      %dma_start3A_929 = arith.constant 0 : i32
      %dma_start3A_930 = tpu.memref_slice %arg16[%dma_start3A_928, %dma_start3A_929] : memref<10112x128xf32, #tpu.memory_space<vmem_shared>> -> memref<10112x128xf32, #tpu.memory_space<vmem_shared>>
      tpu.enqueue_indirect_dma source(%arg13 : memref<80x128xf32, #tpu.memory_space<vmem>>) target(%dma_start3A_930 : memref<10112x128xf32, #tpu.memory_space<vmem_shared>>) offsets(%dma_start3A_927 : memref<80xi32, #tpu.memory_space<vmem>>) semaphore(%arg25 : memref<!tpu.dma_semaphore, #tpu.memory_space<semaphore_mem>>) {add = true}
      %get3A_931 = arith.constant 1 : i32
      %get3A_932 = arith.index_cast %get3A_931 : i32 to index
      %get3A_933 = arith.constant 0 : index
      %get3A_934 = tpu.vector_load %arg10[%get3A_932, %get3A_933] {strides = array<i32>} : memref<2x80xi32, #tpu.memory_space<vmem>>, vector<16xi32>,
      tpu.vector_store_idx %arg15[%broadcast_in_dim3A_60, %get3A_934], %broadcast_in_dim3A_62 {add = true} : memref<1x10112xf32, #tpu.memory_space<vmem>>[vector<16xi32>, vector<16xi32>], vector<16xf32>,
      %get3A_935 = arith.constant 1 : i32
      %get3A_936 = arith.index_cast %get3A_935 : i32 to index
      %get3A_937 = arith.constant 16 : index
      %get3A_938 = tpu.vector_load %arg10[%get3A_936, %get3A_937] {strides = array<i32>} : memref<2x80xi32, #tpu.memory_space<vmem>>, vector<16xi32>,
      tpu.vector_store_idx %arg15[%broadcast_in_dim3A_60, %get3A_938], %broadcast_in_dim3A_62 {add = true} : memref<1x10112xf32, #tpu.memory_space<vmem>>[vector<16xi32>, vector<16xi32>], vector<16xf32>,
      %get3A_939 = arith.constant 1 : i32
      %get3A_940 = arith.index_cast %get3A_939 : i32 to index
      %get3A_941 = arith.constant 32 : index
      %get3A_942 = tpu.vector_load %arg10[%get3A_940, %get3A_941] {strides = array<i32>} : memref<2x80xi32, #tpu.memory_space<vmem>>, vector<16xi32>,
      tpu.vector_store_idx %arg15[%broadcast_in_dim3A_60, %get3A_942], %broadcast_in_dim3A_62 {add = true} : memref<1x10112xf32, #tpu.memory_space<vmem>>[vector<16xi32>, vector<16xi32>], vector<16xf32>,
      %get3A_943 = arith.constant 1 : i32
      %get3A_944 = arith.index_cast %get3A_943 : i32 to index
      %get3A_945 = arith.constant 48 : index
      %get3A_946 = tpu.vector_load %arg10[%get3A_944, %get3A_945] {strides = array<i32>} : memref<2x80xi32, #tpu.memory_space<vmem>>, vector<16xi32>,
      tpu.vector_store_idx %arg15[%broadcast_in_dim3A_60, %get3A_946], %broadcast_in_dim3A_62 {add = true} : memref<1x10112xf32, #tpu.memory_space<vmem>>[vector<16xi32>, vector<16xi32>], vector<16xf32>,
      %get3A_947 = arith.constant 1 : i32
      %get3A_948 = arith.index_cast %get3A_947 : i32 to index
      %get3A_949 = arith.constant 64 : index
      %get3A_950 = tpu.vector_load %arg10[%get3A_948, %get3A_949] {strides = array<i32>} : memref<2x80xi32, #tpu.memory_space<vmem>>, vector<16xi32>,
      tpu.vector_store_idx %arg15[%broadcast_in_dim3A_60, %get3A_950], %broadcast_in_dim3A_62 {add = true} : memref<1x10112xf32, #tpu.memory_space<vmem>>[vector<16xi32>, vector<16xi32>], vector<16xf32>,
      %add3A_951 = arith.constant 11 : i32
      %add3A_952 = arith.addi %add3A_349, %add3A_951 : i32
      %dma_wait3A_953 = arith.constant 0 : i32
      %dma_wait3A_954 = arith.constant 0 : i32
      %dma_wait3A_955 = tpu.memref_slice %arg11[%dma_wait3A_953, %dma_wait3A_954] : memref<2x80xi32, #tpu.memory_space<vmem>> -> memref<1x80xi32, #tpu.memory_space<vmem>>
      %dma_wait3A_956 = tpu.memref_squeeze %dma_wait3A_955 : memref<1x80xi32, #tpu.memory_space<vmem>> -> memref<80xi32, #tpu.memory_space<vmem>>
      %dma_wait3A_957 = arith.constant 0 : i32
      %dma_wait3A_958 = arith.constant 0 : i32
      %dma_wait3A_959 = tpu.memref_slice %arg2[%dma_wait3A_957, %dma_wait3A_958] : memref<10000x128xf32, #tpu.memory_space<hbm>> -> memref<10000x128xf32, #tpu.memory_space<hbm>>
      tpu.wait_indirect_dma semaphore(%arg23 : memref<!tpu.dma_semaphore, #tpu.memory_space<semaphore_mem>>) src(%dma_wait3A_959 : memref<10000x128xf32, #tpu.memory_space<hbm>>) dst(%arg14 : memref<80x128xf32, #tpu.memory_space<vmem>>)
      %ge3A_960 = arith.constant 1 : i32
      %ge3A_961 = arith.cmpi sge, %add3A_952, %ge3A_960 : i32
      %convert_element_type3A_962 = arith.extui %ge3A_961 : i1 to i32
      %cond3A_963 = arith.constant 0 : i32
      %cond3A_964 = arith.cmpi ne, %convert_element_type3A_962, %cond3A_963 : i32
      scf.if %cond3A_964 {
        %dma_wait3A_1006 = arith.constant 1 : i32
        %dma_wait3A_1007 = arith.constant 0 : i32
        %dma_wait3A_1008 = tpu.memref_slice %arg10[%dma_wait3A_1006, %dma_wait3A_1007] : memref<2x80xi32, #tpu.memory_space<vmem>> -> memref<1x80xi32, #tpu.memory_space<vmem>>
        %dma_wait3A_1009 = tpu.memref_squeeze %dma_wait3A_1008 : memref<1x80xi32, #tpu.memory_space<vmem>> -> memref<80xi32, #tpu.memory_space<vmem>>
        %dma_wait3A_1010 = arith.constant 0 : i32
        %dma_wait3A_1011 = arith.constant 0 : i32
        %dma_wait3A_1012 = tpu.memref_slice %arg16[%dma_wait3A_1010, %dma_wait3A_1011] : memref<10112x128xf32, #tpu.memory_space<vmem_shared>> -> memref<10112x128xf32, #tpu.memory_space<vmem_shared>>
        tpu.wait_indirect_dma semaphore(%arg25 : memref<!tpu.dma_semaphore, #tpu.memory_space<semaphore_mem>>) src(%arg13 : memref<80x128xf32, #tpu.memory_space<vmem>>) dst(%dma_wait3A_1012 : memref<10112x128xf32, #tpu.memory_space<vmem_shared>>)
      } else {
      }
      %add3A_965 = arith.constant 2 : i32
      %add3A_966 = arith.addi %add3A_952, %add3A_965 : i32
      %lt3A_967 = arith.constant 125 : i32
      %lt3A_968 = arith.cmpi slt, %add3A_966, %lt3A_967 : i32
      %convert_element_type3A_969 = arith.extui %lt3A_968 : i1 to i32
      %cond3A_970 = arith.constant 0 : i32
      %cond3A_971 = arith.cmpi ne, %convert_element_type3A_969, %cond3A_970 : i32
      scf.if %cond3A_971 {
        %add3A_1006 = arith.constant 2 : i32
        %add3A_1007 = arith.addi %add3A_952, %add3A_1006 : i32
        %dma_wait3A_1008 = arith.constant 0 : i32
        %dma_wait3A_1009 = arith.constant 0 : i32
        %dma_wait3A_1010 = tpu.memref_slice %arg3[%add3A, %add3A_1007, %dma_wait3A_1008, %dma_wait3A_1009] : memref<32x125x2x80xi32, #tpu.memory_space<hbm>> -> memref<1x1x2x80xi32, #tpu.memory_space<hbm>>
        %dma_wait3A_1011 = tpu.memref_squeeze %dma_wait3A_1010 : memref<1x1x2x80xi32, #tpu.memory_space<hbm>> -> memref<2x80xi32, #tpu.memory_space<hbm>>
        %dma_wait3A_1012 = arith.constant 0 : i32
        %dma_wait3A_1013 = arith.constant 0 : i32
        %dma_wait3A_1014 = tpu.memref_slice %arg3[%add3A, %add3A_1007, %dma_wait3A_1012, %dma_wait3A_1013] : memref<32x125x2x80xi32, #tpu.memory_space<hbm>> -> memref<1x1x2x80xi32, #tpu.memory_space<hbm>>
        %dma_wait3A_1015 = tpu.memref_squeeze %dma_wait3A_1014 : memref<1x1x2x80xi32, #tpu.memory_space<hbm>> -> memref<2x80xi32, #tpu.memory_space<hbm>>
        tpu.wait_dma2 semaphore(%arg18 : memref<!tpu.dma_semaphore, #tpu.memory_space<semaphore_mem>>) src(%dma_wait3A_1015 : memref<2x80xi32, #tpu.memory_space<hbm>>) dst(%arg9 : memref<2x80xi32, #tpu.memory_space<vmem>>)
        %add3A_1016 = arith.constant 2 : i32
        %add3A_1017 = arith.addi %add3A_952, %add3A_1016 : i32
        %dma_start3A_1018 = arith.constant 0 : i32
        %dma_start3A_1019 = arith.constant 0 : i32
        %dma_start3A_1020 = tpu.memref_slice %arg9[%dma_start3A_1018, %dma_start3A_1019] : memref<2x80xi32, #tpu.memory_space<vmem>> -> memref<1x80xi32, #tpu.memory_space<vmem>>
        %dma_start3A_1021 = tpu.memref_squeeze %dma_start3A_1020 : memref<1x80xi32, #tpu.memory_space<vmem>> -> memref<80xi32, #tpu.memory_space<vmem>>
        %dma_start3A_1022 = arith.constant 0 : i32
        %dma_start3A_1023 = arith.constant 0 : i32
        %dma_start3A_1024 = tpu.memref_slice %arg2[%dma_start3A_1022, %dma_start3A_1023] : memref<10000x128xf32, #tpu.memory_space<hbm>> -> memref<10000x128xf32, #tpu.memory_space<hbm>>
        tpu.enqueue_indirect_dma source(%dma_start3A_1024 : memref<10000x128xf32, #tpu.memory_space<hbm>>) target(%arg13 : memref<80x128xf32, #tpu.memory_space<vmem>>) offsets(%dma_start3A_1021 : memref<80xi32, #tpu.memory_space<vmem>>) semaphore(%arg22 : memref<!tpu.dma_semaphore, #tpu.memory_space<semaphore_mem>>)
      } else {
      }
      %add3A_972 = arith.constant 3 : i32
      %add3A_973 = arith.addi %add3A_952, %add3A_972 : i32
      %lt3A_974 = arith.constant 125 : i32
      %lt3A_975 = arith.cmpi slt, %add3A_973, %lt3A_974 : i32
      %convert_element_type3A_976 = arith.extui %lt3A_975 : i1 to i32
      %cond3A_977 = arith.constant 0 : i32
      %cond3A_978 = arith.cmpi ne, %convert_element_type3A_976, %cond3A_977 : i32
      scf.if %cond3A_978 {
        %add3A_1006 = arith.constant 3 : i32
        %add3A_1007 = arith.addi %add3A_952, %add3A_1006 : i32
        %dma_start3A_1008 = arith.constant 0 : i32
        %dma_start3A_1009 = arith.constant 0 : i32
        %dma_start3A_1010 = tpu.memref_slice %arg3[%add3A, %add3A_1007, %dma_start3A_1008, %dma_start3A_1009] : memref<32x125x2x80xi32, #tpu.memory_space<hbm>> -> memref<1x1x2x80xi32, #tpu.memory_space<hbm>>
        %dma_start3A_1011 = tpu.memref_squeeze %dma_start3A_1010 : memref<1x1x2x80xi32, #tpu.memory_space<hbm>> -> memref<2x80xi32, #tpu.memory_space<hbm>>
        %dma_start3A_1012 = arith.constant 0 : i32
        %dma_start3A_1013 = arith.constant 0 : i32
        %dma_start3A_1014 = tpu.memref_slice %arg3[%add3A, %add3A_1007, %dma_start3A_1012, %dma_start3A_1013] : memref<32x125x2x80xi32, #tpu.memory_space<hbm>> -> memref<1x1x2x80xi32, #tpu.memory_space<hbm>>
        %dma_start3A_1015 = tpu.memref_squeeze %dma_start3A_1014 : memref<1x1x2x80xi32, #tpu.memory_space<hbm>> -> memref<2x80xi32, #tpu.memory_space<hbm>>
        tpu.enqueue_dma source(%dma_start3A_1015 : memref<2x80xi32, #tpu.memory_space<hbm>>) target(%arg10 : memref<2x80xi32, #tpu.memory_space<vmem>>) target_semaphore(%arg19 : memref<!tpu.dma_semaphore, #tpu.memory_space<semaphore_mem>>)
      } else {
      }
      %dma_start3A_979 = arith.constant 1 : i32
      %dma_start3A_980 = arith.constant 0 : i32
      %dma_start3A_981 = tpu.memref_slice %arg11[%dma_start3A_979, %dma_start3A_980] : memref<2x80xi32, #tpu.memory_space<vmem>> -> memref<1x80xi32, #tpu.memory_space<vmem>>
      %dma_start3A_982 = tpu.memref_squeeze %dma_start3A_981 : memref<1x80xi32, #tpu.memory_space<vmem>> -> memref<80xi32, #tpu.memory_space<vmem>>
      %dma_start3A_983 = arith.constant 0 : i32
      %dma_start3A_984 = arith.constant 0 : i32
      %dma_start3A_985 = tpu.memref_slice %arg16[%dma_start3A_983, %dma_start3A_984] : memref<10112x128xf32, #tpu.memory_space<vmem_shared>> -> memref<10112x128xf32, #tpu.memory_space<vmem_shared>>
      tpu.enqueue_indirect_dma source(%arg14 : memref<80x128xf32, #tpu.memory_space<vmem>>) target(%dma_start3A_985 : memref<10112x128xf32, #tpu.memory_space<vmem_shared>>) offsets(%dma_start3A_982 : memref<80xi32, #tpu.memory_space<vmem>>) semaphore(%arg26 : memref<!tpu.dma_semaphore, #tpu.memory_space<semaphore_mem>>) {add = true}
      %get3A_986 = arith.constant 1 : i32
      %get3A_987 = arith.index_cast %get3A_986 : i32 to index
      %get3A_988 = arith.constant 0 : index
      %get3A_989 = tpu.vector_load %arg11[%get3A_987, %get3A_988] {strides = array<i32>} : memref<2x80xi32, #tpu.memory_space<vmem>>, vector<16xi32>,
      tpu.vector_store_idx %arg15[%broadcast_in_dim3A_60, %get3A_989], %broadcast_in_dim3A_62 {add = true} : memref<1x10112xf32, #tpu.memory_space<vmem>>[vector<16xi32>, vector<16xi32>], vector<16xf32>,
      %get3A_990 = arith.constant 1 : i32
      %get3A_991 = arith.index_cast %get3A_990 : i32 to index
      %get3A_992 = arith.constant 16 : index
      %get3A_993 = tpu.vector_load %arg11[%get3A_991, %get3A_992] {strides = array<i32>} : memref<2x80xi32, #tpu.memory_space<vmem>>, vector<16xi32>,
      tpu.vector_store_idx %arg15[%broadcast_in_dim3A_60, %get3A_993], %broadcast_in_dim3A_62 {add = true} : memref<1x10112xf32, #tpu.memory_space<vmem>>[vector<16xi32>, vector<16xi32>], vector<16xf32>,
      %get3A_994 = arith.constant 1 : i32
      %get3A_995 = arith.index_cast %get3A_994 : i32 to index
      %get3A_996 = arith.constant 32 : index
      %get3A_997 = tpu.vector_load %arg11[%get3A_995, %get3A_996] {strides = array<i32>} : memref<2x80xi32, #tpu.memory_space<vmem>>, vector<16xi32>,
      tpu.vector_store_idx %arg15[%broadcast_in_dim3A_60, %get3A_997], %broadcast_in_dim3A_62 {add = true} : memref<1x10112xf32, #tpu.memory_space<vmem>>[vector<16xi32>, vector<16xi32>], vector<16xf32>,
      %get3A_998 = arith.constant 1 : i32
      %get3A_999 = arith.index_cast %get3A_998 : i32 to index
      %get3A_1000 = arith.constant 48 : index
      %get3A_1001 = tpu.vector_load %arg11[%get3A_999, %get3A_1000] {strides = array<i32>} : memref<2x80xi32, #tpu.memory_space<vmem>>, vector<16xi32>,
      tpu.vector_store_idx %arg15[%broadcast_in_dim3A_60, %get3A_1001], %broadcast_in_dim3A_62 {add = true} : memref<1x10112xf32, #tpu.memory_space<vmem>>[vector<16xi32>, vector<16xi32>], vector<16xf32>,
      %get3A_1002 = arith.constant 1 : i32
      %get3A_1003 = arith.index_cast %get3A_1002 : i32 to index
      %get3A_1004 = arith.constant 64 : index
      %get3A_1005 = tpu.vector_load %arg11[%get3A_1003, %get3A_1004] {strides = array<i32>} : memref<2x80xi32, #tpu.memory_space<vmem>>, vector<16xi32>,
      tpu.vector_store_idx %arg15[%broadcast_in_dim3A_60, %get3A_1005], %broadcast_in_dim3A_62 {add = true} : memref<1x10112xf32, #tpu.memory_space<vmem>>[vector<16xi32>, vector<16xi32>], vector<16xf32>,
    }
    %scan3A_66 = arith.constant 10 : i32
    %dma_wait3A_67 = arith.constant 0 : i32
    %dma_wait3A_68 = arith.constant 0 : i32
    %dma_wait3A_69 = tpu.memref_slice %arg8[%dma_wait3A_67, %dma_wait3A_68] : memref<2x80xi32, #tpu.memory_space<vmem>> -> memref<1x80xi32, #tpu.memory_space<vmem>>
    %dma_wait3A_70 = tpu.memref_squeeze %dma_wait3A_69 : memref<1x80xi32, #tpu.memory_space<vmem>> -> memref<80xi32, #tpu.memory_space<vmem>>
    %dma_wait3A_71 = arith.constant 0 : i32
    %dma_wait3A_72 = arith.constant 0 : i32
    %dma_wait3A_73 = tpu.memref_slice %arg2[%dma_wait3A_71, %dma_wait3A_72] : memref<10000x128xf32, #tpu.memory_space<hbm>> -> memref<10000x128xf32, #tpu.memory_space<hbm>>
    tpu.wait_indirect_dma semaphore(%arg21 : memref<!tpu.dma_semaphore, #tpu.memory_space<semaphore_mem>>) src(%dma_wait3A_73 : memref<10000x128xf32, #tpu.memory_space<hbm>>) dst(%arg12 : memref<80x128xf32, #tpu.memory_space<vmem>>)
    %dma_wait3A_74 = arith.constant 1 : i32
    %dma_wait3A_75 = arith.constant 0 : i32
    %dma_wait3A_76 = tpu.memref_slice %arg11[%dma_wait3A_74, %dma_wait3A_75] : memref<2x80xi32, #tpu.memory_space<vmem>> -> memref<1x80xi32, #tpu.memory_space<vmem>>
    %dma_wait3A_77 = tpu.memref_squeeze %dma_wait3A_76 : memref<1x80xi32, #tpu.memory_space<vmem>> -> memref<80xi32, #tpu.memory_space<vmem>>
    %dma_wait3A_78 = arith.constant 0 : i32
    %dma_wait3A_79 = arith.constant 0 : i32
    %dma_wait3A_80 = tpu.memref_slice %arg16[%dma_wait3A_78, %dma_wait3A_79] : memref<10112x128xf32, #tpu.memory_space<vmem_shared>> -> memref<10112x128xf32, #tpu.memory_space<vmem_shared>>
    tpu.wait_indirect_dma semaphore(%arg26 : memref<!tpu.dma_semaphore, #tpu.memory_space<semaphore_mem>>) src(%arg14 : memref<80x128xf32, #tpu.memory_space<vmem>>) dst(%dma_wait3A_80 : memref<10112x128xf32, #tpu.memory_space<vmem_shared>>)
    %dma_wait3A_81 = arith.constant 122 : i32
    %dma_wait3A_82 = arith.constant 0 : i32
    %dma_wait3A_83 = arith.constant 0 : i32
    %dma_wait3A_84 = tpu.memref_slice %arg3[%add3A, %dma_wait3A_81, %dma_wait3A_82, %dma_wait3A_83] : memref<32x125x2x80xi32, #tpu.memory_space<hbm>> -> memref<1x1x2x80xi32, #tpu.memory_space<hbm>>
    %dma_wait3A_85 = tpu.memref_squeeze %dma_wait3A_84 : memref<1x1x2x80xi32, #tpu.memory_space<hbm>> -> memref<2x80xi32, #tpu.memory_space<hbm>>
    %dma_wait3A_86 = arith.constant 0 : i32
    %dma_wait3A_87 = arith.constant 0 : i32
    %dma_wait3A_88 = tpu.memref_slice %arg3[%add3A, %dma_wait3A_81, %dma_wait3A_86, %dma_wait3A_87] : memref<32x125x2x80xi32, #tpu.memory_space<hbm>> -> memref<1x1x2x80xi32, #tpu.memory_space<hbm>>
    %dma_wait3A_89 = tpu.memref_squeeze %dma_wait3A_88 : memref<1x1x2x80xi32, #tpu.memory_space<hbm>> -> memref<2x80xi32, #tpu.memory_space<hbm>>
    tpu.wait_dma2 semaphore(%arg19 : memref<!tpu.dma_semaphore, #tpu.memory_space<semaphore_mem>>) src(%dma_wait3A_89 : memref<2x80xi32, #tpu.memory_space<hbm>>) dst(%arg10 : memref<2x80xi32, #tpu.memory_space<vmem>>)
    %dma_start3A_90 = arith.constant 0 : i32
    %dma_start3A_91 = arith.constant 0 : i32
    %dma_start3A_92 = tpu.memref_slice %arg10[%dma_start3A_90, %dma_start3A_91] : memref<2x80xi32, #tpu.memory_space<vmem>> -> memref<1x80xi32, #tpu.memory_space<vmem>>
    %dma_start3A_93 = tpu.memref_squeeze %dma_start3A_92 : memref<1x80xi32, #tpu.memory_space<vmem>> -> memref<80xi32, #tpu.memory_space<vmem>>
    %dma_start3A_94 = arith.constant 0 : i32
    %dma_start3A_95 = arith.constant 0 : i32
    %dma_start3A_96 = tpu.memref_slice %arg2[%dma_start3A_94, %dma_start3A_95] : memref<10000x128xf32, #tpu.memory_space<hbm>> -> memref<10000x128xf32, #tpu.memory_space<hbm>>
    tpu.enqueue_indirect_dma source(%dma_start3A_96 : memref<10000x128xf32, #tpu.memory_space<hbm>>) target(%arg14 : memref<80x128xf32, #tpu.memory_space<vmem>>) offsets(%dma_start3A_93 : memref<80xi32, #tpu.memory_space<vmem>>) semaphore(%arg23 : memref<!tpu.dma_semaphore, #tpu.memory_space<semaphore_mem>>)
    %dma_start3A_97 = arith.constant 123 : i32
    %dma_start3A_98 = arith.constant 0 : i32
    %dma_start3A_99 = arith.constant 0 : i32
    %dma_start3A_100 = tpu.memref_slice %arg3[%add3A, %dma_start3A_97, %dma_start3A_98, %dma_start3A_99] : memref<32x125x2x80xi32, #tpu.memory_space<hbm>> -> memref<1x1x2x80xi32, #tpu.memory_space<hbm>>
    %dma_start3A_101 = tpu.memref_squeeze %dma_start3A_100 : memref<1x1x2x80xi32, #tpu.memory_space<hbm>> -> memref<2x80xi32, #tpu.memory_space<hbm>>
    %dma_start3A_102 = arith.constant 0 : i32
    %dma_start3A_103 = arith.constant 0 : i32
    %dma_start3A_104 = tpu.memref_slice %arg3[%add3A, %dma_start3A_97, %dma_start3A_102, %dma_start3A_103] : memref<32x125x2x80xi32, #tpu.memory_space<hbm>> -> memref<1x1x2x80xi32, #tpu.memory_space<hbm>>
    %dma_start3A_105 = tpu.memref_squeeze %dma_start3A_104 : memref<1x1x2x80xi32, #tpu.memory_space<hbm>> -> memref<2x80xi32, #tpu.memory_space<hbm>>
    tpu.enqueue_dma source(%dma_start3A_105 : memref<2x80xi32, #tpu.memory_space<hbm>>) target(%arg11 : memref<2x80xi32, #tpu.memory_space<vmem>>) target_semaphore(%arg20 : memref<!tpu.dma_semaphore, #tpu.memory_space<semaphore_mem>>)
    %dma_start3A_106 = arith.constant 1 : i32
    %dma_start3A_107 = arith.constant 0 : i32
    %dma_start3A_108 = tpu.memref_slice %arg8[%dma_start3A_106, %dma_start3A_107] : memref<2x80xi32, #tpu.memory_space<vmem>> -> memref<1x80xi32, #tpu.memory_space<vmem>>
    %dma_start3A_109 = tpu.memref_squeeze %dma_start3A_108 : memref<1x80xi32, #tpu.memory_space<vmem>> -> memref<80xi32, #tpu.memory_space<vmem>>
    %dma_start3A_110 = arith.constant 0 : i32
    %dma_start3A_111 = arith.constant 0 : i32
    %dma_start3A_112 = tpu.memref_slice %arg16[%dma_start3A_110, %dma_start3A_111] : memref<10112x128xf32, #tpu.memory_space<vmem_shared>> -> memref<10112x128xf32, #tpu.memory_space<vmem_shared>>
    tpu.enqueue_indirect_dma source(%arg12 : memref<80x128xf32, #tpu.memory_space<vmem>>) target(%dma_start3A_112 : memref<10112x128xf32, #tpu.memory_space<vmem_shared>>) offsets(%dma_start3A_109 : memref<80xi32, #tpu.memory_space<vmem>>) semaphore(%arg24 : memref<!tpu.dma_semaphore, #tpu.memory_space<semaphore_mem>>) {add = true}
    %get3A = arith.constant 1 : i32
    %get3A_113 = arith.index_cast %get3A : i32 to index
    %get3A_114 = arith.constant 0 : index
    %get3A_115 = tpu.vector_load %arg8[%get3A_113, %get3A_114] {strides = array<i32>} : memref<2x80xi32, #tpu.memory_space<vmem>>, vector<16xi32>,
    tpu.vector_store_idx %arg15[%broadcast_in_dim3A_60, %get3A_115], %broadcast_in_dim3A_62 {add = true} : memref<1x10112xf32, #tpu.memory_space<vmem>>[vector<16xi32>, vector<16xi32>], vector<16xf32>,
    %get3A_116 = arith.constant 1 : i32
    %get3A_117 = arith.index_cast %get3A_116 : i32 to index
    %get3A_118 = arith.constant 16 : index
    %get3A_119 = tpu.vector_load %arg8[%get3A_117, %get3A_118] {strides = array<i32>} : memref<2x80xi32, #tpu.memory_space<vmem>>, vector<16xi32>,
    tpu.vector_store_idx %arg15[%broadcast_in_dim3A_60, %get3A_119], %broadcast_in_dim3A_62 {add = true} : memref<1x10112xf32, #tpu.memory_space<vmem>>[vector<16xi32>, vector<16xi32>], vector<16xf32>,
    %get3A_120 = arith.constant 1 : i32
    %get3A_121 = arith.index_cast %get3A_120 : i32 to index
    %get3A_122 = arith.constant 32 : index
    %get3A_123 = tpu.vector_load %arg8[%get3A_121, %get3A_122] {strides = array<i32>} : memref<2x80xi32, #tpu.memory_space<vmem>>, vector<16xi32>,
    tpu.vector_store_idx %arg15[%broadcast_in_dim3A_60, %get3A_123], %broadcast_in_dim3A_62 {add = true} : memref<1x10112xf32, #tpu.memory_space<vmem>>[vector<16xi32>, vector<16xi32>], vector<16xf32>,
    %get3A_124 = arith.constant 1 : i32
    %get3A_125 = arith.index_cast %get3A_124 : i32 to index
    %get3A_126 = arith.constant 48 : index
    %get3A_127 = tpu.vector_load %arg8[%get3A_125, %get3A_126] {strides = array<i32>} : memref<2x80xi32, #tpu.memory_space<vmem>>, vector<16xi32>,
    tpu.vector_store_idx %arg15[%broadcast_in_dim3A_60, %get3A_127], %broadcast_in_dim3A_62 {add = true} : memref<1x10112xf32, #tpu.memory_space<vmem>>[vector<16xi32>, vector<16xi32>], vector<16xf32>,
    %get3A_128 = arith.constant 1 : i32
    %get3A_129 = arith.index_cast %get3A_128 : i32 to index
    %get3A_130 = arith.constant 64 : index
    %get3A_131 = tpu.vector_load %arg8[%get3A_129, %get3A_130] {strides = array<i32>} : memref<2x80xi32, #tpu.memory_space<vmem>>, vector<16xi32>,
    tpu.vector_store_idx %arg15[%broadcast_in_dim3A_60, %get3A_131], %broadcast_in_dim3A_62 {add = true} : memref<1x10112xf32, #tpu.memory_space<vmem>>[vector<16xi32>, vector<16xi32>], vector<16xf32>,
    %dma_wait3A_132 = arith.constant 0 : i32
    %dma_wait3A_133 = arith.constant 0 : i32
    %dma_wait3A_134 = tpu.memref_slice %arg9[%dma_wait3A_132, %dma_wait3A_133] : memref<2x80xi32, #tpu.memory_space<vmem>> -> memref<1x80xi32, #tpu.memory_space<vmem>>
    %dma_wait3A_135 = tpu.memref_squeeze %dma_wait3A_134 : memref<1x80xi32, #tpu.memory_space<vmem>> -> memref<80xi32, #tpu.memory_space<vmem>>
    %dma_wait3A_136 = arith.constant 0 : i32
    %dma_wait3A_137 = arith.constant 0 : i32
    %dma_wait3A_138 = tpu.memref_slice %arg2[%dma_wait3A_136, %dma_wait3A_137] : memref<10000x128xf32, #tpu.memory_space<hbm>> -> memref<10000x128xf32, #tpu.memory_space<hbm>>
    tpu.wait_indirect_dma semaphore(%arg22 : memref<!tpu.dma_semaphore, #tpu.memory_space<semaphore_mem>>) src(%dma_wait3A_138 : memref<10000x128xf32, #tpu.memory_space<hbm>>) dst(%arg13 : memref<80x128xf32, #tpu.memory_space<vmem>>)
    %dma_wait3A_139 = arith.constant 1 : i32
    %dma_wait3A_140 = arith.constant 0 : i32
    %dma_wait3A_141 = tpu.memref_slice %arg8[%dma_wait3A_139, %dma_wait3A_140] : memref<2x80xi32, #tpu.memory_space<vmem>> -> memref<1x80xi32, #tpu.memory_space<vmem>>
    %dma_wait3A_142 = tpu.memref_squeeze %dma_wait3A_141 : memref<1x80xi32, #tpu.memory_space<vmem>> -> memref<80xi32, #tpu.memory_space<vmem>>
    %dma_wait3A_143 = arith.constant 0 : i32
    %dma_wait3A_144 = arith.constant 0 : i32
    %dma_wait3A_145 = tpu.memref_slice %arg16[%dma_wait3A_143, %dma_wait3A_144] : memref<10112x128xf32, #tpu.memory_space<vmem_shared>> -> memref<10112x128xf32, #tpu.memory_space<vmem_shared>>
    tpu.wait_indirect_dma semaphore(%arg24 : memref<!tpu.dma_semaphore, #tpu.memory_space<semaphore_mem>>) src(%arg12 : memref<80x128xf32, #tpu.memory_space<vmem>>) dst(%dma_wait3A_145 : memref<10112x128xf32, #tpu.memory_space<vmem_shared>>)
    %dma_wait3A_146 = arith.constant 123 : i32
    %dma_wait3A_147 = arith.constant 0 : i32
    %dma_wait3A_148 = arith.constant 0 : i32
    %dma_wait3A_149 = tpu.memref_slice %arg3[%add3A, %dma_wait3A_146, %dma_wait3A_147, %dma_wait3A_148] : memref<32x125x2x80xi32, #tpu.memory_space<hbm>> -> memref<1x1x2x80xi32, #tpu.memory_space<hbm>>
    %dma_wait3A_150 = tpu.memref_squeeze %dma_wait3A_149 : memref<1x1x2x80xi32, #tpu.memory_space<hbm>> -> memref<2x80xi32, #tpu.memory_space<hbm>>
    %dma_wait3A_151 = arith.constant 0 : i32
    %dma_wait3A_152 = arith.constant 0 : i32
    %dma_wait3A_153 = tpu.memref_slice %arg3[%add3A, %dma_wait3A_146, %dma_wait3A_151, %dma_wait3A_152] : memref<32x125x2x80xi32, #tpu.memory_space<hbm>> -> memref<1x1x2x80xi32, #tpu.memory_space<hbm>>
    %dma_wait3A_154 = tpu.memref_squeeze %dma_wait3A_153 : memref<1x1x2x80xi32, #tpu.memory_space<hbm>> -> memref<2x80xi32, #tpu.memory_space<hbm>>
    tpu.wait_dma2 semaphore(%arg20 : memref<!tpu.dma_semaphore, #tpu.memory_space<semaphore_mem>>) src(%dma_wait3A_154 : memref<2x80xi32, #tpu.memory_space<hbm>>) dst(%arg11 : memref<2x80xi32, #tpu.memory_space<vmem>>)
    %dma_start3A_155 = arith.constant 0 : i32
    %dma_start3A_156 = arith.constant 0 : i32
    %dma_start3A_157 = tpu.memref_slice %arg11[%dma_start3A_155, %dma_start3A_156] : memref<2x80xi32, #tpu.memory_space<vmem>> -> memref<1x80xi32, #tpu.memory_space<vmem>>
    %dma_start3A_158 = tpu.memref_squeeze %dma_start3A_157 : memref<1x80xi32, #tpu.memory_space<vmem>> -> memref<80xi32, #tpu.memory_space<vmem>>
    %dma_start3A_159 = arith.constant 0 : i32
    %dma_start3A_160 = arith.constant 0 : i32
    %dma_start3A_161 = tpu.memref_slice %arg2[%dma_start3A_159, %dma_start3A_160] : memref<10000x128xf32, #tpu.memory_space<hbm>> -> memref<10000x128xf32, #tpu.memory_space<hbm>>
    tpu.enqueue_indirect_dma source(%dma_start3A_161 : memref<10000x128xf32, #tpu.memory_space<hbm>>) target(%arg12 : memref<80x128xf32, #tpu.memory_space<vmem>>) offsets(%dma_start3A_158 : memref<80xi32, #tpu.memory_space<vmem>>) semaphore(%arg21 : memref<!tpu.dma_semaphore, #tpu.memory_space<semaphore_mem>>)
    %dma_start3A_162 = arith.constant 124 : i32
    %dma_start3A_163 = arith.constant 0 : i32
    %dma_start3A_164 = arith.constant 0 : i32
    %dma_start3A_165 = tpu.memref_slice %arg3[%add3A, %dma_start3A_162, %dma_start3A_163, %dma_start3A_164] : memref<32x125x2x80xi32, #tpu.memory_space<hbm>> -> memref<1x1x2x80xi32, #tpu.memory_space<hbm>>
    %dma_start3A_166 = tpu.memref_squeeze %dma_start3A_165 : memref<1x1x2x80xi32, #tpu.memory_space<hbm>> -> memref<2x80xi32, #tpu.memory_space<hbm>>
    %dma_start3A_167 = arith.constant 0 : i32
    %dma_start3A_168 = arith.constant 0 : i32
    %dma_start3A_169 = tpu.memref_slice %arg3[%add3A, %dma_start3A_162, %dma_start3A_167, %dma_start3A_168] : memref<32x125x2x80xi32, #tpu.memory_space<hbm>> -> memref<1x1x2x80xi32, #tpu.memory_space<hbm>>
    %dma_start3A_170 = tpu.memref_squeeze %dma_start3A_169 : memref<1x1x2x80xi32, #tpu.memory_space<hbm>> -> memref<2x80xi32, #tpu.memory_space<hbm>>
    tpu.enqueue_dma source(%dma_start3A_170 : memref<2x80xi32, #tpu.memory_space<hbm>>) target(%arg8 : memref<2x80xi32, #tpu.memory_space<vmem>>) target_semaphore(%arg17 : memref<!tpu.dma_semaphore, #tpu.memory_space<semaphore_mem>>)
    %dma_start3A_171 = arith.constant 1 : i32
    %dma_start3A_172 = arith.constant 0 : i32
    %dma_start3A_173 = tpu.memref_slice %arg9[%dma_start3A_171, %dma_start3A_172] : memref<2x80xi32, #tpu.memory_space<vmem>> -> memref<1x80xi32, #tpu.memory_space<vmem>>
    %dma_start3A_174 = tpu.memref_squeeze %dma_start3A_173 : memref<1x80xi32, #tpu.memory_space<vmem>> -> memref<80xi32, #tpu.memory_space<vmem>>
    %dma_start3A_175 = arith.constant 0 : i32
    %dma_start3A_176 = arith.constant 0 : i32
    %dma_start3A_177 = tpu.memref_slice %arg16[%dma_start3A_175, %dma_start3A_176] : memref<10112x128xf32, #tpu.memory_space<vmem_shared>> -> memref<10112x128xf32, #tpu.memory_space<vmem_shared>>
    tpu.enqueue_indirect_dma source(%arg13 : memref<80x128xf32, #tpu.memory_space<vmem>>) target(%dma_start3A_177 : memref<10112x128xf32, #tpu.memory_space<vmem_shared>>) offsets(%dma_start3A_174 : memref<80xi32, #tpu.memory_space<vmem>>) semaphore(%arg25 : memref<!tpu.dma_semaphore, #tpu.memory_space<semaphore_mem>>) {add = true}
    %get3A_178 = arith.constant 1 : i32
    %get3A_179 = arith.index_cast %get3A_178 : i32 to index
    %get3A_180 = arith.constant 0 : index
    %get3A_181 = tpu.vector_load %arg9[%get3A_179, %get3A_180] {strides = array<i32>} : memref<2x80xi32, #tpu.memory_space<vmem>>, vector<16xi32>,
    tpu.vector_store_idx %arg15[%broadcast_in_dim3A_60, %get3A_181], %broadcast_in_dim3A_62 {add = true} : memref<1x10112xf32, #tpu.memory_space<vmem>>[vector<16xi32>, vector<16xi32>], vector<16xf32>,
    %get3A_182 = arith.constant 1 : i32
    %get3A_183 = arith.index_cast %get3A_182 : i32 to index
    %get3A_184 = arith.constant 16 : index
    %get3A_185 = tpu.vector_load %arg9[%get3A_183, %get3A_184] {strides = array<i32>} : memref<2x80xi32, #tpu.memory_space<vmem>>, vector<16xi32>,
    tpu.vector_store_idx %arg15[%broadcast_in_dim3A_60, %get3A_185], %broadcast_in_dim3A_62 {add = true} : memref<1x10112xf32, #tpu.memory_space<vmem>>[vector<16xi32>, vector<16xi32>], vector<16xf32>,
    %get3A_186 = arith.constant 1 : i32
    %get3A_187 = arith.index_cast %get3A_186 : i32 to index
    %get3A_188 = arith.constant 32 : index
    %get3A_189 = tpu.vector_load %arg9[%get3A_187, %get3A_188] {strides = array<i32>} : memref<2x80xi32, #tpu.memory_space<vmem>>, vector<16xi32>,
    tpu.vector_store_idx %arg15[%broadcast_in_dim3A_60, %get3A_189], %broadcast_in_dim3A_62 {add = true} : memref<1x10112xf32, #tpu.memory_space<vmem>>[vector<16xi32>, vector<16xi32>], vector<16xf32>,
    %get3A_190 = arith.constant 1 : i32
    %get3A_191 = arith.index_cast %get3A_190 : i32 to index
    %get3A_192 = arith.constant 48 : index
    %get3A_193 = tpu.vector_load %arg9[%get3A_191, %get3A_192] {strides = array<i32>} : memref<2x80xi32, #tpu.memory_space<vmem>>, vector<16xi32>,
    tpu.vector_store_idx %arg15[%broadcast_in_dim3A_60, %get3A_193], %broadcast_in_dim3A_62 {add = true} : memref<1x10112xf32, #tpu.memory_space<vmem>>[vector<16xi32>, vector<16xi32>], vector<16xf32>,
    %get3A_194 = arith.constant 1 : i32
    %get3A_195 = arith.index_cast %get3A_194 : i32 to index
    %get3A_196 = arith.constant 64 : index
    %get3A_197 = tpu.vector_load %arg9[%get3A_195, %get3A_196] {strides = array<i32>} : memref<2x80xi32, #tpu.memory_space<vmem>>, vector<16xi32>,
    tpu.vector_store_idx %arg15[%broadcast_in_dim3A_60, %get3A_197], %broadcast_in_dim3A_62 {add = true} : memref<1x10112xf32, #tpu.memory_space<vmem>>[vector<16xi32>, vector<16xi32>], vector<16xf32>,
    %dma_wait3A_198 = arith.constant 0 : i32
    %dma_wait3A_199 = arith.constant 0 : i32
    %dma_wait3A_200 = tpu.memref_slice %arg10[%dma_wait3A_198, %dma_wait3A_199] : memref<2x80xi32, #tpu.memory_space<vmem>> -> memref<1x80xi32, #tpu.memory_space<vmem>>
    %dma_wait3A_201 = tpu.memref_squeeze %dma_wait3A_200 : memref<1x80xi32, #tpu.memory_space<vmem>> -> memref<80xi32, #tpu.memory_space<vmem>>
    %dma_wait3A_202 = arith.constant 0 : i32
    %dma_wait3A_203 = arith.constant 0 : i32
    %dma_wait3A_204 = tpu.memref_slice %arg2[%dma_wait3A_202, %dma_wait3A_203] : memref<10000x128xf32, #tpu.memory_space<hbm>> -> memref<10000x128xf32, #tpu.memory_space<hbm>>
    tpu.wait_indirect_dma semaphore(%arg23 : memref<!tpu.dma_semaphore, #tpu.memory_space<semaphore_mem>>) src(%dma_wait3A_204 : memref<10000x128xf32, #tpu.memory_space<hbm>>) dst(%arg14 : memref<80x128xf32, #tpu.memory_space<vmem>>)
    %dma_wait3A_205 = arith.constant 1 : i32
    %dma_wait3A_206 = arith.constant 0 : i32
    %dma_wait3A_207 = tpu.memref_slice %arg9[%dma_wait3A_205, %dma_wait3A_206] : memref<2x80xi32, #tpu.memory_space<vmem>> -> memref<1x80xi32, #tpu.memory_space<vmem>>
    %dma_wait3A_208 = tpu.memref_squeeze %dma_wait3A_207 : memref<1x80xi32, #tpu.memory_space<vmem>> -> memref<80xi32, #tpu.memory_space<vmem>>
    %dma_wait3A_209 = arith.constant 0 : i32
    %dma_wait3A_210 = arith.constant 0 : i32
    %dma_wait3A_211 = tpu.memref_slice %arg16[%dma_wait3A_209, %dma_wait3A_210] : memref<10112x128xf32, #tpu.memory_space<vmem_shared>> -> memref<10112x128xf32, #tpu.memory_space<vmem_shared>>
    tpu.wait_indirect_dma semaphore(%arg25 : memref<!tpu.dma_semaphore, #tpu.memory_space<semaphore_mem>>) src(%arg13 : memref<80x128xf32, #tpu.memory_space<vmem>>) dst(%dma_wait3A_211 : memref<10112x128xf32, #tpu.memory_space<vmem_shared>>)
    %dma_wait3A_212 = arith.constant 124 : i32
    %dma_wait3A_213 = arith.constant 0 : i32
    %dma_wait3A_214 = arith.constant 0 : i32
    %dma_wait3A_215 = tpu.memref_slice %arg3[%add3A, %dma_wait3A_212, %dma_wait3A_213, %dma_wait3A_214] : memref<32x125x2x80xi32, #tpu.memory_space<hbm>> -> memref<1x1x2x80xi32, #tpu.memory_space<hbm>>
    %dma_wait3A_216 = tpu.memref_squeeze %dma_wait3A_215 : memref<1x1x2x80xi32, #tpu.memory_space<hbm>> -> memref<2x80xi32, #tpu.memory_space<hbm>>
    %dma_wait3A_217 = arith.constant 0 : i32
    %dma_wait3A_218 = arith.constant 0 : i32
    %dma_wait3A_219 = tpu.memref_slice %arg3[%add3A, %dma_wait3A_212, %dma_wait3A_217, %dma_wait3A_218] : memref<32x125x2x80xi32, #tpu.memory_space<hbm>> -> memref<1x1x2x80xi32, #tpu.memory_space<hbm>>
    %dma_wait3A_220 = tpu.memref_squeeze %dma_wait3A_219 : memref<1x1x2x80xi32, #tpu.memory_space<hbm>> -> memref<2x80xi32, #tpu.memory_space<hbm>>
    tpu.wait_dma2 semaphore(%arg17 : memref<!tpu.dma_semaphore, #tpu.memory_space<semaphore_mem>>) src(%dma_wait3A_220 : memref<2x80xi32, #tpu.memory_space<hbm>>) dst(%arg8 : memref<2x80xi32, #tpu.memory_space<vmem>>)
    %dma_start3A_221 = arith.constant 0 : i32
    %dma_start3A_222 = arith.constant 0 : i32
    %dma_start3A_223 = tpu.memref_slice %arg8[%dma_start3A_221, %dma_start3A_222] : memref<2x80xi32, #tpu.memory_space<vmem>> -> memref<1x80xi32, #tpu.memory_space<vmem>>
    %dma_start3A_224 = tpu.memref_squeeze %dma_start3A_223 : memref<1x80xi32, #tpu.memory_space<vmem>> -> memref<80xi32, #tpu.memory_space<vmem>>
    %dma_start3A_225 = arith.constant 0 : i32
    %dma_start3A_226 = arith.constant 0 : i32
    %dma_start3A_227 = tpu.memref_slice %arg2[%dma_start3A_225, %dma_start3A_226] : memref<10000x128xf32, #tpu.memory_space<hbm>> -> memref<10000x128xf32, #tpu.memory_space<hbm>>
    tpu.enqueue_indirect_dma source(%dma_start3A_227 : memref<10000x128xf32, #tpu.memory_space<hbm>>) target(%arg13 : memref<80x128xf32, #tpu.memory_space<vmem>>) offsets(%dma_start3A_224 : memref<80xi32, #tpu.memory_space<vmem>>) semaphore(%arg22 : memref<!tpu.dma_semaphore, #tpu.memory_space<semaphore_mem>>)
    %dma_start3A_228 = arith.constant 1 : i32
    %dma_start3A_229 = arith.constant 0 : i32
    %dma_start3A_230 = tpu.memref_slice %arg10[%dma_start3A_228, %dma_start3A_229] : memref<2x80xi32, #tpu.memory_space<vmem>> -> memref<1x80xi32, #tpu.memory_space<vmem>>
    %dma_start3A_231 = tpu.memref_squeeze %dma_start3A_230 : memref<1x80xi32, #tpu.memory_space<vmem>> -> memref<80xi32, #tpu.memory_space<vmem>>
    %dma_start3A_232 = arith.constant 0 : i32
    %dma_start3A_233 = arith.constant 0 : i32
    %dma_start3A_234 = tpu.memref_slice %arg16[%dma_start3A_232, %dma_start3A_233] : memref<10112x128xf32, #tpu.memory_space<vmem_shared>> -> memref<10112x128xf32, #tpu.memory_space<vmem_shared>>
    tpu.enqueue_indirect_dma source(%arg14 : memref<80x128xf32, #tpu.memory_space<vmem>>) target(%dma_start3A_234 : memref<10112x128xf32, #tpu.memory_space<vmem_shared>>) offsets(%dma_start3A_231 : memref<80xi32, #tpu.memory_space<vmem>>) semaphore(%arg26 : memref<!tpu.dma_semaphore, #tpu.memory_space<semaphore_mem>>) {add = true}
    %get3A_235 = arith.constant 1 : i32
    %get3A_236 = arith.index_cast %get3A_235 : i32 to index
    %get3A_237 = arith.constant 0 : index
    %get3A_238 = tpu.vector_load %arg10[%get3A_236, %get3A_237] {strides = array<i32>} : memref<2x80xi32, #tpu.memory_space<vmem>>, vector<16xi32>,
    tpu.vector_store_idx %arg15[%broadcast_in_dim3A_60, %get3A_238], %broadcast_in_dim3A_62 {add = true} : memref<1x10112xf32, #tpu.memory_space<vmem>>[vector<16xi32>, vector<16xi32>], vector<16xf32>,
    %get3A_239 = arith.constant 1 : i32
    %get3A_240 = arith.index_cast %get3A_239 : i32 to index
    %get3A_241 = arith.constant 16 : index
    %get3A_242 = tpu.vector_load %arg10[%get3A_240, %get3A_241] {strides = array<i32>} : memref<2x80xi32, #tpu.memory_space<vmem>>, vector<16xi32>,
    tpu.vector_store_idx %arg15[%broadcast_in_dim3A_60, %get3A_242], %broadcast_in_dim3A_62 {add = true} : memref<1x10112xf32, #tpu.memory_space<vmem>>[vector<16xi32>, vector<16xi32>], vector<16xf32>,
    %get3A_243 = arith.constant 1 : i32
    %get3A_244 = arith.index_cast %get3A_243 : i32 to index
    %get3A_245 = arith.constant 32 : index
    %get3A_246 = tpu.vector_load %arg10[%get3A_244, %get3A_245] {strides = array<i32>} : memref<2x80xi32, #tpu.memory_space<vmem>>, vector<16xi32>,
    tpu.vector_store_idx %arg15[%broadcast_in_dim3A_60, %get3A_246], %broadcast_in_dim3A_62 {add = true} : memref<1x10112xf32, #tpu.memory_space<vmem>>[vector<16xi32>, vector<16xi32>], vector<16xf32>,
    %get3A_247 = arith.constant 1 : i32
    %get3A_248 = arith.index_cast %get3A_247 : i32 to index
    %get3A_249 = arith.constant 48 : index
    %get3A_250 = tpu.vector_load %arg10[%get3A_248, %get3A_249] {strides = array<i32>} : memref<2x80xi32, #tpu.memory_space<vmem>>, vector<16xi32>,
    tpu.vector_store_idx %arg15[%broadcast_in_dim3A_60, %get3A_250], %broadcast_in_dim3A_62 {add = true} : memref<1x10112xf32, #tpu.memory_space<vmem>>[vector<16xi32>, vector<16xi32>], vector<16xf32>,
    %get3A_251 = arith.constant 1 : i32
    %get3A_252 = arith.index_cast %get3A_251 : i32 to index
    %get3A_253 = arith.constant 64 : index
    %get3A_254 = tpu.vector_load %arg10[%get3A_252, %get3A_253] {strides = array<i32>} : memref<2x80xi32, #tpu.memory_space<vmem>>, vector<16xi32>,
    tpu.vector_store_idx %arg15[%broadcast_in_dim3A_60, %get3A_254], %broadcast_in_dim3A_62 {add = true} : memref<1x10112xf32, #tpu.memory_space<vmem>>[vector<16xi32>, vector<16xi32>], vector<16xf32>,
    %dma_wait3A_255 = arith.constant 0 : i32
    %dma_wait3A_256 = arith.constant 0 : i32
    %dma_wait3A_257 = tpu.memref_slice %arg11[%dma_wait3A_255, %dma_wait3A_256] : memref<2x80xi32, #tpu.memory_space<vmem>> -> memref<1x80xi32, #tpu.memory_space<vmem>>
    %dma_wait3A_258 = tpu.memref_squeeze %dma_wait3A_257 : memref<1x80xi32, #tpu.memory_space<vmem>> -> memref<80xi32, #tpu.memory_space<vmem>>
    %dma_wait3A_259 = arith.constant 0 : i32
    %dma_wait3A_260 = arith.constant 0 : i32
    %dma_wait3A_261 = tpu.memref_slice %arg2[%dma_wait3A_259, %dma_wait3A_260] : memref<10000x128xf32, #tpu.memory_space<hbm>> -> memref<10000x128xf32, #tpu.memory_space<hbm>>
    tpu.wait_indirect_dma semaphore(%arg21 : memref<!tpu.dma_semaphore, #tpu.memory_space<semaphore_mem>>) src(%dma_wait3A_261 : memref<10000x128xf32, #tpu.memory_space<hbm>>) dst(%arg12 : memref<80x128xf32, #tpu.memory_space<vmem>>)
    %dma_wait3A_262 = arith.constant 1 : i32
    %dma_wait3A_263 = arith.constant 0 : i32
    %dma_wait3A_264 = tpu.memref_slice %arg10[%dma_wait3A_262, %dma_wait3A_263] : memref<2x80xi32, #tpu.memory_space<vmem>> -> memref<1x80xi32, #tpu.memory_space<vmem>>
    %dma_wait3A_265 = tpu.memref_squeeze %dma_wait3A_264 : memref<1x80xi32, #tpu.memory_space<vmem>> -> memref<80xi32, #tpu.memory_space<vmem>>
    %dma_wait3A_266 = arith.constant 0 : i32
    %dma_wait3A_267 = arith.constant 0 : i32
    %dma_wait3A_268 = tpu.memref_slice %arg16[%dma_wait3A_266, %dma_wait3A_267] : memref<10112x128xf32, #tpu.memory_space<vmem_shared>> -> memref<10112x128xf32, #tpu.memory_space<vmem_shared>>
    tpu.wait_indirect_dma semaphore(%arg26 : memref<!tpu.dma_semaphore, #tpu.memory_space<semaphore_mem>>) src(%arg14 : memref<80x128xf32, #tpu.memory_space<vmem>>) dst(%dma_wait3A_268 : memref<10112x128xf32, #tpu.memory_space<vmem_shared>>)
    %dma_start3A_269 = arith.constant 1 : i32
    %dma_start3A_270 = arith.constant 0 : i32
    %dma_start3A_271 = tpu.memref_slice %arg11[%dma_start3A_269, %dma_start3A_270] : memref<2x80xi32, #tpu.memory_space<vmem>> -> memref<1x80xi32, #tpu.memory_space<vmem>>
    %dma_start3A_272 = tpu.memref_squeeze %dma_start3A_271 : memref<1x80xi32, #tpu.memory_space<vmem>> -> memref<80xi32, #tpu.memory_space<vmem>>
    %dma_start3A_273 = arith.constant 0 : i32
    %dma_start3A_274 = arith.constant 0 : i32
    %dma_start3A_275 = tpu.memref_slice %arg16[%dma_start3A_273, %dma_start3A_274] : memref<10112x128xf32, #tpu.memory_space<vmem_shared>> -> memref<10112x128xf32, #tpu.memory_space<vmem_shared>>
    tpu.enqueue_indirect_dma source(%arg12 : memref<80x128xf32, #tpu.memory_space<vmem>>) target(%dma_start3A_275 : memref<10112x128xf32, #tpu.memory_space<vmem_shared>>) offsets(%dma_start3A_272 : memref<80xi32, #tpu.memory_space<vmem>>) semaphore(%arg24 : memref<!tpu.dma_semaphore, #tpu.memory_space<semaphore_mem>>) {add = true}
    %get3A_276 = arith.constant 1 : i32
    %get3A_277 = arith.index_cast %get3A_276 : i32 to index
    %get3A_278 = arith.constant 0 : index
    %get3A_279 = tpu.vector_load %arg11[%get3A_277, %get3A_278] {strides = array<i32>} : memref<2x80xi32, #tpu.memory_space<vmem>>, vector<16xi32>,
    tpu.vector_store_idx %arg15[%broadcast_in_dim3A_60, %get3A_279], %broadcast_in_dim3A_62 {add = true} : memref<1x10112xf32, #tpu.memory_space<vmem>>[vector<16xi32>, vector<16xi32>], vector<16xf32>,
    %get3A_280 = arith.constant 1 : i32
    %get3A_281 = arith.index_cast %get3A_280 : i32 to index
    %get3A_282 = arith.constant 16 : index
    %get3A_283 = tpu.vector_load %arg11[%get3A_281, %get3A_282] {strides = array<i32>} : memref<2x80xi32, #tpu.memory_space<vmem>>, vector<16xi32>,
    tpu.vector_store_idx %arg15[%broadcast_in_dim3A_60, %get3A_283], %broadcast_in_dim3A_62 {add = true} : memref<1x10112xf32, #tpu.memory_space<vmem>>[vector<16xi32>, vector<16xi32>], vector<16xf32>,
    %get3A_284 = arith.constant 1 : i32
    %get3A_285 = arith.index_cast %get3A_284 : i32 to index
    %get3A_286 = arith.constant 32 : index
    %get3A_287 = tpu.vector_load %arg11[%get3A_285, %get3A_286] {strides = array<i32>} : memref<2x80xi32, #tpu.memory_space<vmem>>, vector<16xi32>,
    tpu.vector_store_idx %arg15[%broadcast_in_dim3A_60, %get3A_287], %broadcast_in_dim3A_62 {add = true} : memref<1x10112xf32, #tpu.memory_space<vmem>>[vector<16xi32>, vector<16xi32>], vector<16xf32>,
    %get3A_288 = arith.constant 1 : i32
    %get3A_289 = arith.index_cast %get3A_288 : i32 to index
    %get3A_290 = arith.constant 48 : index
    %get3A_291 = tpu.vector_load %arg11[%get3A_289, %get3A_290] {strides = array<i32>} : memref<2x80xi32, #tpu.memory_space<vmem>>, vector<16xi32>,
    tpu.vector_store_idx %arg15[%broadcast_in_dim3A_60, %get3A_291], %broadcast_in_dim3A_62 {add = true} : memref<1x10112xf32, #tpu.memory_space<vmem>>[vector<16xi32>, vector<16xi32>], vector<16xf32>,
    %get3A_292 = arith.constant 1 : i32
    %get3A_293 = arith.index_cast %get3A_292 : i32 to index
    %get3A_294 = arith.constant 64 : index
    %get3A_295 = tpu.vector_load %arg11[%get3A_293, %get3A_294] {strides = array<i32>} : memref<2x80xi32, #tpu.memory_space<vmem>>, vector<16xi32>,
    tpu.vector_store_idx %arg15[%broadcast_in_dim3A_60, %get3A_295], %broadcast_in_dim3A_62 {add = true} : memref<1x10112xf32, #tpu.memory_space<vmem>>[vector<16xi32>, vector<16xi32>], vector<16xf32>,
    %dma_wait3A_296 = arith.constant 0 : i32
    %dma_wait3A_297 = arith.constant 0 : i32
    %dma_wait3A_298 = tpu.memref_slice %arg8[%dma_wait3A_296, %dma_wait3A_297] : memref<2x80xi32, #tpu.memory_space<vmem>> -> memref<1x80xi32, #tpu.memory_space<vmem>>
    %dma_wait3A_299 = tpu.memref_squeeze %dma_wait3A_298 : memref<1x80xi32, #tpu.memory_space<vmem>> -> memref<80xi32, #tpu.memory_space<vmem>>
    %dma_wait3A_300 = arith.constant 0 : i32
    %dma_wait3A_301 = arith.constant 0 : i32
    %dma_wait3A_302 = tpu.memref_slice %arg2[%dma_wait3A_300, %dma_wait3A_301] : memref<10000x128xf32, #tpu.memory_space<hbm>> -> memref<10000x128xf32, #tpu.memory_space<hbm>>
    tpu.wait_indirect_dma semaphore(%arg22 : memref<!tpu.dma_semaphore, #tpu.memory_space<semaphore_mem>>) src(%dma_wait3A_302 : memref<10000x128xf32, #tpu.memory_space<hbm>>) dst(%arg13 : memref<80x128xf32, #tpu.memory_space<vmem>>)
    %dma_wait3A_303 = arith.constant 1 : i32
    %dma_wait3A_304 = arith.constant 0 : i32
    %dma_wait3A_305 = tpu.memref_slice %arg11[%dma_wait3A_303, %dma_wait3A_304] : memref<2x80xi32, #tpu.memory_space<vmem>> -> memref<1x80xi32, #tpu.memory_space<vmem>>
    %dma_wait3A_306 = tpu.memref_squeeze %dma_wait3A_305 : memref<1x80xi32, #tpu.memory_space<vmem>> -> memref<80xi32, #tpu.memory_space<vmem>>
    %dma_wait3A_307 = arith.constant 0 : i32
    %dma_wait3A_308 = arith.constant 0 : i32
    %dma_wait3A_309 = tpu.memref_slice %arg16[%dma_wait3A_307, %dma_wait3A_308] : memref<10112x128xf32, #tpu.memory_space<vmem_shared>> -> memref<10112x128xf32, #tpu.memory_space<vmem_shared>>
    tpu.wait_indirect_dma semaphore(%arg24 : memref<!tpu.dma_semaphore, #tpu.memory_space<semaphore_mem>>) src(%arg12 : memref<80x128xf32, #tpu.memory_space<vmem>>) dst(%dma_wait3A_309 : memref<10112x128xf32, #tpu.memory_space<vmem_shared>>)
    %dma_start3A_310 = arith.constant 1 : i32
    %dma_start3A_311 = arith.constant 0 : i32
    %dma_start3A_312 = tpu.memref_slice %arg8[%dma_start3A_310, %dma_start3A_311] : memref<2x80xi32, #tpu.memory_space<vmem>> -> memref<1x80xi32, #tpu.memory_space<vmem>>
    %dma_start3A_313 = tpu.memref_squeeze %dma_start3A_312 : memref<1x80xi32, #tpu.memory_space<vmem>> -> memref<80xi32, #tpu.memory_space<vmem>>
    %dma_start3A_314 = arith.constant 0 : i32
    %dma_start3A_315 = arith.constant 0 : i32
    %dma_start3A_316 = tpu.memref_slice %arg16[%dma_start3A_314, %dma_start3A_315] : memref<10112x128xf32, #tpu.memory_space<vmem_shared>> -> memref<10112x128xf32, #tpu.memory_space<vmem_shared>>
    tpu.enqueue_indirect_dma source(%arg13 : memref<80x128xf32, #tpu.memory_space<vmem>>) target(%dma_start3A_316 : memref<10112x128xf32, #tpu.memory_space<vmem_shared>>) offsets(%dma_start3A_313 : memref<80xi32, #tpu.memory_space<vmem>>) semaphore(%arg25 : memref<!tpu.dma_semaphore, #tpu.memory_space<semaphore_mem>>) {add = true}
    %get3A_317 = arith.constant 1 : i32
    %get3A_318 = arith.index_cast %get3A_317 : i32 to index
    %get3A_319 = arith.constant 0 : index
    %get3A_320 = tpu.vector_load %arg8[%get3A_318, %get3A_319] {strides = array<i32>} : memref<2x80xi32, #tpu.memory_space<vmem>>, vector<16xi32>,
    tpu.vector_store_idx %arg15[%broadcast_in_dim3A_60, %get3A_320], %broadcast_in_dim3A_62 {add = true} : memref<1x10112xf32, #tpu.memory_space<vmem>>[vector<16xi32>, vector<16xi32>], vector<16xf32>,
    %get3A_321 = arith.constant 1 : i32
    %get3A_322 = arith.index_cast %get3A_321 : i32 to index
    %get3A_323 = arith.constant 16 : index
    %get3A_324 = tpu.vector_load %arg8[%get3A_322, %get3A_323] {strides = array<i32>} : memref<2x80xi32, #tpu.memory_space<vmem>>, vector<16xi32>,
    tpu.vector_store_idx %arg15[%broadcast_in_dim3A_60, %get3A_324], %broadcast_in_dim3A_62 {add = true} : memref<1x10112xf32, #tpu.memory_space<vmem>>[vector<16xi32>, vector<16xi32>], vector<16xf32>,
    %get3A_325 = arith.constant 1 : i32
    %get3A_326 = arith.index_cast %get3A_325 : i32 to index
    %get3A_327 = arith.constant 32 : index
    %get3A_328 = tpu.vector_load %arg8[%get3A_326, %get3A_327] {strides = array<i32>} : memref<2x80xi32, #tpu.memory_space<vmem>>, vector<16xi32>,
    tpu.vector_store_idx %arg15[%broadcast_in_dim3A_60, %get3A_328], %broadcast_in_dim3A_62 {add = true} : memref<1x10112xf32, #tpu.memory_space<vmem>>[vector<16xi32>, vector<16xi32>], vector<16xf32>,
    %get3A_329 = arith.constant 1 : i32
    %get3A_330 = arith.index_cast %get3A_329 : i32 to index
    %get3A_331 = arith.constant 48 : index
    %get3A_332 = tpu.vector_load %arg8[%get3A_330, %get3A_331] {strides = array<i32>} : memref<2x80xi32, #tpu.memory_space<vmem>>, vector<16xi32>,
    tpu.vector_store_idx %arg15[%broadcast_in_dim3A_60, %get3A_332], %broadcast_in_dim3A_62 {add = true} : memref<1x10112xf32, #tpu.memory_space<vmem>>[vector<16xi32>, vector<16xi32>], vector<16xf32>,
    %get3A_333 = arith.constant 1 : i32
    %get3A_334 = arith.index_cast %get3A_333 : i32 to index
    %get3A_335 = arith.constant 64 : index
    %get3A_336 = tpu.vector_load %arg8[%get3A_334, %get3A_335] {strides = array<i32>} : memref<2x80xi32, #tpu.memory_space<vmem>>, vector<16xi32>,
    tpu.vector_store_idx %arg15[%broadcast_in_dim3A_60, %get3A_336], %broadcast_in_dim3A_62 {add = true} : memref<1x10112xf32, #tpu.memory_space<vmem>>[vector<16xi32>, vector<16xi32>], vector<16xf32>,
    %dma_wait3A_337 = arith.constant 1 : i32
    %dma_wait3A_338 = arith.constant 0 : i32
    %dma_wait3A_339 = tpu.memref_slice %arg8[%dma_wait3A_337, %dma_wait3A_338] : memref<2x80xi32, #tpu.memory_space<vmem>> -> memref<1x80xi32, #tpu.memory_space<vmem>>
    %dma_wait3A_340 = tpu.memref_squeeze %dma_wait3A_339 : memref<1x80xi32, #tpu.memory_space<vmem>> -> memref<80xi32, #tpu.memory_space<vmem>>
    %dma_wait3A_341 = arith.constant 0 : i32
    %dma_wait3A_342 = arith.constant 0 : i32
    %dma_wait3A_343 = tpu.memref_slice %arg16[%dma_wait3A_341, %dma_wait3A_342] : memref<10112x128xf32, #tpu.memory_space<vmem_shared>> -> memref<10112x128xf32, #tpu.memory_space<vmem_shared>>
    tpu.wait_indirect_dma semaphore(%arg25 : memref<!tpu.dma_semaphore, #tpu.memory_space<semaphore_mem>>) src(%arg13 : memref<80x128xf32, #tpu.memory_space<vmem>>) dst(%dma_wait3A_343 : memref<10112x128xf32, #tpu.memory_space<vmem_shared>>)
    %barrier3A_344 = arith.constant 0 : index
    tpu.barrier barrier_id(%barrier3A_344)
    "tpu.region"() ({
      %run_scoped3A = tpu.sem_alloc : memref<!tpu.dma_semaphore, #tpu.memory_space<semaphore_mem>>
      %dma_start3A_345 = arith.constant 0 : i32
      %dma_start3A_346 = tpu.memref_slice %arg6[%arg0, %mul3A_2, %dma_start3A_345] : memref<2x10112x128xf32, #tpu.memory_space<hbm>> -> memref<1x632x128xf32, #tpu.memory_space<hbm>>
      %dma_start3A_347 = tpu.memref_squeeze %dma_start3A_346 : memref<1x632x128xf32, #tpu.memory_space<hbm>> -> memref<632x128xf32, #tpu.memory_space<hbm>>
      %dma_start3A_348 = arith.constant 0 : i32
      %dma_start3A_349 = tpu.memref_slice %arg16[%mul3A_2, %dma_start3A_348] : memref<10112x128xf32, #tpu.memory_space<vmem_shared>> -> memref<632x128xf32, #tpu.memory_space<vmem_shared>>
      tpu.enqueue_dma source(%dma_start3A_349 : memref<632x128xf32, #tpu.memory_space<vmem_shared>>) target(%dma_start3A_347 : memref<632x128xf32, #tpu.memory_space<hbm>>) target_semaphore(%run_scoped3A : memref<!tpu.dma_semaphore, #tpu.memory_space<semaphore_mem>>)
      %dma_wait3A_350 = arith.constant 0 : i32
      %dma_wait3A_351 = tpu.memref_slice %arg6[%arg0, %mul3A_2, %dma_wait3A_350] : memref<2x10112x128xf32, #tpu.memory_space<hbm>> -> memref<1x632x128xf32, #tpu.memory_space<hbm>>
      %dma_wait3A_352 = tpu.memref_squeeze %dma_wait3A_351 : memref<1x632x128xf32, #tpu.memory_space<hbm>> -> memref<632x128xf32, #tpu.memory_space<hbm>>
      %dma_wait3A_353 = arith.constant 0 : i32
      %dma_wait3A_354 = tpu.memref_slice %arg16[%mul3A_2, %dma_wait3A_353] : memref<10112x128xf32, #tpu.memory_space<vmem_shared>> -> memref<632x128xf32, #tpu.memory_space<vmem_shared>>
      tpu.wait_dma2 semaphore(%run_scoped3A : memref<!tpu.dma_semaphore, #tpu.memory_space<semaphore_mem>>) src(%dma_wait3A_354 : memref<632x128xf32, #tpu.memory_space<vmem_shared>>) dst(%dma_wait3A_352 : memref<632x128xf32, #tpu.memory_space<hbm>>)
      tpu.yield
    }) : () -> ()
    "tpu.region"() ({
      %run_scoped3A = tpu.sem_alloc : memref<!tpu.dma_semaphore, #tpu.memory_space<semaphore_mem>>
      %dma_start3A_345 = arith.constant 0 : i32
      %dma_start3A_346 = arith.constant 0 : i32
      %dma_start3A_347 = tpu.memref_slice %arg7[%add3A, %dma_start3A_345, %dma_start3A_346] : memref<32x1x10112xf32, #tpu.memory_space<hbm>> -> memref<1x1x10112xf32, #tpu.memory_space<hbm>>
      %dma_start3A_348 = tpu.memref_squeeze %dma_start3A_347 : memref<1x1x10112xf32, #tpu.memory_space<hbm>> -> memref<1x10112xf32, #tpu.memory_space<hbm>>
      %dma_start3A_349 = arith.constant 0 : i32
      %dma_start3A_350 = arith.constant 0 : i32
      %dma_start3A_351 = tpu.memref_slice %arg7[%add3A, %dma_start3A_349, %dma_start3A_350] : memref<32x1x10112xf32, #tpu.memory_space<hbm>> -> memref<1x1x10112xf32, #tpu.memory_space<hbm>>
      %dma_start3A_352 = tpu.memref_squeeze %dma_start3A_351 : memref<1x1x10112xf32, #tpu.memory_space<hbm>> -> memref<1x10112xf32, #tpu.memory_space<hbm>>
      tpu.enqueue_dma source(%arg15 : memref<1x10112xf32, #tpu.memory_space<vmem>>) target(%dma_start3A_352 : memref<1x10112xf32, #tpu.memory_space<hbm>>) target_semaphore(%run_scoped3A : memref<!tpu.dma_semaphore, #tpu.memory_space<semaphore_mem>>)
      %dma_wait3A_353 = arith.constant 0 : i32
      %dma_wait3A_354 = arith.constant 0 : i32
      %dma_wait3A_355 = tpu.memref_slice %arg7[%add3A, %dma_wait3A_353, %dma_wait3A_354] : memref<32x1x10112xf32, #tpu.memory_space<hbm>> -> memref<1x1x10112xf32, #tpu.memory_space<hbm>>
      %dma_wait3A_356 = tpu.memref_squeeze %dma_wait3A_355 : memref<1x1x10112xf32, #tpu.memory_space<hbm>> -> memref<1x10112xf32, #tpu.memory_space<hbm>>
      %dma_wait3A_357 = arith.constant 0 : i32
      %dma_wait3A_358 = arith.constant 0 : i32
      %dma_wait3A_359 = tpu.memref_slice %arg7[%add3A, %dma_wait3A_357, %dma_wait3A_358] : memref<32x1x10112xf32, #tpu.memory_space<hbm>> -> memref<1x1x10112xf32, #tpu.memory_space<hbm>>
      %dma_wait3A_360 = tpu.memref_squeeze %dma_wait3A_359 : memref<1x1x10112xf32, #tpu.memory_space<hbm>> -> memref<1x10112xf32, #tpu.memory_space<hbm>>
      tpu.wait_dma2 semaphore(%run_scoped3A : memref<!tpu.dma_semaphore, #tpu.memory_space<semaphore_mem>>) src(%arg15 : memref<1x10112xf32, #tpu.memory_space<vmem>>) dst(%dma_wait3A_360 : memref<1x10112xf32, #tpu.memory_space<hbm>>)
      tpu.yield
    }) : () -> ()
    return
  }
}

module attributes {stable_mosaic.version = 14 : i64} {
  func.func @_tc_combine_kernel(%arg0: i32, %arg1: memref<2x10000x128xf32, #tpu.memory_space<vmem>>, %arg2: memref<32x1x10112xf32, #tpu.memory_space<vmem>>, %arg3: memref<10000x128xf32, #tpu.memory_space<vmem>>, %arg4: memref<128x128xf32, #tpu.memory_space<vmem>>, %arg5: memref<1x128xf32, #tpu.memory_space<vmem>>, %arg6: memref<128x128xf32, #tpu.memory_space<vmem>>, %arg7: memref<10000x128xf32, #tpu.memory_space<vmem>>) attributes {dimension_semantics = [#tpu.dimension_semantics<arbitrary>], iteration_bounds = array<i64: 1>, scalar_prefetch = 0 : i64, scratch_operands = 0 : i64, tpu.core_type = #tpu.core_type<tc>, window_params = [{transform_indices = @transform_0, window_bounds = array<i64: 2, 10000, 128>}, {pipeline_mode = #tpu.pipeline_mode<synchronous>, transform_indices = @transform_1, window_bounds = array<i64: 32, 1, 10112>}, {pipeline_mode = #tpu.pipeline_mode<synchronous>, transform_indices = @transform_2, window_bounds = array<i64: 10000, 128>}, {pipeline_mode = #tpu.pipeline_mode<synchronous>, transform_indices = @transform_3, window_bounds = array<i64: 128, 128>}, {pipeline_mode = #tpu.pipeline_mode<synchronous>, transform_indices = @transform_4, window_bounds = array<i64: 1, 128>}, {pipeline_mode = #tpu.pipeline_mode<synchronous>, transform_indices = @transform_5, window_bounds = array<i64: 128, 128>}, {pipeline_mode = #tpu.pipeline_mode<synchronous>, transform_indices = @transform_6, window_bounds = array<i64: 10000, 128>}]} {
    %get3A = arith.constant 0 : index
    %get3A_0 = arith.constant 0 : index
    %get3A_1 = arith.constant 0 : index
    %get3A_2 = vector.load %arg1[%get3A, %get3A_0, %get3A_1] : memref<2x10000x128xf32, #tpu.memory_space<vmem>>, vector<1x10000x128xf32>
    %get3A_3 = vector.shape_cast %get3A_2 : vector<1x10000x128xf32> to vector<10000x128xf32>
    %get3A_4 = arith.constant 1 : index
    %get3A_5 = arith.constant 0 : index
    %get3A_6 = arith.constant 0 : index
    %get3A_7 = vector.load %arg1[%get3A_4, %get3A_5, %get3A_6] : memref<2x10000x128xf32, #tpu.memory_space<vmem>>, vector<1x10000x128xf32>
    %get3A_8 = vector.shape_cast %get3A_7 : vector<1x10000x128xf32> to vector<10000x128xf32>
    %add3A = arith.addf %get3A_3, %get3A_8 : vector<10000x128xf32>
    %get3A_9 = arith.constant 0 : index
    %get3A_10 = arith.constant 0 : index
    %get3A_11 = arith.constant 0 : index
    %get3A_12 = vector.load %arg2[%get3A_9, %get3A_10, %get3A_11] : memref<32x1x10112xf32, #tpu.memory_space<vmem>>, vector<32x1x10112xf32>
    %get3A_13 = vector.shape_cast %get3A_12 : vector<32x1x10112xf32> to vector<32x10112xf32>
    %reduce_sum3A = arith.constant dense<0.000000e+00> : vector<10112xf32>
    %reduce_sum3A_14 = vector.multi_reduction <add>, %get3A_13, %reduce_sum3A [0] : vector<32x10112xf32> to vector<10112xf32>
    %broadcast_in_dim3A = vector.shape_cast %reduce_sum3A_14 : vector<10112xf32> to vector<1x10112xf32>
    %max3A = arith.constant 1.000000e+00 : f32
    %max3A_15 = vector.broadcast %max3A : f32 to vector<1x10112xf32>
    %max3A_16 = arith.maximumf %broadcast_in_dim3A, %max3A_15 : vector<1x10112xf32>
    %div3A = arith.constant 1.000000e+00 : f32
    %div3A_17 = vector.broadcast %div3A : f32 to vector<1x10112xf32>
    %div3A_18 = arith.divf %div3A_17, %max3A_16 : vector<1x10112xf32>
    %broadcast_in_dim3A_19 = arith.constant 1.000000e+00 : f32
    %broadcast_in_dim3A_20 = vector.broadcast %broadcast_in_dim3A_19 : f32 to vector<1x128xf32>
    %dot_general3A = arith.constant dense<0.000000e+00> : vector<10112x128xf32>
    %dot_general3A_21 = tpu.matmul %div3A_18, %broadcast_in_dim3A_20, %dot_general3A {dimension_numbers = #tpu.dot_dimension_numbers<[0], [0], [1], [1], [0, 1, 1, 1], [], []>, precision = #tpu.contract_precision<fp32>, transpose_lhs_hint = false} : vector<1x10112xf32>, vector<1x128xf32>, vector<10112x128xf32> -> vector<10112x128xf32>
    %slice3A = vector.extract_strided_slice %dot_general3A_21 {offsets = [0, 0], sizes = [10000, 128], strides = [1, 1]} : vector<10112x128xf32> to vector<10000x128xf32>
    %mul3A = arith.mulf %add3A, %slice3A : vector<10000x128xf32>
    %get3A_22 = arith.constant 0 : index
    %get3A_23 = arith.constant 0 : index
    %get3A_24 = vector.load %arg4[%get3A_22, %get3A_23] : memref<128x128xf32, #tpu.memory_space<vmem>>, vector<128x128xf32>
    %dot_general3A_25 = arith.constant dense<0.000000e+00> : vector<10000x128xf32>
    %dot_general3A_26 = tpu.matmul %mul3A, %get3A_24, %dot_general3A_25 {dimension_numbers = #tpu.dot_dimension_numbers<[1], [0], [0], [1], [0, 0, 1, 1], [], []>, transpose_lhs_hint = false} : vector<10000x128xf32>, vector<128x128xf32>, vector<10000x128xf32> -> vector<10000x128xf32>
    %get3A_27 = arith.constant 0 : index
    %get3A_28 = arith.constant 0 : index
    %get3A_29 = vector.load %arg5[%get3A_27, %get3A_28] : memref<1x128xf32, #tpu.memory_space<vmem>>, vector<1x128xf32>
    %add3A_30 = vector.broadcast %get3A_29 : vector<1x128xf32> to vector<10000x128xf32>
    %add3A_31 = arith.addf %dot_general3A_26, %add3A_30 : vector<10000x128xf32>
    %get3A_32 = arith.constant 0 : index
    %get3A_33 = arith.constant 0 : index
    %get3A_34 = vector.load %arg3[%get3A_32, %get3A_33] : memref<10000x128xf32, #tpu.memory_space<vmem>>, vector<10000x128xf32>
    %get3A_35 = arith.constant 0 : index
    %get3A_36 = arith.constant 0 : index
    %get3A_37 = vector.load %arg6[%get3A_35, %get3A_36] : memref<128x128xf32, #tpu.memory_space<vmem>>, vector<128x128xf32>
    %dot_general3A_38 = arith.constant dense<0.000000e+00> : vector<10000x128xf32>
    %dot_general3A_39 = tpu.matmul %get3A_34, %get3A_37, %dot_general3A_38 {dimension_numbers = #tpu.dot_dimension_numbers<[1], [0], [0], [1], [0, 0, 1, 1], [], []>, transpose_lhs_hint = false} : vector<10000x128xf32>, vector<128x128xf32>, vector<10000x128xf32> -> vector<10000x128xf32>
    %add3A_40 = arith.addf %add3A_31, %dot_general3A_39 : vector<10000x128xf32>
    %max3A_41 = arith.constant 0.000000e+00 : f32
    %max3A_42 = vector.broadcast %max3A_41 : f32 to vector<10000x128xf32>
    %max3A_43 = arith.maximumf %add3A_40, %max3A_42 : vector<10000x128xf32>
    %swap3A = arith.constant 0 : index
    %swap3A_44 = arith.constant 0 : index
    %swap3A_45 = vector.load %arg7[%swap3A, %swap3A_44] : memref<10000x128xf32, #tpu.memory_space<vmem>>, vector<10000x128xf32>
    tpu.vector_store %arg7[%swap3A, %swap3A_44], %max3A_43 {strides = array<i32>} : memref<10000x128xf32, #tpu.memory_space<vmem>>, vector<10000x128xf32>,
    return
  }
  func.func @transform_0(%arg0: i32) -> (i32, i32, i32) {
    %c0_i32 = arith.constant 0 : i32
    %c0_i32_0 = arith.constant 0 : i32
    %c0_i32_1 = arith.constant 0 : i32
    %c0_i32_2 = arith.constant 0 : i32
    return %c0_i32, %c0_i32_0, %c0_i32_1 : i32, i32, i32
  }
  func.func @transform_1(%arg0: i32) -> (i32, i32, i32) {
    %c0_i32 = arith.constant 0 : i32
    %c0_i32_0 = arith.constant 0 : i32
    %c0_i32_1 = arith.constant 0 : i32
    %c0_i32_2 = arith.constant 0 : i32
    return %c0_i32, %c0_i32_0, %c0_i32_1 : i32, i32, i32
  }
  func.func @transform_2(%arg0: i32) -> (i32, i32) {
    %c0_i32 = arith.constant 0 : i32
    %c0_i32_0 = arith.constant 0 : i32
    %c0_i32_1 = arith.constant 0 : i32
    return %c0_i32, %c0_i32_0 : i32, i32
  }
  func.func @transform_3(%arg0: i32) -> (i32, i32) {
    %c0_i32 = arith.constant 0 : i32
    %c0_i32_0 = arith.constant 0 : i32
    %c0_i32_1 = arith.constant 0 : i32
    return %c0_i32, %c0_i32_0 : i32, i32
  }
  func.func @transform_4(%arg0: i32) -> (i32, i32) {
    %c0_i32 = arith.constant 0 : i32
    %c0_i32_0 = arith.constant 0 : i32
    %c0_i32_1 = arith.constant 0 : i32
    return %c0_i32, %c0_i32_0 : i32, i32
  }
  func.func @transform_5(%arg0: i32) -> (i32, i32) {
    %c0_i32 = arith.constant 0 : i32
    %c0_i32_0 = arith.constant 0 : i32
    %c0_i32_1 = arith.constant 0 : i32
    return %c0_i32, %c0_i32_0 : i32, i32
  }
  func.func @transform_6(%arg0: i32) -> (i32, i32) {
    %c0_i32 = arith.constant 0 : i32
    %c0_i32_0 = arith.constant 0 : i32
    %c0_i32_1 = arith.constant 0 : i32
    return %c0_i32, %c0_i32_0 : i32, i32
  }
}

</mosaic_0001>

<sc_bundles>
// kernel: kernel.4.cloned.1.call-start
scs
__scs_entry_jumppad:
0x0: {  	(pc) =	sbr.rel $0x88, $3  }
0x1: {  	(tag) =	ssettag $0x0;
	lr =	simm.s32 $0x1  }
0x2: {  	[smem:$0x3F9C] =	sst lr;
	_ =	strace $0xD0000000  }
0x3: {  	_ = 	snop  }
0x4: {  	_ = 	snop  }
0x5: {  	_ = 	snop  }
0x6: {  	_ = 	snop  }
0x7: {  	_ = 	snop  }
__scs_overlays_trampoline_lowered:
0x8: {  	[smem:$0x3FAB] =	sst s0  }
0x9: {  	[smem:$0x3FAC] =	sst s1  }
0xa: {  	[smem:$0x3FAD] =	sst s2  }
0xb: {  	[smem:$0x3FAE] =	sst s3  }
0xc: {  	[smem:$0x3FAF] =	sst s4  }
0xd: {  	[smem:$0x3FB0] =	sst s5  }
0xe: {  	[smem:$0x3FB1] =	sst s6  }
0xf: {  	[smem:$0x3FB2] =	sst s7  }
0x10: {  	[smem:$0x3FB3] =	sst s8  }
0x11: {  	[smem:$0x3FB4] =	sst s9;
	s0 =	simm.s32 @!p0 $0x0  }
0x12: {  	s1 =	sld [smem:$0x3F9A];
	s0 =	simm.s32 @p0 $0x1  }
0x13: {  	[smem:$0x3FB5] =	sst s0;
	s0 =	simm.s32 @!p1 $0x0  }
0x14: {  	s2 =	sld [smem:$0x3F99];
	s0 =	simm.s32 @p1 $0x1  }
0x15: {  	[smem:$0x3FB6] =	sst s0;
	s0 =	simm.s32 @!p2 $0x0  }
0x16: {  	s3 =	sld [smem:$0x3FDB];
	s0 =	simm.s32 @p2 $0x1  }
0x17: {  	s4 =	simm.s32 $0x1BF5;
	[smem:$0x3FB8] =	sst s0  }
0x18: {  	s0 =	sld [smem:$0x3F9B];
	_ =	swait.ge [sflag:s4], $0x0  }
0x19: {  	s7 =	sld [smem:$0x3F9C]  }
0x1a: {  	s8 =	sadd.s32 $0xFFFFE003, lr  }
0x1b: {  	s9 =	sadd.s32 $0xFFFFFEF7, lr;
	s5 =	simm.s32 $0xFFFFFFFF;
	p2 =	slt.u32 s8, $0xFFFFF086  }
0x1c: {  	p1 =	slt.u32 s9, $0xF7A;
	s5 =	simm.s32 @!p2 $0x0  }
0x1d: {  	s5 =	simm.s32 @p1 $0x1;
	p0 =	seq.s32 s7, s2  }
0x1e: {  	s7 =	smul.u32 @!p0 $0xF7A, s2;
	p2 =	seq.s32 @!p0 s5, $0x0  }
0x1f: {  	s9 =	smul.u32 $0xF7A, s1;
	s8 =	simm.s32 @!p0 $0x1BF5;
	p2 =	por !p2, p0  }
0x20: {  	[sflag:s8] =	ssyncset.s32 @!p0 $0xFFFFF086;
	s6 =	sadd.s32 @!p0 s3, s7;
	s7 =	simm.s32 @!p0 $0x108  }
0x21: {  	s3 =	sadd.s32 s3, s9;
	s6 =	sadd.s32 @!p0 $0x88, s6;
	s7 =	simm.s32 @p2 $0x1082  }
0x22: {  	[simem:s7], [sflag:s8] =	dma.local @!p0 [hbm:s6], $0xF7A  }
0x23: {  	s9 =	sor.u32 $0xD0000000, s2;
	s6 =	simm.s32 $0x108;
	_ =	swait.ge @!p0 [sflag:s8], $0x0  }
0x24: {  	s3 =	sadd.s32 $0x88, s3;
	s6 =	simm.s32 @!p1 $0x1082;
	[sflag:s4] =	ssyncset.s32 $0xFFFFF086  }
0x25: {  	[simem:s6], [sflag:s4] =	dma.local [hbm:s3], $0xF7A  }
0x26: {  	[smem:$0x3F9C] =	sst s1;
	(tag) =	ssettag s2;
	_ =	strace s9  }
0x27: {  	s1 =	sld [smem:$0x3FAC]  }
0x28: {  	s2 =	sld [smem:$0x3FAD]  }
0x29: {  	s4 =	sld [smem:$0x3FAF]  }
0x2a: {  	p0 =	seq.s32 s5, $0x0;
	s5 =	sld [smem:$0x3FB0]  }
0x2b: {  	s6 =	sld [smem:$0x3FB1]  }
0x2c: {  	s7 =	sld [smem:$0x3FB2]  }
0x2d: {  	s3 =	simm.s32 $0x108;
	s8 =	sld [smem:$0x3FB3]  }
0x2e: {  	s3 =	simm.s32 @!p0 $0x1082;
	s9 =	sld [smem:$0x3FB4]  }
0x2f: {  	lr =	sadd.s32 s0, s3;
	s0 =	sld [smem:$0x3FAB]  }
0x30: {  	s3 =	sld [smem:$0x3FAE]  }
0x31: {  	[smem:$0x3FB7] =	sst s10  }
0x32: {  	s10 =	sld [smem:$0x3FB5];
	_ =	sdelay $0x3  }
0x33: {  	p0 =	seq.s32 s10, $0x1;
	s10 =	sld [smem:$0x3FB7];
	_ =	sdelay $0x3  }
0x34: {  	[smem:$0x3FB7] =	sst s10  }
0x35: {  	s10 =	sld [smem:$0x3FB6];
	_ =	sdelay $0x3  }
0x36: {  	p1 =	seq.s32 s10, $0x1;
	s10 =	sld [smem:$0x3FB7];
	_ =	sdelay $0x3  }
0x37: {  	[smem:$0x3FB7] =	sst s10  }
0x38: {  	s10 =	sld [smem:$0x3FB8]  }
0x39: {  	_ = 	snop;
	(pc) =	sbr.ind lr, $3  }
0x3a: {  	_ = 	snop  }
0x3b: {  	_ = 	snop  }
0x3c: {  	p2 =	seq.s32 s10, $0x1;
	s10 =	sld [smem:$0x3FB7]  }
0x3d: {  	_ =	shalt  }
0x3e: {  	_ =	shalt  }
0x3f: {  	_ =	shalt  }
0x40: {  	_ =	shalt  }
0x41: {  	_ =	shalt  }
0x42: {  	_ =	shalt  }
0x43: {  	_ =	shalt  }
0x44: {  	_ =	shalt  }
0x45: {  	_ =	shalt  }
0x46: {  	_ =	shalt  }
0x47: {  	_ =	shalt  }
0x48: {  	_ =	shalt  }
0x49: {  	_ =	shalt  }
0x4a: {  	_ =	shalt  }
0x4b: {  	_ =	shalt  }
0x4c: {  	_ =	shalt  }
0x4d: {  	_ =	shalt  }
0x4e: {  	_ =	shalt  }
0x4f: {  	_ =	shalt  }
0x50: {  	_ =	shalt  }
0x51: {  	_ =	shalt  }
0x52: {  	_ =	shalt  }
0x53: {  	_ =	shalt  }
0x54: {  	_ =	shalt  }
0x55: {  	_ =	shalt  }
0x56: {  	_ =	shalt  }
0x57: {  	_ =	shalt  }
0x58: {  	_ =	shalt  }
0x59: {  	_ =	shalt  }
0x5a: {  	_ =	shalt  }
0x5b: {  	_ =	shalt  }
0x5c: {  	_ =	shalt  }
0x5d: {  	_ =	shalt  }
0x5e: {  	_ =	shalt  }
0x5f: {  	_ =	shalt  }
0x60: {  	_ =	shalt  }
0x61: {  	_ =	shalt  }
0x62: {  	_ =	shalt  }
0x63: {  	_ =	shalt  }
0x64: {  	_ =	shalt  }
0x65: {  	_ =	shalt  }
0x66: {  	_ =	shalt  }
0x67: {  	_ =	shalt  }
0x68: {  	_ =	shalt  }
0x69: {  	_ =	shalt  }
0x6a: {  	_ =	shalt  }
0x6b: {  	_ =	shalt  }
0x6c: {  	_ =	shalt  }
0x6d: {  	_ =	shalt  }
0x6e: {  	_ =	shalt  }
0x6f: {  	_ =	shalt  }
0x70: {  	_ =	shalt  }
0x71: {  	_ =	shalt  }
0x72: {  	_ =	shalt  }
0x73: {  	_ =	shalt  }
0x74: {  	_ =	shalt  }
0x75: {  	_ =	shalt  }
0x76: {  	_ =	shalt  }
0x77: {  	_ =	shalt  }
0x78: {  	_ =	shalt  }
0x79: {  	_ =	shalt  }
0x7a: {  	_ =	shalt  }
0x7b: {  	_ =	shalt  }
0x7c: {  	_ =	shalt  }
0x7d: {  	_ =	shalt  }
0x7e: {  	_ =	shalt  }
0x7f: {  	_ =	shalt  }
0x80: {  	_ =	shalt  }
0x81: {  	_ =	shalt  }
0x82: {  	_ =	shalt  }
0x83: {  	_ =	shalt  }
0x84: {  	_ =	shalt  }
0x85: {  	_ =	shalt  }
0x86: {  	_ =	shalt  }
0x87: {  	_ =	shalt  }
.Lfunc_end0:
.L_simem_size_0:
called_computation_lowered:
.L_overlay_start_0:
0x88: {  	s2 =	sld [smem:$0x3FD9]  }
0x89: {  	s3 =	sld [smem:$0x3FFE];
	_ =	sdelay $0x1  }
0x8a: {  	s1 =	srdreg.scid  }
0x8b: {  	s0 =	sand.u32 $0x1, s1  }
0x8c: {  	s17 =	sshll.u32 s0, $0xA;
	s2 =	sadd.s32 s3, s2  }
0x8d: {  	s2 =	sadd.s32 s2, s17  }
0x8e: {  	[smem:$0x3FC3] =	sst s2  }
0x8f: {  	_ = 	snop  }
0x90: {  	s2 =	sld [smem:$0x3FC9]  }
0x91: {  	s18 =	sld [smem:$0x3FD0];
	(tm) =	ssettm $0x1  }
0x92: {  	s4 =	sld [smem:$0x3FFB];
	_ =	sdelay $0x3  }
0x93: {  	_ =	strace s4  }
0x94: {  	s4 =	sld [smem:$0x3FFC];
	_ =	sdelay $0x3  }
0x95: {  	_ =	strace s4  }
0x96: {  	s4 =	sld [smem:$0x3FFD];
	_ =	sdelay $0x3  }
0x97: {  	_ =	strace s4  }
0x98: {  	_ =	strace $0x8FFFFFFF  }
0x99: {  	s19 =	sld [smem:$0x3FDB];
	_ =	sdelay $0x1  }
0x9a: {  	s5 =	simm.s32 $_scs_section_size  }
0x9b: {  	s6 =	simm.s32 $_size__tile_overlayer_lowered;
	s7 =	simm.s32 $_tile_overlayer_lowered  }
0x9c: {  	s22 =	simm.s32 $0x1BFF;
	s21 =	sshll.u32 s7, $0x1;
	s4 =	sadd.s32 s5, s19  }
0x9d: {  	s8 =	simm.s32 $0x0;
	s20 =	sshll.u32 s6, $0x1;
	s6 =	sadd.s32 s21, s4  }
0x9e: {  	[timem:s8], [sflag:s22] =	dma.local [hbm:s6], s20  }
0x9f: {  	_ =	swait.ge [sflag:s22], s20  }
0xa0: {  	s5 =	ssub.s32 $0x0, s20;
	[sflag:s22] =	ssyncset.done $0x0  }
0xa1: {  	[sflag:s22] =	ssyncadd.s32 s5;
	_ =	sdelay $0x1  }
0xa2: {  	s23 =	simm.s32 $0x1B8B  }
0xa3: {  	_ =	swait.ge [sflag:s23], $0x1  }
0xa4: {  	[sflag:s23] =	ssyncset.done $0x0  }
0xa5: {  	s25 =	simm.s32 $0x1B8E;
	s24 =	sld [smem:$0x3FFE];
	[sflag:s23] =	ssyncadd.s32 $0xFFFFFFFF  }
0xa6: {  	s26 =	simm.s32 $execute0_lowered;
	[smem:$0x3FD2] =	sst s25  }
0xa7: {  	s6 =	sshll.u32 s26, $0x1;
	_ =	strace $0x80000046;
	[dreg:$0x1] =	wrdreg $0xFFFFFFFF  }
0xa8: {  	s28 =	simm.s32 $_size_execute0_lowered;
	s4 =	sadd.s32 s4, s6;
	[dreg:$0x0] =	wrdreg $0x0  }
0xa9: {  	s6 =	sshll.u32 s28, $0x1;
	[dreg:$0x2] =	wrdreg s4  }
0xaa: {  	[dreg:$0x3] =	wrdreg s6  }
0xab: {  	[dreg:$0x4] =	wrdreg $0xC0  }
0xac: {  	_ =	task [dreg:s8], $0x5FFFF  }
0xad: {  	[dreg:$0x1] =	wrdreg $0xFFFFFFFF  }
0xae: {  	[dreg:$0x0] =	wrdreg $0x60  }
0xaf: {  	[dreg:$0x2] =	wrdreg s2  }
0xb0: {  	[dreg:$0x3] =	wrdreg s18  }
0xb1: {  	[dreg:$0x4] =	wrdreg s24  }
0xb2: {  	[dreg:$0x5] =	wrdreg $0xA3800  }
0xb3: {  	[dreg:$0x6] =	wrdreg $0x9  }
0xb4: {  	_ =	task.clear_ibuf [dreg:s8], $0x7FFFF;
	_ =	strace $0x90000046  }
0xb5: {  	s29 =	simm.s32 $0x9;
	_ =	strace $0x80000048  }
0xb6: {  	_ =	swait.ge [sflag:s29], $0x1  }
0xb7: {  	[sflag:s29] =	ssyncadd.s32 $0xFFFFFFFF  }
0xb8: {  	_ =	strace $0x90000048  }
0xb9: {  	_ =	sfence  }
0xba: {  	s30 =	sld [smem:$0x0];
	_ =	sdelay $0x2  }
0xbb: {  	s31 =	sshll.u32 s1, $0xD;
	s1 =	sshrl.u32 s1, $0x2  }
0xbc: {  	s3 =	sand.u32 $0x4000, s31;
	s1 =	sadd.s32 s1, s30  }
0xbd: {  	s0 =	sor.u32 s3, s0;
	s1 =	sshll.u32 s1, $0x11  }
0xbe: {  	s0 =	sor.u32 s1, s0  }
0xbf: {  	s0 =	sadd.s32 $0x8F2B, s0  }
0xc0: {  	[sflag:s0] =	ssyncadd.remote.s32 $0x1  }
0xc1: {  	_ =	sfence.sel $0xFFFF  }
0xc2: {  	[dreg:$0x0] =	wrdreg $0xFFFFFFFF;
	(pc) =	sbr.abs _section_cstart, $3  }
0xc3: {  	[dreg:$0x1] =	wrdreg $0xFFFFFFFF  }
0xc4: {  	_ =	task.clear_ibuf [dreg:s8], $0x2FFFF;
	_ =	strace $0x9FFFFFFF  }
0xc5: {  	(tm) =	ssettm $0x7FFFFFFF  }
tec
execute0_lowered:
.L_overlay_start_1:
0x0: {  	(tag) =	ssettag $0x1  }
0x1: {  	s0 =	rddreg [dreg:$0x0]  }
0x2: {  	s1 =	rddreg [dreg:$0x1]  }
0x3: {  	s2 =	rddreg [dreg:$0x2];
	s3 =	srdreg.scid  }
0x4: {  	s4 =	rddreg [dreg:$0x3];
	s11 =	stileid.u32;
	s5 =	simm.s32 $0x0  }
0x5: {  	s28 =	simm.s32 $0x2C00;
	s29 =	simm.s32 $0x5;
	s30 =	simm.s32 $0x3  }
0x6: {  	s31 =	simm.s32 $0x5400;
	s3 =	sand.u32 $0x1, s3;
	s7 =	smul.u32 $0x13C00, s11  }
0x7: {  	[smem:$0x7FF] =	sst s5;
	s22 =	sadd.s32 $0x2000, s2;
	s25 =	smul.u32 $0x4F000, s11  }
0x8: {  	s9 =	sadd.s32 $0x1A00, s2;
	s13 =	smul.u32 $0x7D00, s11;
	s15 =	sshll.u32 s11, $0x6  }
0x9: {  	s6 =	smul.u32 $0x13C000, s3;
	_ =	strace $0x80000047;
	[dreg:$0x10] =	wrdreg s22  }
0xa: {  	s8 =	sshll.u32 s3, $0x4;
	[dreg:$0x11] =	wrdreg s9;
	s24 =	ssub.s32 $0x2, s3  }
0xb: {  	s3 =	smul.u32 $0x7D000, s3;
	s21 =	sor.u32 s11, s8;
	s10 =	sshrl.u32 s24, $0x1  }
0xc: {  	s9 =	sshrl.u32 s25, $0x2;
	s6 =	sadd.s32 s7, s6;
	s23 =	smul.u32 $0x4F0, s21  }
0xd: {  	s7 =	smul.u32 $0x7D00, s21;
	s8 =	ssub.s32 s24, s10;
	s9 =	sadd.s32 s9, s4  }
0xe: {  	s3 =	sadd.s32 s13, s3;
	s6 =	sshrl.u32 s6, $0x3;
	[dreg:$0x15] =	wrdreg s9  }
0xf: {  	s17 =	sadd.s32 $0x400, s3;
	s19 =	sadd.s32 $0x500, s3;
	s25 =	sadd.s32 $0x700, s3  }
0x10: {  	s11 =	sadd.s32 $0x900, s3;
	s6 =	sadd.s32 s6, s2;
	s2 =	sadd.s32 s23, s2  }
0x11: {  	s7 =	sshrl.u32 s7, $0x3;
	s21 =	sshrl.u32 s19, $0x3;
	s23 =	sadd.s32 $0x600, s3  }
0x12: {  	s13 =	sshrl.u32 s11, $0x3;
	s19 =	sadd.s32 $0xD00, s3;
	s26 =	sadd.s32 s1, s7  }
0x13: {  	s11 =	simm.s32 $0x7;
	s6 =	sadd.s32 $0x4800, s6;
	[dreg:$0x12] =	wrdreg s26  }
0x14: {  	s7 =	sshrl.u32 s17, $0x3;
	s22 =	sadd.s32 s21, s1;
	[dreg:$0x19] =	wrdreg s6  }
0x15: {  	s24 =	sshrl.u32 s23, $0x3;
	s2 =	sadd.s32 $0x53800, s2;
	[dreg:$0x6] =	wrdreg s22  }
0x16: {  	s21 =	sadd.s32 $0xE00, s3;
	s12 =	sadd.s32 $0x20, s26;
	[dreg:$0x1a] =	wrdreg s2  }
0x17: {  	s14 =	sadd.s32 $0x40, s26;
	s16 =	sadd.s32 $0xF60, s26;
	[dreg:$0x13] =	wrdreg s12  }
0x18: {  	s18 =	sadd.s32 $0xF80, s26;
	s20 =	sadd.s32 s7, s1;
	[dreg:$0x14] =	wrdreg s14  }
0x19: {  	s6 =	sadd.s32 s24, s1;
	s7 =	sshrl.u32 s25, $0x3;
	[dreg:$0x17] =	wrdreg s16  }
0x1a: {  	s26 =	sadd.s32 $0x800, s3;
	s22 =	sadd.s32 $0x300, s3;
	[dreg:$0x18] =	wrdreg s18  }
0x1b: {  	s2 =	simm.s32 $0x300;
	s12 =	sor.u32 $0x1C0B, s15;
	[dreg:$0x5] =	wrdreg s20  }
0x1c: {  	[dreg:$0x7] =	wrdreg s6;
	s7 =	sadd.s32 s7, s1;
	s9 =	sshrl.u32 s26, $0x3  }
0x1d: {  	s14 =	sadd.s32 $0xA00, s3;
	s6 =	sadd.s32 s13, s1;
	s15 =	sadd.s32 $0xB00, s3  }
0x1e: {  	s20 =	sshrl.u32 s19, $0x3;
	s24 =	sshrl.u32 s22, $0x3;
	s26 =	smax.u32 s8, $0x1  }
0x1f: {  	s3 =	sadd.s32 $0xC00, s3;
	s19 =	simm.s32 $0x100;
	s22 =	simm.s32 $0x7C00  }
0x20: {  	s13 =	simm.s32 $0x9;
	[dreg:$0x8] =	wrdreg s7;
	s10 =	sadd.s32 s9, s1  }
0x21: {  	s7 =	sshrl.u32 s14, $0x3;
	[dreg:$0xa] =	wrdreg s6;
	s17 =	sshrl.u32 s15, $0x3  }
0x22: {  	s6 =	sadd.s32 s20, s1;
	s25 =	sadd.s32 s24, s1;
	[dreg:$0x1b] =	wrdreg s26  }
0x23: {  	[dreg:$0x1c] =	wrdreg s3;
	s20 =	simm.s32 $0x200;
	s24 =	simm.s32 $0x50  }
0x24: {  	s26 =	simm.s32 $0x2;
	s3 =	simm.s32 $0x80;
	[dreg:$0x16] =	wrdreg s12  }
0x25: {  	s9 =	simm.s32 $0x4;
	s14 =	simm.s32 $0x280;
	[dreg:$0x9] =	wrdreg s10  }
0x26: {  	s15 =	simm.s32 $0xA;
	s16 =	sadd.s32 s7, s1;
	[dreg:$0xd] =	wrdreg s6  }
0x27: {  	s18 =	sadd.s32 s17, s1;
	s7 =	sshrl.u32 s21, $0x3;
	[dreg:$0xf] =	wrdreg s25  }
0x28: {  	s21 =	simm.s32 $0xB;
	s25 =	simm.s32 $0x400;
	s6 =	simm.s32 $0x6  }
0x29: {  	s10 =	simm.s32 $0x180;
	s17 =	simm.s32 $0x0;
	[dreg:$0xb] =	wrdreg s16  }
0x2a: {  	[dreg:$0xc] =	wrdreg s18;
	s23 =	sadd.s32 s7, s1;
	s7 =	simm.s32 $0x8  }
0x2b: {  	v0 =	vimm.f32 $1.000000000e+00;
	s16 =	simm.s32 $0x380;
	[dreg:$0xe] =	wrdreg s23;
	s23 =	simm.s32 $0x1  }
.LBB2_1:
0x2c: {  	s8 =	rddreg [dreg:$0x12]  }
0x2d: {  	[tilespmem:s5], [sflag:$0x1] =	stream.linear.gather [hbm4b:s8+s5], $0x100, $0x38;
	[tilespmem:$0x1DF80] =	vst v63  }
0x2e: {  	s18 =	rddreg [dreg:$0x13]  }
0x2f: {  	[tilespmem:s19], [sflag:$0x2] =	stream.linear.gather [hbm4b:s18+s5], $0x100, $0x38;
	[tilespmem:$0x1DF80] =	vst v63  }
0x30: {  	s18 =	rddreg [dreg:$0x14]  }
0x31: {  	[tilespmem:s20], [sflag:$0x3] =	stream.linear.gather [hbm4b:s18+s5], $0x100, $0x38;
	[tilespmem:$0x1DF80] =	vst v63  }
0x32: {  	s18 =	rddreg [dreg:$0x15]  }
0x33: {  	s8 =	rddreg [dreg:$0x10];
	s18 =	sshrl.u32 s18, $0x3  }
0x34: {  	[dreg:$0x1d] =	wrdreg s18  }
0x35: {  	[spmem:s18], [sflag:s12] =	dma.local [hbm:s8], $0x2780  }
0x36: {  	_ =	swait.ge [sflag:s21], $0x2780  }
0x37: {  	[sflag:s21] =	ssyncset.done $0x0  }
0x38: {  	s18 =	rddreg [dreg:$0x11];
	[sflag:s21] =	ssyncadd.s32 $0xFFFFD880  }
0x39: {  	[tilespmem:s22], [sflag:$0xB] =	stream.linear.gather [hbm4b:s18+s5], $0x2780, $0x38;
	[tilespmem:$0x1DF80] =	vst v63  }
0x3a: {  	_ =	swait.ge [sflag:s21], $0x2780  }
0x3b: {  	[sflag:s21] =	ssyncset.done $0x0  }
0x3c: {  	[sflag:s21] =	ssyncadd.s32 $0xFFFFD880  }
0x3d: {  	_ =	swait.ge [sflag:s23], $0x100  }
0x3e: {  	[sflag:s23] =	ssyncset.done $0x0  }
0x3f: {  	[sflag:s23] =	ssyncadd.s32 $0xFFFFFF00  }
0x40: {  	[tilespmem:s25], [sflag:$0x5] =	stream.indirect.gather [hbm4b:s0+s24], $0x80, s5, s24, $0xb8;
	[tilespmem:$0x1DF80] =	vst v63  }
0x41: {  	_ =	swait.ge [sflag:s26], $0x100  }
0x42: {  	[sflag:s26] =	ssyncset.done $0x0  }
0x43: {  	[sflag:s26] =	ssyncadd.s32 $0xFFFFFF00  }
0x44: {  	[tilespmem:s28], [sflag:$0x6] =	stream.indirect.gather [hbm4b:s0+s24], $0x80, s19, s24, $0xb8;
	[tilespmem:$0x1DF80] =	vst v63  }
0x45: {  	[bflag:$0x0] =	sbarrier.arrive $0xFFFF  }
0x46: {  	s12 =	simm.s32 $0x0;
	s18 =	rddreg [dreg:$0x1c]  }
.LBB2_2:
0x47: {  	_ =	swait.ge [sflag:s29], $0x2800  }
0x48: {  	p0 =	seq.s32 s12, $0x0;
	[sflag:s29] =	ssyncset.done $0x0  }
0x49: {  	s8 =	simm.s32 @!p0 $0xA;
	[sflag:s29] =	ssyncadd.s32 $0xFFFFD800  }
0x4a: {  	_ =	swait.ge @!p0 [sflag:s8], $0x2800  }
0x4b: {  	[sflag:s8] =	ssyncset.done @!p0 $0x0  }
0x4c: {  	[sflag:s8] =	ssyncadd.s32 @!p0 $0xFFFFD800  }
0x4d: {  	_ =	swait.ge [sflag:s30], $0x100  }
0x4e: {  	[sflag:s30] =	ssyncset.done $0x0  }
0x4f: {  	s8 =	rddreg [dreg:$0xf];
	[sflag:s30] =	ssyncadd.s32 $0xFFFFFF00  }
0x50: {  	[tilespmem:s31], [sflag:$0x7] =	stream.indirect.gather [hbm4b:s0+s24], $0x80, s20, s24, $0xb8;
	[tilespmem:$0x1DF80] =	vst v63  }
0x51: {  	s8 =	sadd.s32 s12, s8  }
0x52: {  	[tilespmem:s2], [sflag:$0x4] =	stream.linear.gather [hbm4b:s8+s5], $0x100, $0x38;
	[tilespmem:$0x1DF80] =	vst v63  }
0x53: {  	_ = 	snop  }
0x54: {  	[spmem:s4] =	stream.indirect.scatter.add.f32 [tilespmem:s25], [sflag:$0x8], $0x80, s3, s24, $0xb8;
	[tilespmem:$0x1DF80] =	vst v63  }
0x55: {  	v1 =	vld [tilespmem:$0x80];
	_ =	sdelay $0x7  }
0x56: {  	[tilespmem:v1+s22+$0x0] =	vst.idx.add.f32.msk $0xffff, v0  }
0x57: {  	v1 =	vld [tilespmem:$0x90];
	_ =	sdelay $0x7  }
0x58: {  	[tilespmem:v1+s22+$0x0] =	vst.idx.add.f32.msk $0xffff, v0  }
0x59: {  	v1 =	vld [tilespmem:$0xA0];
	_ =	sdelay $0x7  }
0x5a: {  	[tilespmem:v1+s22+$0x0] =	vst.idx.add.f32.msk $0xffff, v0  }
0x5b: {  	v1 =	vld [tilespmem:$0xB0];
	_ =	sdelay $0x7  }
0x5c: {  	[tilespmem:v1+s22+$0x0] =	vst.idx.add.f32.msk $0xffff, v0  }
0x5d: {  	v1 =	vld [tilespmem:$0xC0];
	_ =	sdelay $0x7  }
0x5e: {  	[tilespmem:v1+s22+$0x0] =	vst.idx.add.f32.msk $0xffff, v0  }
0x5f: {  	_ =	swait.ge [sflag:s6], $0x2800  }
0x60: {  	[sflag:s6] =	ssyncset.done $0x0  }
0x61: {  	[sflag:s6] =	ssyncadd.s32 $0xFFFFD800  }
0x62: {  	_ =	swait.ge [sflag:s7], $0x2800  }
0x63: {  	[sflag:s7] =	ssyncset.done $0x0  }
0x64: {  	[sflag:s7] =	ssyncadd.s32 $0xFFFFD800  }
0x65: {  	_ =	swait.ge [sflag:s9], $0x100  }
0x66: {  	[sflag:s9] =	ssyncset.done $0x0  }
0x67: {  	s8 =	rddreg [dreg:$0x5];
	[sflag:s9] =	ssyncadd.s32 $0xFFFFFF00  }
0x68: {  	[tilespmem:s25], [sflag:$0x5] =	stream.indirect.gather [hbm4b:s0+s24], $0x80, s2, s24, $0xb8;
	[tilespmem:$0x1DF80] =	vst v63  }
0x69: {  	s8 =	sadd.s32 s12, s8  }
0x6a: {  	[tilespmem:s5], [sflag:$0x1] =	stream.linear.gather [hbm4b:s8+s5], $0x100, $0x38;
	[tilespmem:$0x1DF80] =	vst v63  }
0x6b: {  	_ = 	snop  }
0x6c: {  	[spmem:s4] =	stream.indirect.scatter.add.f32 [tilespmem:s28], [sflag:$0x9], $0x80, s10, s24, $0xb8;
	[tilespmem:$0x1DF80] =	vst v63  }
0x6d: {  	v1 =	vld [tilespmem:$0x180];
	_ =	sdelay $0x7  }
0x6e: {  	[tilespmem:v1+s22+$0x0] =	vst.idx.add.f32.msk $0xffff, v0  }
0x6f: {  	v1 =	vld [tilespmem:$0x190];
	_ =	sdelay $0x7  }
0x70: {  	[tilespmem:v1+s22+$0x0] =	vst.idx.add.f32.msk $0xffff, v0  }
0x71: {  	v1 =	vld [tilespmem:$0x1A0];
	_ =	sdelay $0x7  }
0x72: {  	[tilespmem:v1+s22+$0x0] =	vst.idx.add.f32.msk $0xffff, v0  }
0x73: {  	v1 =	vld [tilespmem:$0x1B0];
	_ =	sdelay $0x7  }
0x74: {  	[tilespmem:v1+s22+$0x0] =	vst.idx.add.f32.msk $0xffff, v0  }
0x75: {  	v1 =	vld [tilespmem:$0x1C0];
	_ =	sdelay $0x7  }
0x76: {  	[tilespmem:v1+s22+$0x0] =	vst.idx.add.f32.msk $0xffff, v0  }
0x77: {  	_ =	swait.ge [sflag:s11], $0x2800  }
0x78: {  	[sflag:s11] =	ssyncset.done $0x0  }
0x79: {  	[sflag:s11] =	ssyncadd.s32 $0xFFFFD800  }
0x7a: {  	_ =	swait.ge [sflag:s13], $0x2800  }
0x7b: {  	[sflag:s13] =	ssyncset.done $0x0  }
0x7c: {  	[sflag:s13] =	ssyncadd.s32 $0xFFFFD800  }
0x7d: {  	_ =	swait.ge [sflag:s23], $0x100  }
0x7e: {  	[sflag:s23] =	ssyncset.done $0x0  }
0x7f: {  	s8 =	rddreg [dreg:$0x6];
	[sflag:s23] =	ssyncadd.s32 $0xFFFFFF00  }
0x80: {  	[tilespmem:s28], [sflag:$0x6] =	stream.indirect.gather [hbm4b:s0+s24], $0x80, s5, s24, $0xb8;
	[tilespmem:$0x1DF80] =	vst v63  }
0x81: {  	s8 =	sadd.s32 s12, s8  }
0x82: {  	[tilespmem:s19], [sflag:$0x2] =	stream.linear.gather [hbm4b:s8+s5], $0x100, $0x38;
	[tilespmem:$0x1DF80] =	vst v63  }
0x83: {  	_ = 	snop  }
0x84: {  	[spmem:s4] =	stream.indirect.scatter.add.f32 [tilespmem:s31], [sflag:$0xA], $0x80, s14, s24, $0xb8;
	[tilespmem:$0x1DF80] =	vst v63  }
0x85: {  	v1 =	vld [tilespmem:$0x280];
	_ =	sdelay $0x7  }
0x86: {  	[tilespmem:v1+s22+$0x0] =	vst.idx.add.f32.msk $0xffff, v0  }
0x87: {  	v1 =	vld [tilespmem:$0x290];
	_ =	sdelay $0x7  }
0x88: {  	[tilespmem:v1+s22+$0x0] =	vst.idx.add.f32.msk $0xffff, v0  }
0x89: {  	v1 =	vld [tilespmem:$0x2A0];
	_ =	sdelay $0x7  }
0x8a: {  	[tilespmem:v1+s22+$0x0] =	vst.idx.add.f32.msk $0xffff, v0  }
0x8b: {  	v1 =	vld [tilespmem:$0x2B0];
	_ =	sdelay $0x7  }
0x8c: {  	[tilespmem:v1+s22+$0x0] =	vst.idx.add.f32.msk $0xffff, v0  }
0x8d: {  	v1 =	vld [tilespmem:$0x2C0];
	_ =	sdelay $0x7  }
0x8e: {  	[tilespmem:v1+s22+$0x0] =	vst.idx.add.f32.msk $0xffff, v0  }
0x8f: {  	_ =	swait.ge [sflag:s29], $0x2800  }
0x90: {  	[sflag:s29] =	ssyncset.done $0x0  }
0x91: {  	[sflag:s29] =	ssyncadd.s32 $0xFFFFD800  }
0x92: {  	_ =	swait.ge [sflag:s15], $0x2800  }
0x93: {  	[sflag:s15] =	ssyncset.done $0x0  }
0x94: {  	[sflag:s15] =	ssyncadd.s32 $0xFFFFD800  }
0x95: {  	_ =	swait.ge [sflag:s26], $0x100  }
0x96: {  	[sflag:s26] =	ssyncset.done $0x0  }
0x97: {  	s8 =	rddreg [dreg:$0x7];
	[sflag:s26] =	ssyncadd.s32 $0xFFFFFF00  }
0x98: {  	[tilespmem:s31], [sflag:$0x7] =	stream.indirect.gather [hbm4b:s0+s24], $0x80, s19, s24, $0xb8;
	[tilespmem:$0x1DF80] =	vst v63  }
0x99: {  	s8 =	sadd.s32 s12, s8  }
0x9a: {  	[tilespmem:s20], [sflag:$0x3] =	stream.linear.gather [hbm4b:s8+s5], $0x100, $0x38;
	[tilespmem:$0x1DF80] =	vst v63  }
0x9b: {  	_ = 	snop  }
0x9c: {  	[spmem:s4] =	stream.indirect.scatter.add.f32 [tilespmem:s25], [sflag:$0x8], $0x80, s16, s24, $0xb8;
	[tilespmem:$0x1DF80] =	vst v63  }
0x9d: {  	v1 =	vld [tilespmem:$0x380];
	_ =	sdelay $0x7  }
0x9e: {  	[tilespmem:v1+s22+$0x0] =	vst.idx.add.f32.msk $0xffff, v0  }
0x9f: {  	v1 =	vld [tilespmem:$0x390];
	_ =	sdelay $0x7  }
0xa0: {  	[tilespmem:v1+s22+$0x0] =	vst.idx.add.f32.msk $0xffff, v0  }
0xa1: {  	v1 =	vld [tilespmem:$0x3A0];
	_ =	sdelay $0x7  }
0xa2: {  	[tilespmem:v1+s22+$0x0] =	vst.idx.add.f32.msk $0xffff, v0  }
0xa3: {  	v1 =	vld [tilespmem:$0x3B0];
	_ =	sdelay $0x7  }
0xa4: {  	[tilespmem:v1+s22+$0x0] =	vst.idx.add.f32.msk $0xffff, v0  }
0xa5: {  	v1 =	vld [tilespmem:$0x3C0];
	_ =	sdelay $0x7  }
0xa6: {  	[tilespmem:v1+s22+$0x0] =	vst.idx.add.f32.msk $0xffff, v0  }
0xa7: {  	_ =	swait.ge [sflag:s6], $0x2800  }
0xa8: {  	[sflag:s6] =	ssyncset.done $0x0  }
0xa9: {  	[sflag:s6] =	ssyncadd.s32 $0xFFFFD800  }
0xaa: {  	_ =	swait.ge [sflag:s7], $0x2800  }
0xab: {  	[sflag:s7] =	ssyncset.done $0x0  }
0xac: {  	[sflag:s7] =	ssyncadd.s32 $0xFFFFD800  }
0xad: {  	_ =	swait.ge [sflag:s30], $0x100  }
0xae: {  	[sflag:s30] =	ssyncset.done $0x0  }
0xaf: {  	s8 =	rddreg [dreg:$0x8];
	[sflag:s30] =	ssyncadd.s32 $0xFFFFFF00  }
0xb0: {  	[tilespmem:s25], [sflag:$0x5] =	stream.indirect.gather [hbm4b:s0+s24], $0x80, s20, s24, $0xb8;
	[tilespmem:$0x1DF80] =	vst v63  }
0xb1: {  	s8 =	sadd.s32 s12, s8  }
0xb2: {  	[tilespmem:s2], [sflag:$0x4] =	stream.linear.gather [hbm4b:s8+s5], $0x100, $0x38;
	[tilespmem:$0x1DF80] =	vst v63  }
0xb3: {  	_ = 	snop  }
0xb4: {  	[spmem:s4] =	stream.indirect.scatter.add.f32 [tilespmem:s28], [sflag:$0x9], $0x80, s3, s24, $0xb8;
	[tilespmem:$0x1DF80] =	vst v63  }
0xb5: {  	v1 =	vld [tilespmem:$0x80];
	_ =	sdelay $0x7  }
0xb6: {  	[tilespmem:v1+s22+$0x0] =	vst.idx.add.f32.msk $0xffff, v0  }
0xb7: {  	v1 =	vld [tilespmem:$0x90];
	_ =	sdelay $0x7  }
0xb8: {  	[tilespmem:v1+s22+$0x0] =	vst.idx.add.f32.msk $0xffff, v0  }
0xb9: {  	v1 =	vld [tilespmem:$0xA0];
	_ =	sdelay $0x7  }
0xba: {  	[tilespmem:v1+s22+$0x0] =	vst.idx.add.f32.msk $0xffff, v0  }
0xbb: {  	v1 =	vld [tilespmem:$0xB0];
	_ =	sdelay $0x7  }
0xbc: {  	[tilespmem:v1+s22+$0x0] =	vst.idx.add.f32.msk $0xffff, v0  }
0xbd: {  	v1 =	vld [tilespmem:$0xC0];
	_ =	sdelay $0x7  }
0xbe: {  	[tilespmem:v1+s22+$0x0] =	vst.idx.add.f32.msk $0xffff, v0  }
0xbf: {  	_ =	swait.ge [sflag:s11], $0x2800  }
0xc0: {  	[sflag:s11] =	ssyncset.done $0x0  }
0xc1: {  	[sflag:s11] =	ssyncadd.s32 $0xFFFFD800  }
0xc2: {  	_ =	swait.ge [sflag:s13], $0x2800  }
0xc3: {  	[sflag:s13] =	ssyncset.done $0x0  }
0xc4: {  	[sflag:s13] =	ssyncadd.s32 $0xFFFFD800  }
0xc5: {  	_ =	swait.ge [sflag:s9], $0x100  }
0xc6: {  	[sflag:s9] =	ssyncset.done $0x0  }
0xc7: {  	s8 =	rddreg [dreg:$0x9];
	[sflag:s9] =	ssyncadd.s32 $0xFFFFFF00  }
0xc8: {  	[tilespmem:s28], [sflag:$0x6] =	stream.indirect.gather [hbm4b:s0+s24], $0x80, s2, s24, $0xb8;
	[tilespmem:$0x1DF80] =	vst v63  }
0xc9: {  	s8 =	sadd.s32 s12, s8  }
0xca: {  	[tilespmem:s5], [sflag:$0x1] =	stream.linear.gather [hbm4b:s8+s5], $0x100, $0x38;
	[tilespmem:$0x1DF80] =	vst v63  }
0xcb: {  	_ = 	snop  }
0xcc: {  	[spmem:s4] =	stream.indirect.scatter.add.f32 [tilespmem:s31], [sflag:$0xA], $0x80, s10, s24, $0xb8;
	[tilespmem:$0x1DF80] =	vst v63  }
0xcd: {  	v1 =	vld [tilespmem:$0x180];
	_ =	sdelay $0x7  }
0xce: {  	[tilespmem:v1+s22+$0x0] =	vst.idx.add.f32.msk $0xffff, v0  }
0xcf: {  	v1 =	vld [tilespmem:$0x190];
	_ =	sdelay $0x7  }
0xd0: {  	[tilespmem:v1+s22+$0x0] =	vst.idx.add.f32.msk $0xffff, v0  }
0xd1: {  	v1 =	vld [tilespmem:$0x1A0];
	_ =	sdelay $0x7  }
0xd2: {  	[tilespmem:v1+s22+$0x0] =	vst.idx.add.f32.msk $0xffff, v0  }
0xd3: {  	v1 =	vld [tilespmem:$0x1B0];
	_ =	sdelay $0x7  }
0xd4: {  	[tilespmem:v1+s22+$0x0] =	vst.idx.add.f32.msk $0xffff, v0  }
0xd5: {  	v1 =	vld [tilespmem:$0x1C0];
	_ =	sdelay $0x7  }
0xd6: {  	[tilespmem:v1+s22+$0x0] =	vst.idx.add.f32.msk $0xffff, v0  }
0xd7: {  	_ =	swait.ge [sflag:s29], $0x2800  }
0xd8: {  	[sflag:s29] =	ssyncset.done $0x0  }
0xd9: {  	[sflag:s29] =	ssyncadd.s32 $0xFFFFD800  }
0xda: {  	_ =	swait.ge [sflag:s15], $0x2800  }
0xdb: {  	[sflag:s15] =	ssyncset.done $0x0  }
0xdc: {  	[sflag:s15] =	ssyncadd.s32 $0xFFFFD800  }
0xdd: {  	_ =	swait.ge [sflag:s23], $0x100  }
0xde: {  	[sflag:s23] =	ssyncset.done $0x0  }
0xdf: {  	s8 =	rddreg [dreg:$0xa];
	[sflag:s23] =	ssyncadd.s32 $0xFFFFFF00  }
0xe0: {  	[tilespmem:s31], [sflag:$0x7] =	stream.indirect.gather [hbm4b:s0+s24], $0x80, s5, s24, $0xb8;
	[tilespmem:$0x1DF80] =	vst v63  }
0xe1: {  	s8 =	sadd.s32 s12, s8  }
0xe2: {  	[tilespmem:s19], [sflag:$0x2] =	stream.linear.gather [hbm4b:s8+s5], $0x100, $0x38;
	[tilespmem:$0x1DF80] =	vst v63  }
0xe3: {  	_ = 	snop  }
0xe4: {  	[spmem:s4] =	stream.indirect.scatter.add.f32 [tilespmem:s25], [sflag:$0x8], $0x80, s14, s24, $0xb8;
	[tilespmem:$0x1DF80] =	vst v63  }
0xe5: {  	v1 =	vld [tilespmem:$0x280];
	_ =	sdelay $0x7  }
0xe6: {  	[tilespmem:v1+s22+$0x0] =	vst.idx.add.f32.msk $0xffff, v0  }
0xe7: {  	v1 =	vld [tilespmem:$0x290];
	_ =	sdelay $0x7  }
0xe8: {  	[tilespmem:v1+s22+$0x0] =	vst.idx.add.f32.msk $0xffff, v0  }
0xe9: {  	v1 =	vld [tilespmem:$0x2A0];
	_ =	sdelay $0x7  }
0xea: {  	[tilespmem:v1+s22+$0x0] =	vst.idx.add.f32.msk $0xffff, v0  }
0xeb: {  	v1 =	vld [tilespmem:$0x2B0];
	_ =	sdelay $0x7  }
0xec: {  	[tilespmem:v1+s22+$0x0] =	vst.idx.add.f32.msk $0xffff, v0  }
0xed: {  	v1 =	vld [tilespmem:$0x2C0];
	_ =	sdelay $0x7  }
0xee: {  	[tilespmem:v1+s22+$0x0] =	vst.idx.add.f32.msk $0xffff, v0  }
0xef: {  	_ =	swait.ge [sflag:s6], $0x2800  }
0xf0: {  	[sflag:s6] =	ssyncset.done $0x0  }
0xf1: {  	[sflag:s6] =	ssyncadd.s32 $0xFFFFD800  }
0xf2: {  	_ =	swait.ge [sflag:s7], $0x2800  }
0xf3: {  	[sflag:s7] =	ssyncset.done $0x0  }
0xf4: {  	[sflag:s7] =	ssyncadd.s32 $0xFFFFD800  }
0xf5: {  	_ =	swait.ge [sflag:s26], $0x100  }
0xf6: {  	[sflag:s26] =	ssyncset.done $0x0  }
0xf7: {  	s8 =	rddreg [dreg:$0xb];
	[sflag:s26] =	ssyncadd.s32 $0xFFFFFF00  }
0xf8: {  	[tilespmem:s25], [sflag:$0x5] =	stream.indirect.gather [hbm4b:s0+s24], $0x80, s19, s24, $0xb8;
	[tilespmem:$0x1DF80] =	vst v63  }
0xf9: {  	s8 =	sadd.s32 s12, s8  }
0xfa: {  	[tilespmem:s20], [sflag:$0x3] =	stream.linear.gather [hbm4b:s8+s5], $0x100, $0x38;
	[tilespmem:$0x1DF80] =	vst v63  }
0xfb: {  	_ = 	snop  }
0xfc: {  	[spmem:s4] =	stream.indirect.scatter.add.f32 [tilespmem:s28], [sflag:$0x9], $0x80, s16, s24, $0xb8;
	[tilespmem:$0x1DF80] =	vst v63  }
0xfd: {  	v1 =	vld [tilespmem:$0x380];
	_ =	sdelay $0x7  }
0xfe: {  	[tilespmem:v1+s22+$0x0] =	vst.idx.add.f32.msk $0xffff, v0  }
0xff: {  	v1 =	vld [tilespmem:$0x390];
	_ =	sdelay $0x7  }
0x100: {  	[tilespmem:v1+s22+$0x0] =	vst.idx.add.f32.msk $0xffff, v0  }
0x101: {  	v1 =	vld [tilespmem:$0x3A0];
	_ =	sdelay $0x7  }
0x102: {  	[tilespmem:v1+s22+$0x0] =	vst.idx.add.f32.msk $0xffff, v0  }
0x103: {  	v1 =	vld [tilespmem:$0x3B0];
	_ =	sdelay $0x7  }
0x104: {  	[tilespmem:v1+s22+$0x0] =	vst.idx.add.f32.msk $0xffff, v0  }
0x105: {  	v1 =	vld [tilespmem:$0x3C0];
	_ =	sdelay $0x7  }
0x106: {  	[tilespmem:v1+s22+$0x0] =	vst.idx.add.f32.msk $0xffff, v0  }
0x107: {  	_ =	swait.ge [sflag:s11], $0x2800  }
0x108: {  	[sflag:s11] =	ssyncset.done $0x0  }
0x109: {  	[sflag:s11] =	ssyncadd.s32 $0xFFFFD800  }
0x10a: {  	_ =	swait.ge [sflag:s13], $0x2800  }
0x10b: {  	[sflag:s13] =	ssyncset.done $0x0  }
0x10c: {  	[sflag:s13] =	ssyncadd.s32 $0xFFFFD800  }
0x10d: {  	_ =	swait.ge [sflag:s30], $0x100  }
0x10e: {  	[sflag:s30] =	ssyncset.done $0x0  }
0x10f: {  	s8 =	rddreg [dreg:$0xc];
	[sflag:s30] =	ssyncadd.s32 $0xFFFFFF00  }
0x110: {  	[tilespmem:s28], [sflag:$0x6] =	stream.indirect.gather [hbm4b:s0+s24], $0x80, s20, s24, $0xb8;
	[tilespmem:$0x1DF80] =	vst v63  }
0x111: {  	s8 =	sadd.s32 s12, s8  }
0x112: {  	[tilespmem:s2], [sflag:$0x4] =	stream.linear.gather [hbm4b:s8+s5], $0x100, $0x38;
	[tilespmem:$0x1DF80] =	vst v63  }
0x113: {  	_ = 	snop  }
0x114: {  	[spmem:s4] =	stream.indirect.scatter.add.f32 [tilespmem:s31], [sflag:$0xA], $0x80, s3, s24, $0xb8;
	[tilespmem:$0x1DF80] =	vst v63  }
0x115: {  	v1 =	vld [tilespmem:$0x80];
	_ =	sdelay $0x7  }
0x116: {  	[tilespmem:v1+s22+$0x0] =	vst.idx.add.f32.msk $0xffff, v0  }
0x117: {  	v1 =	vld [tilespmem:$0x90];
	_ =	sdelay $0x7  }
0x118: {  	[tilespmem:v1+s22+$0x0] =	vst.idx.add.f32.msk $0xffff, v0  }
0x119: {  	v1 =	vld [tilespmem:$0xA0];
	_ =	sdelay $0x7  }
0x11a: {  	[tilespmem:v1+s22+$0x0] =	vst.idx.add.f32.msk $0xffff, v0  }
0x11b: {  	v1 =	vld [tilespmem:$0xB0];
	_ =	sdelay $0x7  }
0x11c: {  	[tilespmem:v1+s22+$0x0] =	vst.idx.add.f32.msk $0xffff, v0  }
0x11d: {  	v1 =	vld [tilespmem:$0xC0];
	_ =	sdelay $0x7  }
0x11e: {  	[tilespmem:v1+s22+$0x0] =	vst.idx.add.f32.msk $0xffff, v0  }
0x11f: {  	_ =	swait.ge [sflag:s29], $0x2800  }
0x120: {  	[sflag:s29] =	ssyncset.done $0x0  }
0x121: {  	[sflag:s29] =	ssyncadd.s32 $0xFFFFD800  }
0x122: {  	_ =	swait.ge [sflag:s15], $0x2800  }
0x123: {  	[sflag:s15] =	ssyncset.done $0x0  }
0x124: {  	[sflag:s15] =	ssyncadd.s32 $0xFFFFD800  }
0x125: {  	_ =	swait.ge [sflag:s9], $0x100  }
0x126: {  	[sflag:s9] =	ssyncset.done $0x0  }
0x127: {  	s8 =	sshrl.u32 s18, $0x3;
	[sflag:s9] =	ssyncadd.s32 $0xFFFFFF00  }
0x128: {  	[tilespmem:s31], [sflag:$0x7] =	stream.indirect.gather [hbm4b:s0+s24], $0x80, s2, s24, $0xb8;
	[tilespmem:$0x1DF80] =	vst v63  }
0x129: {  	s8 =	sadd.s32 s1, s8  }
0x12a: {  	[tilespmem:s5], [sflag:$0x1] =	stream.linear.gather [hbm4b:s8+s5], $0x100, $0x38;
	[tilespmem:$0x1DF80] =	vst v63  }
0x12b: {  	_ = 	snop  }
0x12c: {  	[spmem:s4] =	stream.indirect.scatter.add.f32 [tilespmem:s25], [sflag:$0x8], $0x80, s10, s24, $0xb8;
	[tilespmem:$0x1DF80] =	vst v63  }
0x12d: {  	v1 =	vld [tilespmem:$0x180];
	_ =	sdelay $0x7  }
0x12e: {  	[tilespmem:v1+s22+$0x0] =	vst.idx.add.f32.msk $0xffff, v0  }
0x12f: {  	v1 =	vld [tilespmem:$0x190];
	_ =	sdelay $0x7  }
0x130: {  	[tilespmem:v1+s22+$0x0] =	vst.idx.add.f32.msk $0xffff, v0  }
0x131: {  	v1 =	vld [tilespmem:$0x1A0];
	_ =	sdelay $0x7  }
0x132: {  	[tilespmem:v1+s22+$0x0] =	vst.idx.add.f32.msk $0xffff, v0  }
0x133: {  	v1 =	vld [tilespmem:$0x1B0];
	_ =	sdelay $0x7  }
0x134: {  	[tilespmem:v1+s22+$0x0] =	vst.idx.add.f32.msk $0xffff, v0  }
0x135: {  	v1 =	vld [tilespmem:$0x1C0];
	_ =	sdelay $0x7  }
0x136: {  	[tilespmem:v1+s22+$0x0] =	vst.idx.add.f32.msk $0xffff, v0  }
0x137: {  	_ =	swait.ge [sflag:s6], $0x2800  }
0x138: {  	[sflag:s6] =	ssyncset.done $0x0  }
0x139: {  	[sflag:s6] =	ssyncadd.s32 $0xFFFFD800  }
0x13a: {  	_ =	swait.ge [sflag:s7], $0x2800  }
0x13b: {  	[sflag:s7] =	ssyncset.done $0x0  }
0x13c: {  	[sflag:s7] =	ssyncadd.s32 $0xFFFFD800  }
0x13d: {  	_ =	swait.ge [sflag:s23], $0x100  }
0x13e: {  	[sflag:s23] =	ssyncset.done $0x0  }
0x13f: {  	s8 =	rddreg [dreg:$0xd];
	[sflag:s23] =	ssyncadd.s32 $0xFFFFFF00  }
0x140: {  	[tilespmem:s25], [sflag:$0x5] =	stream.indirect.gather [hbm4b:s0+s24], $0x80, s5, s24, $0xb8;
	[tilespmem:$0x1DF80] =	vst v63  }
0x141: {  	s8 =	sadd.s32 s12, s8  }
0x142: {  	[tilespmem:s19], [sflag:$0x2] =	stream.linear.gather [hbm4b:s8+s5], $0x100, $0x38;
	[tilespmem:$0x1DF80] =	vst v63  }
0x143: {  	_ = 	snop  }
0x144: {  	[spmem:s4] =	stream.indirect.scatter.add.f32 [tilespmem:s28], [sflag:$0x9], $0x80, s14, s24, $0xb8;
	[tilespmem:$0x1DF80] =	vst v63  }
0x145: {  	v1 =	vld [tilespmem:$0x280];
	_ =	sdelay $0x7  }
0x146: {  	[tilespmem:v1+s22+$0x0] =	vst.idx.add.f32.msk $0xffff, v0  }
0x147: {  	v1 =	vld [tilespmem:$0x290];
	_ =	sdelay $0x7  }
0x148: {  	[tilespmem:v1+s22+$0x0] =	vst.idx.add.f32.msk $0xffff, v0  }
0x149: {  	v1 =	vld [tilespmem:$0x2A0];
	_ =	sdelay $0x7  }
0x14a: {  	[tilespmem:v1+s22+$0x0] =	vst.idx.add.f32.msk $0xffff, v0  }
0x14b: {  	v1 =	vld [tilespmem:$0x2B0];
	_ =	sdelay $0x7  }
0x14c: {  	[tilespmem:v1+s22+$0x0] =	vst.idx.add.f32.msk $0xffff, v0  }
0x14d: {  	v1 =	vld [tilespmem:$0x2C0];
	_ =	sdelay $0x7  }
0x14e: {  	[tilespmem:v1+s22+$0x0] =	vst.idx.add.f32.msk $0xffff, v0  }
0x14f: {  	_ =	swait.ge [sflag:s11], $0x2800  }
0x150: {  	[sflag:s11] =	ssyncset.done $0x0  }
0x151: {  	[sflag:s11] =	ssyncadd.s32 $0xFFFFD800  }
0x152: {  	_ =	swait.ge [sflag:s13], $0x2800  }
0x153: {  	[sflag:s13] =	ssyncset.done $0x0  }
0x154: {  	[sflag:s13] =	ssyncadd.s32 $0xFFFFD800  }
0x155: {  	_ =	swait.ge [sflag:s26], $0x100  }
0x156: {  	[sflag:s26] =	ssyncset.done $0x0  }
0x157: {  	s8 =	rddreg [dreg:$0xe];
	[sflag:s26] =	ssyncadd.s32 $0xFFFFFF00  }
0x158: {  	[tilespmem:s28], [sflag:$0x6] =	stream.indirect.gather [hbm4b:s0+s24], $0x80, s19, s24, $0xb8;
	[tilespmem:$0x1DF80] =	vst v63  }
0x159: {  	s8 =	sadd.s32 s12, s8  }
0x15a: {  	[tilespmem:s20], [sflag:$0x3] =	stream.linear.gather [hbm4b:s8+s5], $0x100, $0x38;
	[tilespmem:$0x1DF80] =	vst v63  }
0x15b: {  	_ = 	snop  }
0x15c: {  	[spmem:s4] =	stream.indirect.scatter.add.f32 [tilespmem:s31], [sflag:$0xA], $0x80, s16, s24, $0xb8;
	[tilespmem:$0x1DF80] =	vst v63  }
0x15d: {  	v1 =	vld [tilespmem:$0x380];
	_ =	sdelay $0x7  }
0x15e: {  	[tilespmem:v1+s22+$0x0] =	vst.idx.add.f32.msk $0xffff, v0  }
0x15f: {  	v1 =	vld [tilespmem:$0x390];
	_ =	sdelay $0x7  }
0x160: {  	[tilespmem:v1+s22+$0x0] =	vst.idx.add.f32.msk $0xffff, v0  }
0x161: {  	v1 =	vld [tilespmem:$0x3A0];
	_ =	sdelay $0x7  }
0x162: {  	[tilespmem:v1+s22+$0x0] =	vst.idx.add.f32.msk $0xffff, v0  }
0x163: {  	v1 =	vld [tilespmem:$0x3B0];
	_ =	sdelay $0x7  }
0x164: {  	[tilespmem:v1+s22+$0x0] =	vst.idx.add.f32.msk $0xffff, v0  }
0x165: {  	v1 =	vld [tilespmem:$0x3C0];
	_ =	sdelay $0x1  }
0x166: {  	s12 =	sadd.s32 $0x180, s12  }
0x167: {  	p0 =	sne.s32 s12, $0xF00  }
.Ltmp0:
0x168: {  	_ = 	snop;
	(pc) =	sbr.rel @p0 .LBB2_2-.Ltmp0, $2  }
0x169: {  	_ =	sdelay $0x2  }
0x16a: {  	s18 =	sadd.s32 $0xC00, s18;
	[tilespmem:v1+s22+$0x0] =	vst.idx.add.f32.msk $0xffff, v0  }
0x16b: {  	_ =	swait.ge [sflag:s29], $0x2800  }
0x16c: {  	[sflag:s29] =	ssyncset.done $0x0  }
0x16d: {  	[sflag:s29] =	ssyncadd.s32 $0xFFFFD800  }
0x16e: {  	_ =	swait.ge [sflag:s15], $0x2800  }
0x16f: {  	[sflag:s15] =	ssyncset.done $0x0  }
0x170: {  	[sflag:s15] =	ssyncadd.s32 $0xFFFFD800  }
0x171: {  	_ =	swait.ge [sflag:s30], $0x100  }
0x172: {  	[sflag:s30] =	ssyncset.done $0x0  }
0x173: {  	[sflag:s30] =	ssyncadd.s32 $0xFFFFFF00  }
0x174: {  	[tilespmem:s31], [sflag:$0x7] =	stream.indirect.gather [hbm4b:s0+s24], $0x80, s20, s24, $0xb8;
	[tilespmem:$0x1DF80] =	vst v63  }
0x175: {  	s8 =	rddreg [dreg:$0x17]  }
0x176: {  	[tilespmem:s2], [sflag:$0x4] =	stream.linear.gather [hbm4b:s8+s5], $0x100, $0x38;
	[tilespmem:$0x1DF80] =	vst v63  }
0x177: {  	_ = 	snop  }
0x178: {  	[spmem:s4] =	stream.indirect.scatter.add.f32 [tilespmem:s25], [sflag:$0x8], $0x80, s3, s24, $0xb8;
	[tilespmem:$0x1DF80] =	vst v63  }
0x179: {  	v1 =	vld [tilespmem:$0x80];
	_ =	sdelay $0x7  }
0x17a: {  	[tilespmem:v1+s22+$0x0] =	vst.idx.add.f32.msk $0xffff, v0  }
0x17b: {  	v1 =	vld [tilespmem:$0x90];
	_ =	sdelay $0x7  }
0x17c: {  	[tilespmem:v1+s22+$0x0] =	vst.idx.add.f32.msk $0xffff, v0  }
0x17d: {  	v1 =	vld [tilespmem:$0xA0];
	_ =	sdelay $0x7  }
0x17e: {  	[tilespmem:v1+s22+$0x0] =	vst.idx.add.f32.msk $0xffff, v0  }
0x17f: {  	v1 =	vld [tilespmem:$0xB0];
	_ =	sdelay $0x7  }
0x180: {  	[tilespmem:v1+s22+$0x0] =	vst.idx.add.f32.msk $0xffff, v0  }
0x181: {  	v1 =	vld [tilespmem:$0xC0];
	_ =	sdelay $0x7  }
0x182: {  	[tilespmem:v1+s22+$0x0] =	vst.idx.add.f32.msk $0xffff, v0  }
0x183: {  	_ =	swait.ge [sflag:s6], $0x2800  }
0x184: {  	[sflag:s6] =	ssyncset.done $0x0  }
0x185: {  	[sflag:s6] =	ssyncadd.s32 $0xFFFFD800  }
0x186: {  	_ =	swait.ge [sflag:s7], $0x2800  }
0x187: {  	[sflag:s7] =	ssyncset.done $0x0  }
0x188: {  	[sflag:s7] =	ssyncadd.s32 $0xFFFFD800  }
0x189: {  	_ =	swait.ge [sflag:s9], $0x100  }
0x18a: {  	[sflag:s9] =	ssyncset.done $0x0  }
0x18b: {  	[sflag:s9] =	ssyncadd.s32 $0xFFFFFF00  }
0x18c: {  	[tilespmem:s25], [sflag:$0x5] =	stream.indirect.gather [hbm4b:s0+s24], $0x80, s2, s24, $0xb8;
	[tilespmem:$0x1DF80] =	vst v63  }
0x18d: {  	s12 =	rddreg [dreg:$0x18]  }
0x18e: {  	[tilespmem:s5], [sflag:$0x1] =	stream.linear.gather [hbm4b:s12+s5], $0x100, $0x38;
	[tilespmem:$0x1DF80] =	vst v63  }
0x18f: {  	_ = 	snop  }
0x190: {  	[spmem:s4] =	stream.indirect.scatter.add.f32 [tilespmem:s28], [sflag:$0x9], $0x80, s10, s24, $0xb8;
	[tilespmem:$0x1DF80] =	vst v63  }
0x191: {  	v1 =	vld [tilespmem:$0x180];
	_ =	sdelay $0x7  }
0x192: {  	[tilespmem:v1+s22+$0x0] =	vst.idx.add.f32.msk $0xffff, v0  }
0x193: {  	v1 =	vld [tilespmem:$0x190];
	_ =	sdelay $0x7  }
0x194: {  	[tilespmem:v1+s22+$0x0] =	vst.idx.add.f32.msk $0xffff, v0  }
0x195: {  	v1 =	vld [tilespmem:$0x1A0];
	_ =	sdelay $0x7  }
0x196: {  	[tilespmem:v1+s22+$0x0] =	vst.idx.add.f32.msk $0xffff, v0  }
0x197: {  	v1 =	vld [tilespmem:$0x1B0];
	_ =	sdelay $0x7  }
0x198: {  	[tilespmem:v1+s22+$0x0] =	vst.idx.add.f32.msk $0xffff, v0  }
0x199: {  	v1 =	vld [tilespmem:$0x1C0];
	_ =	sdelay $0x7  }
0x19a: {  	[tilespmem:v1+s22+$0x0] =	vst.idx.add.f32.msk $0xffff, v0  }
0x19b: {  	_ =	swait.ge [sflag:s11], $0x2800  }
0x19c: {  	[sflag:s11] =	ssyncset.done $0x0  }
0x19d: {  	[sflag:s11] =	ssyncadd.s32 $0xFFFFD800  }
0x19e: {  	_ =	swait.ge [sflag:s13], $0x2800  }
0x19f: {  	[sflag:s13] =	ssyncset.done $0x0  }
0x1a0: {  	[sflag:s13] =	ssyncadd.s32 $0xFFFFD800  }
0x1a1: {  	_ =	swait.ge [sflag:s23], $0x100  }
0x1a2: {  	[sflag:s23] =	ssyncset.done $0x0  }
0x1a3: {  	[sflag:s23] =	ssyncadd.s32 $0xFFFFFF00  }
0x1a4: {  	[tilespmem:s28], [sflag:$0x6] =	stream.indirect.gather [hbm4b:s0+s24], $0x80, s5, s24, $0xb8;
	[tilespmem:$0x1DF80] =	vst v63  }
0x1a5: {  	_ = 	snop  }
0x1a6: {  	[spmem:s4] =	stream.indirect.scatter.add.f32 [tilespmem:s31], [sflag:$0xA], $0x80, s14, s24, $0xb8;
	[tilespmem:$0x1DF80] =	vst v63  }
0x1a7: {  	v1 =	vld [tilespmem:$0x280];
	_ =	sdelay $0x7  }
0x1a8: {  	[tilespmem:v1+s22+$0x0] =	vst.idx.add.f32.msk $0xffff, v0  }
0x1a9: {  	v1 =	vld [tilespmem:$0x290];
	_ =	sdelay $0x7  }
0x1aa: {  	[tilespmem:v1+s22+$0x0] =	vst.idx.add.f32.msk $0xffff, v0  }
0x1ab: {  	v1 =	vld [tilespmem:$0x2A0];
	_ =	sdelay $0x7  }
0x1ac: {  	[tilespmem:v1+s22+$0x0] =	vst.idx.add.f32.msk $0xffff, v0  }
0x1ad: {  	v1 =	vld [tilespmem:$0x2B0];
	_ =	sdelay $0x7  }
0x1ae: {  	[tilespmem:v1+s22+$0x0] =	vst.idx.add.f32.msk $0xffff, v0  }
0x1af: {  	v1 =	vld [tilespmem:$0x2C0];
	_ =	sdelay $0x7  }
0x1b0: {  	[tilespmem:v1+s22+$0x0] =	vst.idx.add.f32.msk $0xffff, v0  }
0x1b1: {  	_ =	swait.ge [sflag:s29], $0x2800  }
0x1b2: {  	[sflag:s29] =	ssyncset.done $0x0  }
0x1b3: {  	[sflag:s29] =	ssyncadd.s32 $0xFFFFD800  }
0x1b4: {  	_ =	swait.ge [sflag:s15], $0x2800  }
0x1b5: {  	[sflag:s15] =	ssyncset.done $0x0  }
0x1b6: {  	[sflag:s15] =	ssyncadd.s32 $0xFFFFD800  }
0x1b7: {  	[spmem:s4] =	stream.indirect.scatter.add.f32 [tilespmem:s25], [sflag:$0x8], $0x80, s16, s24, $0xb8;
	[tilespmem:$0x1DF80] =	vst v63  }
0x1b8: {  	v1 =	vld [tilespmem:$0x380];
	_ =	sdelay $0x7  }
0x1b9: {  	[tilespmem:v1+s22+$0x0] =	vst.idx.add.f32.msk $0xffff, v0  }
0x1ba: {  	v1 =	vld [tilespmem:$0x390];
	_ =	sdelay $0x7  }
0x1bb: {  	[tilespmem:v1+s22+$0x0] =	vst.idx.add.f32.msk $0xffff, v0  }
0x1bc: {  	v1 =	vld [tilespmem:$0x3A0];
	_ =	sdelay $0x7  }
0x1bd: {  	[tilespmem:v1+s22+$0x0] =	vst.idx.add.f32.msk $0xffff, v0  }
0x1be: {  	v1 =	vld [tilespmem:$0x3B0];
	_ =	sdelay $0x7  }
0x1bf: {  	[tilespmem:v1+s22+$0x0] =	vst.idx.add.f32.msk $0xffff, v0  }
0x1c0: {  	v1 =	vld [tilespmem:$0x3C0];
	_ =	sdelay $0x7  }
0x1c1: {  	[tilespmem:v1+s22+$0x0] =	vst.idx.add.f32.msk $0xffff, v0  }
0x1c2: {  	_ =	swait.ge [sflag:s6], $0x2800  }
0x1c3: {  	[sflag:s6] =	ssyncset.done $0x0  }
0x1c4: {  	[sflag:s6] =	ssyncadd.s32 $0xFFFFD800  }
0x1c5: {  	_ =	swait.ge [sflag:s7], $0x2800  }
0x1c6: {  	[sflag:s7] =	ssyncset.done $0x0  }
0x1c7: {  	[sflag:s7] =	ssyncadd.s32 $0xFFFFD800  }
0x1c8: {  	[spmem:s4] =	stream.indirect.scatter.add.f32 [tilespmem:s28], [sflag:$0x9], $0x80, s3, s24, $0xb8;
	[tilespmem:$0x1DF80] =	vst v63  }
0x1c9: {  	v1 =	vld [tilespmem:$0x80];
	_ =	sdelay $0x7  }
0x1ca: {  	[tilespmem:v1+s22+$0x0] =	vst.idx.add.f32.msk $0xffff, v0  }
0x1cb: {  	v1 =	vld [tilespmem:$0x90];
	_ =	sdelay $0x7  }
0x1cc: {  	[tilespmem:v1+s22+$0x0] =	vst.idx.add.f32.msk $0xffff, v0  }
0x1cd: {  	v1 =	vld [tilespmem:$0xA0];
	_ =	sdelay $0x7  }
0x1ce: {  	[tilespmem:v1+s22+$0x0] =	vst.idx.add.f32.msk $0xffff, v0  }
0x1cf: {  	v1 =	vld [tilespmem:$0xB0];
	_ =	sdelay $0x7  }
0x1d0: {  	[tilespmem:v1+s22+$0x0] =	vst.idx.add.f32.msk $0xffff, v0  }
0x1d1: {  	v1 =	vld [tilespmem:$0xC0];
	_ =	sdelay $0x7  }
0x1d2: {  	[tilespmem:v1+s22+$0x0] =	vst.idx.add.f32.msk $0xffff, v0  }
0x1d3: {  	_ =	swait.ge [sflag:s13], $0x2800  }
0x1d4: {  	[sflag:s13] =	ssyncset.done $0x0  }
0x1d5: {  	[sflag:s13] =	ssyncadd.s32 $0xFFFFD800  }
0x1d6: {  	[bflag:$0x0] =	sbarrier.arrive $0xFFFF  }
0x1d7: {  	s12 =	rddreg [dreg:$0x16]  }
0x1d8: {  	s8 =	rddreg [dreg:$0x19]  }
0x1d9: {  	s18 =	rddreg [dreg:$0x1d]  }
0x1da: {  	[hbm:s8], [sflag:s12] =	dma.local [spmem:s18], $0x2780  }
0x1db: {  	_ =	swait.ge [sflag:s21], $0x2780  }
0x1dc: {  	[sflag:s21] =	ssyncset.done $0x0  }
0x1dd: {  	s18 =	rddreg [dreg:$0x1a];
	[sflag:s21] =	ssyncadd.s32 $0xFFFFD880  }
0x1de: {  	[hbm4b:s18+s5] =	stream.linear.scatter [tilespmem:s22], [sflag:$0xB], $0x2780, $0x38;
	[tilespmem:$0x1DF80] =	vst v63  }
0x1df: {  	_ =	swait.ge [sflag:s21], $0x2780  }
0x1e0: {  	s17 =	sadd.s32 $0x1, s17;
	s18 =	rddreg [dreg:$0x1b]  }
0x1e1: {  	p0 =	sne.s32 s17, s18  }
.Ltmp1:
0x1e2: {  	_ = 	snop;
	(pc) =	sbr.rel @p0 .LBB2_1-.Ltmp1, $3  }
0x1e3: {  	_ =	sdelay $0x1  }
0x1e4: {  	[sflag:s21] =	ssyncset.done $0x0  }
0x1e5: {  	[sflag:s21] =	ssyncadd.s32 $0xFFFFD880  }
0x1e6: {  	_ =	sfence.sel $0x180000  }
0x1e7: {  	[bflag:$0x0] =	sbarrier.arrive $0xFFFF  }
0x1e8: {  	_ =	strace $0x90000047  }
0x1e9: {  	s0 =	stileid.u32;
	[bflag:$0x2] =	sbarrier.arrive $0xFFFF  }
0x1ea: {  	p0 =	sne.s32 s0, $0x0;
	s0 =	rddreg [dreg:$0x4]  }
0x1eb: {  	s0 =	sadd.s32 @!p0 $0x100000, s0  }
0x1ec: {  	[sflag:s0] =	ssyncadd.tile.s32 @!p0 $0x1;
	_ =	shalt  }
.Lfunc_end2:
_tile_overlayer_lowered:
.L_overlay_start_2:
0x1ed: {  	(tag) =	ssettag $0x2  }
0x1ee: {  	s0 =	rddreg [dreg:$0x0];
	s2 =	stileid.u32  }
0x1ef: {  	s1 =	rddreg [dreg:$0x1];
	p0 =	sne.s32 s2, $0x0  }
0x1f0: {  	s3 =	rddreg [dreg:$0x2];
	[bflag:$0x3] =	sbarrier.arrive $0xFFFF;
	s2 =	simm.s32 @!p0 $0x1C0B  }
0x1f1: {  	[timem:s3], [sflag:s2] =	dma.local @!p0 [hbm:s0], s1  }
0x1f2: {  	s0 =	simm.s32 @!p0 $0xB  }
0x1f3: {  	_ =	swait.ge @!p0 [sflag:s0], s1  }
0x1f4: {  	s1 =	ssub.s32 @!p0 $0x0, s1;
	[sflag:s0] =	ssyncset.done @!p0 $0x0  }
0x1f5: {  	[sflag:s0] =	ssyncadd.s32 @!p0 s1  }
0x1f6: {  	[bflag:$0x3] =	sbarrier.arrive $0xFFFF  }
0x1f7: {  	_ =	shalt  }

</sc_bundles>
